<compile_context>
chip_gen: v7x
topology: tpu7x:2x2x1
jax: 0.10.2.dev20260603
libtpu: 0.0.44.dev20260713+nightly
codegen_flags: <defaults>
</compile_context>

<pallas_src>
import functools

import jax
import jax.numpy as jnp
from jax import lax
from jax.experimental import pallas as pl
from jax.experimental.pallas import tpu as pltpu
from jax.experimental.pallas import tpu_sc as plsc

B, C, H, W = 2, 384, 224, 224
HW = H * W
NPIX = B * HW
NWORK = 32
PPW = NPIX // NWORK
L = 16
NG = PPW // L
CSTEP = 8


def _dc_body(f2_hbm, f1_hbm, off_hbm, coord_hbm, boff_hbm, out_hbm,
             offx_v, offy_v, pxv_v, pyv_v, bofftab_v,
             idx_v, corner_v, f1_v, trans_v, out_v, gsems, fsems):
    cid = lax.axis_index("c")
    sid = lax.axis_index("s")
    wid = sid * 2 + cid
    base = wid * PPW
    b = base // HW
    p0w = base - b * HW

    pltpu.sync_copy(off_hbm.at[pl.ds(b * 2 * HW + p0w, PPW)], offx_v)
    pltpu.sync_copy(off_hbm.at[pl.ds(b * 2 * HW + HW + p0w, PPW)], offy_v)
    pltpu.sync_copy(coord_hbm.at[pl.ds(base, PPW)], pxv_v)
    pltpu.sync_copy(coord_hbm.at[pl.ds(NPIX + base, PPW)], pyv_v)
    pltpu.sync_copy(boff_hbm.at[pl.ds(wid * L, L)], bofftab_v)

    iota = lax.iota(jnp.int32, L)
    boffv = bofftab_v[...]

    _gdims = lax.GatherDimensionNumbers(
        offset_dims=(), collapsed_slice_dims=(0,), start_index_map=(0,))

    def lane_splat(vec, isplat):
        return lax.gather(vec, isplat[:, None], _gdims, (1,),
                          mode=lax.GatherScatterMode.PROMISE_IN_BOUNDS)

    def group_geom(g):
        s = pl.ds(g * L, L)
        x = pxv_v[s] + offx_v[s]
        y = pyv_v[s] + offy_v[s]
        xt = x.astype(jnp.int32)
        yt = y.astype(jnp.int32)
        x0 = jnp.where(xt.astype(jnp.float32) > x, xt - 1, xt)
        y0 = jnp.where(yt.astype(jnp.float32) > y, yt - 1, yt)
        wx1 = x - x0.astype(jnp.float32)
        wy1 = y - y0.astype(jnp.float32)
        wx0 = 1.0 - wx1
        wy0 = 1.0 - wy1
        x1 = x0 + 1
        y1 = y0 + 1
        zero = jnp.zeros((L,), jnp.float32)
        wx0 = jnp.where((x0 >= 0) & (x0 < W), wx0, zero)
        wx1 = jnp.where((x1 >= 0) & (x1 < W), wx1, zero)
        wy0 = jnp.where((y0 >= 0) & (y0 < H), wy0, zero)
        wy1 = jnp.where((y1 >= 0) & (y1 < H), wy1, zero)
        cx0 = jnp.minimum(jnp.maximum(x0, 0), W - 1)
        cx1 = jnp.minimum(jnp.maximum(x1, 0), W - 1)
        cy0 = jnp.minimum(jnp.maximum(y0, 0), H - 1)
        cy1 = jnp.minimum(jnp.maximum(y1, 0), H - 1)
        ridx = (cy0 * W + cx0 + boffv, cy0 * W + cx1 + boffv,
                cy1 * W + cx0 + boffv, cy1 * W + cx1 + boffv)
        wts = (wy0 * wx0, wy0 * wx1, wy1 * wx0, wy1 * wx1)
        return ridx, wts

    def copies(g, slot):
        gcopies = [
            pltpu.make_async_copy(
                f2_hbm.at[idx_v[slot][k]], corner_v[slot][k], gsems[slot])
            for k in range(4)
        ]
        fcopy = pltpu.make_async_copy(
            f1_hbm.at[pl.ds(base + g * L, L), :], f1_v[slot], fsems[slot])
        return gcopies, fcopy

    def prefetch(g, slot):
        ridx, _ = group_geom(g)
        for k in range(4):
            idx_v[slot][k][...] = ridx[k]
        gcopies, fcopy = copies(g, slot)
        for cp in gcopies:
            cp.start()
        fcopy.start()

    def compute(g, slot):
        gcopies, fcopy = copies(g, slot)
        for cp in gcopies:
            cp.wait()
        fcopy.wait()
        _, wts = group_geom(g)
        w00, w01, w10, w11 = wts

        c00, c01, c10, c11 = corner_v[slot]
        f1r = f1_v[slot]
        zf = jnp.zeros((L,), jnp.float32)

        def pix_body(i, isplat):
            w00i = lane_splat(w00, isplat)
            w01i = lane_splat(w01, isplat)
            w10i = lane_splat(w10, isplat)
            w11i = lane_splat(w11, isplat)

            def cb_body(cb, accs):
                a0, a1 = accs
                for u in range(CSTEP):
                    s = pl.ds((cb * CSTEP + u) * L, L)
                    v00 = c00[i, s]
                    v01 = c01[i, s]
                    v10 = c10[i, s]
                    v11 = c11[i, s]
                    f1c = f1r[i, s]
                    blend = (v00 * w00i + v01 * w01i) + (v10 * w10i + v11 * w11i)
                    if u % 2 == 0:
                        a0 = a0 + f1c * blend
                    else:
                        a1 = a1 + f1c * blend
                return a0, a1

            a0, a1 = lax.fori_loop(0, C // (L * CSTEP), cb_body, (zf, zf))
            trans_v[i, pl.ds(0, L)] = a0 + a1
            return isplat + 1

        lax.fori_loop(0, L, pix_body, jnp.zeros((L,), jnp.int32))

        cols = [plsc.load_gather(trans_v, [iota, jnp.full((L,), j, jnp.int32)])
                for j in range(L)]
        while len(cols) > 1:
            cols = [cols[k] + cols[k + 1] for k in range(0, len(cols), 2)]
        out_v[pl.ds(g * L, L)] = cols[0]

    prefetch(0, 0)
    prefetch(1, 1)

    def tbody(t, carry):
        for slot in range(2):
            g = t * 2 + slot
            compute(g, slot)
            pl.when(g + 2 < NG)(functools.partial(prefetch, g + 2, slot))
        return carry

    lax.fori_loop(0, NG // 2, tbody, 0)
    pltpu.sync_copy(out_v, out_hbm.at[pl.ds(base, PPW)])


def kernel(feat1, feat2, offset):
    f2t = jnp.transpose(feat2.reshape(B, C, HW), (0, 2, 1)).reshape(NPIX, C)
    f1t = jnp.transpose(feat1.reshape(B, C, HW), (0, 2, 1)).reshape(NPIX, C)
    off = offset.reshape(B * 2 * HW)

    px = jnp.tile(jnp.tile(jnp.arange(W, dtype=jnp.float32), H), B)
    py = jnp.tile(jnp.repeat(jnp.arange(H, dtype=jnp.float32), W), B)
    coord = jnp.concatenate([px, py])
    boff = jnp.repeat(jnp.arange(NWORK, dtype=jnp.int32) // (NWORK // B) * HW, L)

    mesh = plsc.VectorSubcoreMesh(core_axis_name="c", subcore_axis_name="s")
    run = pl.kernel(
        _dc_body,
        mesh=mesh,
        compiler_params=pltpu.CompilerParams(use_tc_tiling_on_sc=False,
                                             needs_layout_passes=False),
        out_type=jax.ShapeDtypeStruct((NPIX,), jnp.float32),
        scratch_types=[
            pltpu.VMEM((PPW,), jnp.float32),
            pltpu.VMEM((PPW,), jnp.float32),
            pltpu.VMEM((PPW,), jnp.float32),
            pltpu.VMEM((PPW,), jnp.float32),
            pltpu.VMEM((L,), jnp.int32),
            [[pltpu.VMEM((L,), jnp.int32)] * 4] * 2,
            [[pltpu.VMEM((L, C), jnp.float32)] * 4] * 2,
            [pltpu.VMEM((L, C), jnp.float32)] * 2,
            pltpu.VMEM((L, L + 1), jnp.float32),
            pltpu.VMEM((PPW,), jnp.float32),
            [pltpu.SemaphoreType.DMA] * 2,
            [pltpu.SemaphoreType.DMA] * 2,
        ],
    )
    out = run(f2t, f1t, off, coord, boff)
    return out.reshape(B, H, W)

# --- scband reference (transcript-rebuilt; emitter-appended) ---
"""Pipeline reference for scband-deformable-correlation-45664092291268 (READ-ONLY COPY).

The authoritative reference and input builder live on the scoring server;
editing this copy changes nothing except your own understanding.
"""

import jax, jax.numpy as jnp
import numpy as np


def setup_inputs(seed: int = 0) -> dict:
    key = jax.random.key(seed)
    k1, k2, k3 = jax.random.split(key, 3)
    B, C, H, W = 2, 384, 224, 224
    feat1 = jax.random.normal(k1, (B, C, H, W), dtype=jnp.float32)
    feat2 = jax.random.normal(k2, (B, C, H, W), dtype=jnp.float32)
    offset = jax.random.normal(k3, (B, 2, H, W), dtype=jnp.float32)
    return {"feat1": feat1, "feat2": feat2, "offset": offset}


def reference(feat1, feat2, offset):
    # Deformable correlation: for each pixel p, bilinearly sample feat2 at
    # p + offset(p) (zero padding outside the image) and dot with feat1(p).
    B, C, H, W = feat1.shape
    xs = jnp.arange(W, dtype=jnp.float32)[None, None, :]
    ys = jnp.arange(H, dtype=jnp.float32)[None, :, None]
    x = xs + offset[:, 0]  # (B,H,W) absolute sample x coords
    y = ys + offset[:, 1]  # (B,H,W) absolute sample y coords

    x0f = jnp.floor(x)
    y0f = jnp.floor(y)
    wx1 = x - x0f
    wx0 = 1.0 - wx1
    wy1 = y - y0f
    wy0 = 1.0 - wy1

    x0 = x0f.astype(jnp.int32)
    y0 = y0f.astype(jnp.int32)
    x1 = x0 + 1
    y1 = y0 + 1

    HW = H * W
    feat2f = feat2.reshape(B, C, HW)

    def gather(ix, iy):
        valid = ((ix >= 0) & (ix < W) & (iy >= 0) & (iy < H)).astype(feat2.dtype)
        idx = (jnp.clip(iy, 0, H - 1) * W + jnp.clip(ix, 0, W - 1)).reshape(B, 1, HW)
        v = jnp.take_along_axis(feat2f, idx, axis=2)  # (B,C,HW)
        return v * valid.reshape(B, 1, HW)

    v00 = gather(x0, y0)
    v01 = gather(x1, y0)
    v10 = gather(x0, y1)
    v11 = gather(x1, y1)

    w00 = (wy0 * wx0).reshape(B, 1, HW)
    w01 = (wy0 * wx1).reshape(B, 1, HW)
    w10 = (wy1 * wx0).reshape(B, 1, HW)
    w11 = (wy1 * wx1).reshape(B, 1, HW)

    sampled = v00 * w00 + v01 * w01 + v10 * w10 + v11 * w11  # (B,C,HW)
    corr = jnp.sum(feat1.reshape(B, C, HW) * sampled, axis=1)  # (B,HW)
    return corr.reshape(B, H, W)

if __name__ == "__main__":
    import jax
    _d = setup_inputs()
    print(jax.jit(kernel)(*tuple(_d.values())))

</pallas_src>

<mosaic_0001>
#map = affine_map<(d0, d1) -> (0, 0)>
#map1 = affine_map<(d0, d1) -> (0)>
module attributes {stable_mosaic.version = 14 : i64} {
  func.func @_dc_body(%arg0: i32, %arg1: i32, %arg2: memref<100352x384xf32, #tpu.memory_space<hbm>>, %arg3: memref<100352x384xf32, #tpu.memory_space<hbm>>, %arg4: memref<200704xf32, #tpu.memory_space<hbm>>, %arg5: memref<200704xf32, #tpu.memory_space<hbm>>, %arg6: memref<512xi32, #tpu.memory_space<hbm>>, %arg7: memref<100352xf32, #tpu.memory_space<hbm>>, %arg8: memref<3136xf32, #tpu.memory_space<vmem>>, %arg9: memref<3136xf32, #tpu.memory_space<vmem>>, %arg10: memref<3136xf32, #tpu.memory_space<vmem>>, %arg11: memref<3136xf32, #tpu.memory_space<vmem>>, %arg12: memref<16xi32, #tpu.memory_space<vmem>>, %arg13: memref<16xi32, #tpu.memory_space<vmem>>, %arg14: memref<16xi32, #tpu.memory_space<vmem>>, %arg15: memref<16xi32, #tpu.memory_space<vmem>>, %arg16: memref<16xi32, #tpu.memory_space<vmem>>, %arg17: memref<16xi32, #tpu.memory_space<vmem>>, %arg18: memref<16xi32, #tpu.memory_space<vmem>>, %arg19: memref<16xi32, #tpu.memory_space<vmem>>, %arg20: memref<16xi32, #tpu.memory_space<vmem>>, %arg21: memref<16x384xf32, #tpu.memory_space<vmem>>, %arg22: memref<16x384xf32, #tpu.memory_space<vmem>>, %arg23: memref<16x384xf32, #tpu.memory_space<vmem>>, %arg24: memref<16x384xf32, #tpu.memory_space<vmem>>, %arg25: memref<16x384xf32, #tpu.memory_space<vmem>>, %arg26: memref<16x384xf32, #tpu.memory_space<vmem>>, %arg27: memref<16x384xf32, #tpu.memory_space<vmem>>, %arg28: memref<16x384xf32, #tpu.memory_space<vmem>>, %arg29: memref<16x384xf32, #tpu.memory_space<vmem>>, %arg30: memref<16x384xf32, #tpu.memory_space<vmem>>, %arg31: memref<16x17xf32, #tpu.memory_space<vmem>>, %arg32: memref<3136xf32, #tpu.memory_space<vmem>>, %arg33: memref<!tpu.dma_semaphore, #tpu.memory_space<semaphore_mem>>, %arg34: memref<!tpu.dma_semaphore, #tpu.memory_space<semaphore_mem>>, %arg35: memref<!tpu.dma_semaphore, #tpu.memory_space<semaphore_mem>>, %arg36: memref<!tpu.dma_semaphore, #tpu.memory_space<semaphore_mem>>) attributes {dimension_semantics = [#tpu.dimension_semantics<core_parallel>, #tpu.dimension_semantics<subcore_parallel>], iteration_bounds = array<i64: 2, 16>, scalar_prefetch = 0 : i64, scratch_operands = 29 : i64, tpu.core_type = #tpu.core_type<sc_vector_subcore>, window_params = [{transform_indices = #map}, {transform_indices = #map}, {transform_indices = #map1}, {transform_indices = #map1}, {transform_indices = #map1}, {transform_indices = #map1}]} {
    %mul3A = arith.constant 2 : i32
    %mul3A_0 = arith.muli %arg1, %mul3A : i32
    %add3A = arith.addi %mul3A_0, %arg0 : i32
    %mul3A_1 = arith.constant 3136 : i32
    %mul3A_2 = arith.muli %add3A, %mul3A_1 : i32
    %jit3A = arith.constant 50176 : i32
    %div3A = arith.divsi %mul3A_2, %jit3A : i32
    %sign3A = arith.constant 0 : i32
    %sign3A_3 = arith.cmpi sgt, %mul3A_2, %sign3A : i32
    %sign3A_4 = arith.extui %sign3A_3 : i1 to i32
    %sign3A_5 = arith.constant 0 : i32
    %sign3A_6 = arith.cmpi slt, %mul3A_2, %sign3A_5 : i32
    %sign3A_7 = arith.extui %sign3A_6 : i1 to i32
    %sign3A_8 = arith.subi %sign3A_4, %sign3A_7 : i32
    %sign3A_9 = arith.constant 0 : i32
    %sign3A_10 = arith.cmpi sgt, %jit3A, %sign3A_9 : i32
    %sign3A_11 = arith.extui %sign3A_10 : i1 to i32
    %sign3A_12 = arith.constant 0 : i32
    %sign3A_13 = arith.cmpi slt, %jit3A, %sign3A_12 : i32
    %sign3A_14 = arith.extui %sign3A_13 : i1 to i32
    %sign3A_15 = arith.subi %sign3A_11, %sign3A_14 : i32
    %ne3A = arith.cmpi ne, %sign3A_8, %sign3A_15 : i32
    %rem3A = arith.remsi %mul3A_2, %jit3A : i32
    %ne3A_16 = arith.constant 0 : i32
    %ne3A_17 = arith.cmpi ne, %rem3A, %ne3A_16 : i32
    %and3A = arith.andi %ne3A, %ne3A_17 : i1
    %sub3A = arith.constant 1 : i32
    %sub3A_18 = arith.subi %div3A, %sub3A : i32
    %select_n3A = arith.select %and3A, %sub3A_18, %div3A : i32
    %mul3A_19 = arith.constant 50176 : i32
    %mul3A_20 = arith.muli %select_n3A, %mul3A_19 : i32
    %sub3A_21 = arith.subi %mul3A_2, %mul3A_20 : i32
    %mul3A_22 = arith.constant 2 : i32
    %mul3A_23 = arith.muli %select_n3A, %mul3A_22 : i32
    %mul3A_24 = arith.constant 50176 : i32
    %mul3A_25 = arith.muli %mul3A_23, %mul3A_24 : i32
    %add3A_26 = arith.addi %mul3A_25, %sub3A_21 : i32
    "tpu.region"() ({
      %run_scoped3A = tpu.sem_alloc : memref<!tpu.dma_semaphore, #tpu.memory_space<semaphore_mem>>
      %dma_start3A_331 = tpu.memref_slice %arg4[%add3A_26] : memref<200704xf32, #tpu.memory_space<hbm>> -> memref<3136xf32, #tpu.memory_space<hbm>>
      %dma_start3A_332 = tpu.memref_slice %arg4[%add3A_26] : memref<200704xf32, #tpu.memory_space<hbm>> -> memref<3136xf32, #tpu.memory_space<hbm>>
      tpu.enqueue_dma source(%dma_start3A_332 : memref<3136xf32, #tpu.memory_space<hbm>>) target(%arg8 : memref<3136xf32, #tpu.memory_space<vmem>>) target_semaphore(%run_scoped3A : memref<!tpu.dma_semaphore, #tpu.memory_space<semaphore_mem>>)
      %dma_wait3A = tpu.memref_slice %arg4[%add3A_26] : memref<200704xf32, #tpu.memory_space<hbm>> -> memref<3136xf32, #tpu.memory_space<hbm>>
      %dma_wait3A_333 = tpu.memref_slice %arg4[%add3A_26] : memref<200704xf32, #tpu.memory_space<hbm>> -> memref<3136xf32, #tpu.memory_space<hbm>>
      tpu.wait_dma2 semaphore(%run_scoped3A : memref<!tpu.dma_semaphore, #tpu.memory_space<semaphore_mem>>) src(%dma_wait3A_333 : memref<3136xf32, #tpu.memory_space<hbm>>) dst(%arg8 : memref<3136xf32, #tpu.memory_space<vmem>>)
      tpu.yield
    }) : () -> ()
    %mul3A_27 = arith.constant 2 : i32
    %mul3A_28 = arith.muli %select_n3A, %mul3A_27 : i32
    %mul3A_29 = arith.constant 50176 : i32
    %mul3A_30 = arith.muli %mul3A_28, %mul3A_29 : i32
    %add3A_31 = arith.constant 50176 : i32
    %add3A_32 = arith.addi %mul3A_30, %add3A_31 : i32
    %add3A_33 = arith.addi %add3A_32, %sub3A_21 : i32
    "tpu.region"() ({
      %run_scoped3A = tpu.sem_alloc : memref<!tpu.dma_semaphore, #tpu.memory_space<semaphore_mem>>
      %dma_start3A_331 = tpu.memref_slice %arg4[%add3A_33] : memref<200704xf32, #tpu.memory_space<hbm>> -> memref<3136xf32, #tpu.memory_space<hbm>>
      %dma_start3A_332 = tpu.memref_slice %arg4[%add3A_33] : memref<200704xf32, #tpu.memory_space<hbm>> -> memref<3136xf32, #tpu.memory_space<hbm>>
      tpu.enqueue_dma source(%dma_start3A_332 : memref<3136xf32, #tpu.memory_space<hbm>>) target(%arg9 : memref<3136xf32, #tpu.memory_space<vmem>>) target_semaphore(%run_scoped3A : memref<!tpu.dma_semaphore, #tpu.memory_space<semaphore_mem>>)
      %dma_wait3A = tpu.memref_slice %arg4[%add3A_33] : memref<200704xf32, #tpu.memory_space<hbm>> -> memref<3136xf32, #tpu.memory_space<hbm>>
      %dma_wait3A_333 = tpu.memref_slice %arg4[%add3A_33] : memref<200704xf32, #tpu.memory_space<hbm>> -> memref<3136xf32, #tpu.memory_space<hbm>>
      tpu.wait_dma2 semaphore(%run_scoped3A : memref<!tpu.dma_semaphore, #tpu.memory_space<semaphore_mem>>) src(%dma_wait3A_333 : memref<3136xf32, #tpu.memory_space<hbm>>) dst(%arg9 : memref<3136xf32, #tpu.memory_space<vmem>>)
      tpu.yield
    }) : () -> ()
    "tpu.region"() ({
      %run_scoped3A = tpu.sem_alloc : memref<!tpu.dma_semaphore, #tpu.memory_space<semaphore_mem>>
      %dma_start3A_331 = tpu.memref_slice %arg5[%mul3A_2] : memref<200704xf32, #tpu.memory_space<hbm>> -> memref<3136xf32, #tpu.memory_space<hbm>>
      %dma_start3A_332 = tpu.memref_slice %arg5[%mul3A_2] : memref<200704xf32, #tpu.memory_space<hbm>> -> memref<3136xf32, #tpu.memory_space<hbm>>
      tpu.enqueue_dma source(%dma_start3A_332 : memref<3136xf32, #tpu.memory_space<hbm>>) target(%arg10 : memref<3136xf32, #tpu.memory_space<vmem>>) target_semaphore(%run_scoped3A : memref<!tpu.dma_semaphore, #tpu.memory_space<semaphore_mem>>)
      %dma_wait3A = tpu.memref_slice %arg5[%mul3A_2] : memref<200704xf32, #tpu.memory_space<hbm>> -> memref<3136xf32, #tpu.memory_space<hbm>>
      %dma_wait3A_333 = tpu.memref_slice %arg5[%mul3A_2] : memref<200704xf32, #tpu.memory_space<hbm>> -> memref<3136xf32, #tpu.memory_space<hbm>>
      tpu.wait_dma2 semaphore(%run_scoped3A : memref<!tpu.dma_semaphore, #tpu.memory_space<semaphore_mem>>) src(%dma_wait3A_333 : memref<3136xf32, #tpu.memory_space<hbm>>) dst(%arg10 : memref<3136xf32, #tpu.memory_space<vmem>>)
      tpu.yield
    }) : () -> ()
    %add3A_34 = arith.constant 100352 : i32
    %add3A_35 = arith.addi %add3A_34, %mul3A_2 : i32
    "tpu.region"() ({
      %run_scoped3A = tpu.sem_alloc : memref<!tpu.dma_semaphore, #tpu.memory_space<semaphore_mem>>
      %dma_start3A_331 = tpu.memref_slice %arg5[%add3A_35] : memref<200704xf32, #tpu.memory_space<hbm>> -> memref<3136xf32, #tpu.memory_space<hbm>>
      %dma_start3A_332 = tpu.memref_slice %arg5[%add3A_35] : memref<200704xf32, #tpu.memory_space<hbm>> -> memref<3136xf32, #tpu.memory_space<hbm>>
      tpu.enqueue_dma source(%dma_start3A_332 : memref<3136xf32, #tpu.memory_space<hbm>>) target(%arg11 : memref<3136xf32, #tpu.memory_space<vmem>>) target_semaphore(%run_scoped3A : memref<!tpu.dma_semaphore, #tpu.memory_space<semaphore_mem>>)
      %dma_wait3A = tpu.memref_slice %arg5[%add3A_35] : memref<200704xf32, #tpu.memory_space<hbm>> -> memref<3136xf32, #tpu.memory_space<hbm>>
      %dma_wait3A_333 = tpu.memref_slice %arg5[%add3A_35] : memref<200704xf32, #tpu.memory_space<hbm>> -> memref<3136xf32, #tpu.memory_space<hbm>>
      tpu.wait_dma2 semaphore(%run_scoped3A : memref<!tpu.dma_semaphore, #tpu.memory_space<semaphore_mem>>) src(%dma_wait3A_333 : memref<3136xf32, #tpu.memory_space<hbm>>) dst(%arg11 : memref<3136xf32, #tpu.memory_space<vmem>>)
      tpu.yield
    }) : () -> ()
    %mul3A_36 = arith.constant 16 : i32
    %mul3A_37 = arith.muli %add3A, %mul3A_36 : i32
    "tpu.region"() ({
      %run_scoped3A = tpu.sem_alloc : memref<!tpu.dma_semaphore, #tpu.memory_space<semaphore_mem>>
      %dma_start3A_331 = tpu.memref_slice %arg6[%mul3A_37] : memref<512xi32, #tpu.memory_space<hbm>> -> memref<16xi32, #tpu.memory_space<hbm>>
      %dma_start3A_332 = tpu.memref_slice %arg6[%mul3A_37] : memref<512xi32, #tpu.memory_space<hbm>> -> memref<16xi32, #tpu.memory_space<hbm>>
      tpu.enqueue_dma source(%dma_start3A_332 : memref<16xi32, #tpu.memory_space<hbm>>) target(%arg12 : memref<16xi32, #tpu.memory_space<vmem>>) target_semaphore(%run_scoped3A : memref<!tpu.dma_semaphore, #tpu.memory_space<semaphore_mem>>)
      %dma_wait3A = tpu.memref_slice %arg6[%mul3A_37] : memref<512xi32, #tpu.memory_space<hbm>> -> memref<16xi32, #tpu.memory_space<hbm>>
      %dma_wait3A_333 = tpu.memref_slice %arg6[%mul3A_37] : memref<512xi32, #tpu.memory_space<hbm>> -> memref<16xi32, #tpu.memory_space<hbm>>
      tpu.wait_dma2 semaphore(%run_scoped3A : memref<!tpu.dma_semaphore, #tpu.memory_space<semaphore_mem>>) src(%dma_wait3A_333 : memref<16xi32, #tpu.memory_space<hbm>>) dst(%arg12 : memref<16xi32, #tpu.memory_space<vmem>>)
      tpu.yield
    }) : () -> ()
    %iota3A = tpu.iota {dimensions = array<i32: 0>} : vector<16xi32>
    %get3A = arith.constant 0 : index
    %get3A_38 = tpu.vector_load %arg12[%get3A] {strides = array<i32>} : memref<16xi32, #tpu.memory_space<vmem>>, vector<16xi32>,
    %get3A_39 = arith.constant 0 : index
    %get3A_40 = tpu.vector_load %arg10[%get3A_39] {strides = array<i32>} : memref<3136xf32, #tpu.memory_space<vmem>>, vector<16xf32>,
    %get3A_41 = arith.constant 0 : index
    %get3A_42 = tpu.vector_load %arg8[%get3A_41] {strides = array<i32>} : memref<3136xf32, #tpu.memory_space<vmem>>, vector<16xf32>,
    %add3A_43 = arith.addf %get3A_40, %get3A_42 : vector<16xf32>
    %get3A_44 = arith.constant 0 : index
    %get3A_45 = tpu.vector_load %arg11[%get3A_44] {strides = array<i32>} : memref<3136xf32, #tpu.memory_space<vmem>>, vector<16xf32>,
    %get3A_46 = arith.constant 0 : index
    %get3A_47 = tpu.vector_load %arg9[%get3A_46] {strides = array<i32>} : memref<3136xf32, #tpu.memory_space<vmem>>, vector<16xf32>,
    %add3A_48 = arith.addf %get3A_45, %get3A_47 : vector<16xf32>
    %convert_element_type3A = arith.fptosi %add3A_43 : vector<16xf32> to vector<16xi32>
    %convert_element_type3A_49 = arith.fptosi %add3A_48 : vector<16xf32> to vector<16xi32>
    %convert_element_type3A_50 = arith.sitofp %convert_element_type3A : vector<16xi32> to vector<16xf32>
    %gt3A = arith.cmpf ogt, %convert_element_type3A_50, %add3A_43 : vector<16xf32>
    %sub3A_51 = arith.constant 1 : i32
    %sub3A_52 = vector.broadcast %sub3A_51 : i32 to vector<16xi32>
    %sub3A_53 = arith.subi %convert_element_type3A, %sub3A_52 : vector<16xi32>
    %select_n3A_54 = arith.select %gt3A, %sub3A_53, %convert_element_type3A : vector<16xi1>, vector<16xi32>
    %convert_element_type3A_55 = arith.sitofp %convert_element_type3A_49 : vector<16xi32> to vector<16xf32>
    %gt3A_56 = arith.cmpf ogt, %convert_element_type3A_55, %add3A_48 : vector<16xf32>
    %sub3A_57 = arith.constant 1 : i32
    %sub3A_58 = vector.broadcast %sub3A_57 : i32 to vector<16xi32>
    %sub3A_59 = arith.subi %convert_element_type3A_49, %sub3A_58 : vector<16xi32>
    %select_n3A_60 = arith.select %gt3A_56, %sub3A_59, %convert_element_type3A_49 : vector<16xi1>, vector<16xi32>
    %convert_element_type3A_61 = arith.sitofp %select_n3A_54 : vector<16xi32> to vector<16xf32>
    %sub3A_62 = arith.subf %add3A_43, %convert_element_type3A_61 : vector<16xf32>
    %convert_element_type3A_63 = arith.sitofp %select_n3A_60 : vector<16xi32> to vector<16xf32>
    %sub3A_64 = arith.subf %add3A_48, %convert_element_type3A_63 : vector<16xf32>
    %sub3A_65 = arith.constant 1.000000e+00 : f32
    %sub3A_66 = vector.broadcast %sub3A_65 : f32 to vector<16xf32>
    %sub3A_67 = arith.subf %sub3A_66, %sub3A_62 : vector<16xf32>
    %sub3A_68 = arith.constant 1.000000e+00 : f32
    %sub3A_69 = vector.broadcast %sub3A_68 : f32 to vector<16xf32>
    %sub3A_70 = arith.subf %sub3A_69, %sub3A_64 : vector<16xf32>
    %add3A_71 = arith.constant 1 : i32
    %add3A_72 = vector.broadcast %add3A_71 : i32 to vector<16xi32>
    %add3A_73 = arith.addi %select_n3A_54, %add3A_72 : vector<16xi32>
    %add3A_74 = arith.constant 1 : i32
    %add3A_75 = vector.broadcast %add3A_74 : i32 to vector<16xi32>
    %add3A_76 = arith.addi %select_n3A_60, %add3A_75 : vector<16xi32>
    %broadcast_in_dim3A = arith.constant 0.000000e+00 : f32
    %broadcast_in_dim3A_77 = vector.broadcast %broadcast_in_dim3A : f32 to vector<16xf32>
    %ge3A = arith.constant 0 : i32
    %ge3A_78 = vector.broadcast %ge3A : i32 to vector<16xi32>
    %ge3A_79 = arith.cmpi sge, %select_n3A_54, %ge3A_78 : vector<16xi32>
    %lt3A = arith.constant 224 : i32
    %lt3A_80 = vector.broadcast %lt3A : i32 to vector<16xi32>
    %lt3A_81 = arith.cmpi slt, %select_n3A_54, %lt3A_80 : vector<16xi32>
    %and3A_82 = arith.andi %ge3A_79, %lt3A_81 : vector<16xi1>
    %select_n3A_83 = arith.select %and3A_82, %sub3A_67, %broadcast_in_dim3A_77 : vector<16xi1>, vector<16xf32>
    %ge3A_84 = arith.constant 0 : i32
    %ge3A_85 = vector.broadcast %ge3A_84 : i32 to vector<16xi32>
    %ge3A_86 = arith.cmpi sge, %add3A_73, %ge3A_85 : vector<16xi32>
    %lt3A_87 = arith.constant 224 : i32
    %lt3A_88 = vector.broadcast %lt3A_87 : i32 to vector<16xi32>
    %lt3A_89 = arith.cmpi slt, %add3A_73, %lt3A_88 : vector<16xi32>
    %and3A_90 = arith.andi %ge3A_86, %lt3A_89 : vector<16xi1>
    %select_n3A_91 = arith.select %and3A_90, %sub3A_62, %broadcast_in_dim3A_77 : vector<16xi1>, vector<16xf32>
    %ge3A_92 = arith.constant 0 : i32
    %ge3A_93 = vector.broadcast %ge3A_92 : i32 to vector<16xi32>
    %ge3A_94 = arith.cmpi sge, %select_n3A_60, %ge3A_93 : vector<16xi32>
    %lt3A_95 = arith.constant 224 : i32
    %lt3A_96 = vector.broadcast %lt3A_95 : i32 to vector<16xi32>
    %lt3A_97 = arith.cmpi slt, %select_n3A_60, %lt3A_96 : vector<16xi32>
    %and3A_98 = arith.andi %ge3A_94, %lt3A_97 : vector<16xi1>
    %select_n3A_99 = arith.select %and3A_98, %sub3A_70, %broadcast_in_dim3A_77 : vector<16xi1>, vector<16xf32>
    %ge3A_100 = arith.constant 0 : i32
    %ge3A_101 = vector.broadcast %ge3A_100 : i32 to vector<16xi32>
    %ge3A_102 = arith.cmpi sge, %add3A_76, %ge3A_101 : vector<16xi32>
    %lt3A_103 = arith.constant 224 : i32
    %lt3A_104 = vector.broadcast %lt3A_103 : i32 to vector<16xi32>
    %lt3A_105 = arith.cmpi slt, %add3A_76, %lt3A_104 : vector<16xi32>
    %and3A_106 = arith.andi %ge3A_102, %lt3A_105 : vector<16xi1>
    %select_n3A_107 = arith.select %and3A_106, %sub3A_64, %broadcast_in_dim3A_77 : vector<16xi1>, vector<16xf32>
    %max3A = arith.constant 0 : i32
    %max3A_108 = vector.broadcast %max3A : i32 to vector<16xi32>
    %max3A_109 = arith.maxsi %select_n3A_54, %max3A_108 : vector<16xi32>
    %min3A = arith.constant 223 : i32
    %min3A_110 = vector.broadcast %min3A : i32 to vector<16xi32>
    %min3A_111 = arith.minsi %max3A_109, %min3A_110 : vector<16xi32>
    %max3A_112 = arith.constant 0 : i32
    %max3A_113 = vector.broadcast %max3A_112 : i32 to vector<16xi32>
    %max3A_114 = arith.maxsi %add3A_73, %max3A_113 : vector<16xi32>
    %min3A_115 = arith.constant 223 : i32
    %min3A_116 = vector.broadcast %min3A_115 : i32 to vector<16xi32>
    %min3A_117 = arith.minsi %max3A_114, %min3A_116 : vector<16xi32>
    %max3A_118 = arith.constant 0 : i32
    %max3A_119 = vector.broadcast %max3A_118 : i32 to vector<16xi32>
    %max3A_120 = arith.maxsi %select_n3A_60, %max3A_119 : vector<16xi32>
    %min3A_121 = arith.constant 223 : i32
    %min3A_122 = vector.broadcast %min3A_121 : i32 to vector<16xi32>
    %min3A_123 = arith.minsi %max3A_120, %min3A_122 : vector<16xi32>
    %max3A_124 = arith.constant 0 : i32
    %max3A_125 = vector.broadcast %max3A_124 : i32 to vector<16xi32>
    %max3A_126 = arith.maxsi %add3A_76, %max3A_125 : vector<16xi32>
    %min3A_127 = arith.constant 223 : i32
    %min3A_128 = vector.broadcast %min3A_127 : i32 to vector<16xi32>
    %min3A_129 = arith.minsi %max3A_126, %min3A_128 : vector<16xi32>
    %mul3A_130 = arith.constant 224 : i32
    %mul3A_131 = vector.broadcast %mul3A_130 : i32 to vector<16xi32>
    %mul3A_132 = arith.muli %min3A_123, %mul3A_131 : vector<16xi32>
    %add3A_133 = arith.addi %mul3A_132, %min3A_111 : vector<16xi32>
    %add3A_134 = arith.addi %add3A_133, %get3A_38 : vector<16xi32>
    %mul3A_135 = arith.constant 224 : i32
    %mul3A_136 = vector.broadcast %mul3A_135 : i32 to vector<16xi32>
    %mul3A_137 = arith.muli %min3A_123, %mul3A_136 : vector<16xi32>
    %add3A_138 = arith.addi %mul3A_137, %min3A_117 : vector<16xi32>
    %add3A_139 = arith.addi %add3A_138, %get3A_38 : vector<16xi32>
    %mul3A_140 = arith.constant 224 : i32
    %mul3A_141 = vector.broadcast %mul3A_140 : i32 to vector<16xi32>
    %mul3A_142 = arith.muli %min3A_129, %mul3A_141 : vector<16xi32>
    %add3A_143 = arith.addi %mul3A_142, %min3A_111 : vector<16xi32>
    %add3A_144 = arith.addi %add3A_143, %get3A_38 : vector<16xi32>
    %mul3A_145 = arith.constant 224 : i32
    %mul3A_146 = vector.broadcast %mul3A_145 : i32 to vector<16xi32>
    %mul3A_147 = arith.muli %min3A_129, %mul3A_146 : vector<16xi32>
    %add3A_148 = arith.addi %mul3A_147, %min3A_117 : vector<16xi32>
    %add3A_149 = arith.addi %add3A_148, %get3A_38 : vector<16xi32>
    %mul3A_150 = arith.mulf %select_n3A_99, %select_n3A_83 : vector<16xf32>
    %mul3A_151 = arith.mulf %select_n3A_99, %select_n3A_91 : vector<16xf32>
    %mul3A_152 = arith.mulf %select_n3A_107, %select_n3A_83 : vector<16xf32>
    %mul3A_153 = arith.mulf %select_n3A_107, %select_n3A_91 : vector<16xf32>
    %swap3A = arith.constant 0 : index
    %swap3A_154 = tpu.vector_load %arg13[%swap3A] {strides = array<i32>} : memref<16xi32, #tpu.memory_space<vmem>>, vector<16xi32>,
    tpu.vector_store %arg13[%swap3A], %add3A_134 {strides = array<i32>} : memref<16xi32, #tpu.memory_space<vmem>>, vector<16xi32>,
    %swap3A_155 = arith.constant 0 : index
    %swap3A_156 = tpu.vector_load %arg14[%swap3A_155] {strides = array<i32>} : memref<16xi32, #tpu.memory_space<vmem>>, vector<16xi32>,
    tpu.vector_store %arg14[%swap3A_155], %add3A_139 {strides = array<i32>} : memref<16xi32, #tpu.memory_space<vmem>>, vector<16xi32>,
    %swap3A_157 = arith.constant 0 : index
    %swap3A_158 = tpu.vector_load %arg15[%swap3A_157] {strides = array<i32>} : memref<16xi32, #tpu.memory_space<vmem>>, vector<16xi32>,
    tpu.vector_store %arg15[%swap3A_157], %add3A_144 {strides = array<i32>} : memref<16xi32, #tpu.memory_space<vmem>>, vector<16xi32>,
    %swap3A_159 = arith.constant 0 : index
    %swap3A_160 = tpu.vector_load %arg16[%swap3A_159] {strides = array<i32>} : memref<16xi32, #tpu.memory_space<vmem>>, vector<16xi32>,
    tpu.vector_store %arg16[%swap3A_159], %add3A_149 {strides = array<i32>} : memref<16xi32, #tpu.memory_space<vmem>>, vector<16xi32>,
    %add3A_161 = arith.constant 0 : i32
    %add3A_162 = arith.addi %mul3A_2, %add3A_161 : i32
    %dma_start3A = arith.constant 0 : i32
    %dma_start3A_163 = arith.constant 0 : i32
    %dma_start3A_164 = tpu.memref_slice %arg2[%dma_start3A, %dma_start3A_163] : memref<100352x384xf32, #tpu.memory_space<hbm>> -> memref<100352x384xf32, #tpu.memory_space<hbm>>
    tpu.enqueue_indirect_dma source(%dma_start3A_164 : memref<100352x384xf32, #tpu.memory_space<hbm>>) target(%arg21 : memref<16x384xf32, #tpu.memory_space<vmem>>) offsets(%arg13 : memref<16xi32, #tpu.memory_space<vmem>>) semaphore(%arg33 : memref<!tpu.dma_semaphore, #tpu.memory_space<semaphore_mem>>)
    %dma_start3A_165 = arith.constant 0 : i32
    %dma_start3A_166 = arith.constant 0 : i32
    %dma_start3A_167 = tpu.memref_slice %arg2[%dma_start3A_165, %dma_start3A_166] : memref<100352x384xf32, #tpu.memory_space<hbm>> -> memref<100352x384xf32, #tpu.memory_space<hbm>>
    tpu.enqueue_indirect_dma source(%dma_start3A_167 : memref<100352x384xf32, #tpu.memory_space<hbm>>) target(%arg22 : memref<16x384xf32, #tpu.memory_space<vmem>>) offsets(%arg14 : memref<16xi32, #tpu.memory_space<vmem>>) semaphore(%arg33 : memref<!tpu.dma_semaphore, #tpu.memory_space<semaphore_mem>>)
    %dma_start3A_168 = arith.constant 0 : i32
    %dma_start3A_169 = arith.constant 0 : i32
    %dma_start3A_170 = tpu.memref_slice %arg2[%dma_start3A_168, %dma_start3A_169] : memref<100352x384xf32, #tpu.memory_space<hbm>> -> memref<100352x384xf32, #tpu.memory_space<hbm>>
    tpu.enqueue_indirect_dma source(%dma_start3A_170 : memref<100352x384xf32, #tpu.memory_space<hbm>>) target(%arg23 : memref<16x384xf32, #tpu.memory_space<vmem>>) offsets(%arg15 : memref<16xi32, #tpu.memory_space<vmem>>) semaphore(%arg33 : memref<!tpu.dma_semaphore, #tpu.memory_space<semaphore_mem>>)
    %dma_start3A_171 = arith.constant 0 : i32
    %dma_start3A_172 = arith.constant 0 : i32
    %dma_start3A_173 = tpu.memref_slice %arg2[%dma_start3A_171, %dma_start3A_172] : memref<100352x384xf32, #tpu.memory_space<hbm>> -> memref<100352x384xf32, #tpu.memory_space<hbm>>
    tpu.enqueue_indirect_dma source(%dma_start3A_173 : memref<100352x384xf32, #tpu.memory_space<hbm>>) target(%arg24 : memref<16x384xf32, #tpu.memory_space<vmem>>) offsets(%arg16 : memref<16xi32, #tpu.memory_space<vmem>>) semaphore(%arg33 : memref<!tpu.dma_semaphore, #tpu.memory_space<semaphore_mem>>)
    %dma_start3A_174 = arith.constant 0 : i32
    %dma_start3A_175 = tpu.memref_slice %arg3[%add3A_162, %dma_start3A_174] : memref<100352x384xf32, #tpu.memory_space<hbm>> -> memref<16x384xf32, #tpu.memory_space<hbm>>
    %dma_start3A_176 = arith.constant 0 : i32
    %dma_start3A_177 = tpu.memref_slice %arg3[%add3A_162, %dma_start3A_176] : memref<100352x384xf32, #tpu.memory_space<hbm>> -> memref<16x384xf32, #tpu.memory_space<hbm>>
    tpu.enqueue_dma source(%dma_start3A_177 : memref<16x384xf32, #tpu.memory_space<hbm>>) target(%arg29 : memref<16x384xf32, #tpu.memory_space<vmem>>) target_semaphore(%arg35 : memref<!tpu.dma_semaphore, #tpu.memory_space<semaphore_mem>>)
    %get3A_178 = arith.constant 16 : index
    %get3A_179 = tpu.vector_load %arg10[%get3A_178] {strides = array<i32>} : memref<3136xf32, #tpu.memory_space<vmem>>, vector<16xf32>,
    %get3A_180 = arith.constant 16 : index
    %get3A_181 = tpu.vector_load %arg8[%get3A_180] {strides = array<i32>} : memref<3136xf32, #tpu.memory_space<vmem>>, vector<16xf32>,
    %add3A_182 = arith.addf %get3A_179, %get3A_181 : vector<16xf32>
    %get3A_183 = arith.constant 16 : index
    %get3A_184 = tpu.vector_load %arg11[%get3A_183] {strides = array<i32>} : memref<3136xf32, #tpu.memory_space<vmem>>, vector<16xf32>,
    %get3A_185 = arith.constant 16 : index
    %get3A_186 = tpu.vector_load %arg9[%get3A_185] {strides = array<i32>} : memref<3136xf32, #tpu.memory_space<vmem>>, vector<16xf32>,
    %add3A_187 = arith.addf %get3A_184, %get3A_186 : vector<16xf32>
    %convert_element_type3A_188 = arith.fptosi %add3A_182 : vector<16xf32> to vector<16xi32>
    %convert_element_type3A_189 = arith.fptosi %add3A_187 : vector<16xf32> to vector<16xi32>
    %convert_element_type3A_190 = arith.sitofp %convert_element_type3A_188 : vector<16xi32> to vector<16xf32>
    %gt3A_191 = arith.cmpf ogt, %convert_element_type3A_190, %add3A_182 : vector<16xf32>
    %sub3A_192 = arith.constant 1 : i32
    %sub3A_193 = vector.broadcast %sub3A_192 : i32 to vector<16xi32>
    %sub3A_194 = arith.subi %convert_element_type3A_188, %sub3A_193 : vector<16xi32>
    %select_n3A_195 = arith.select %gt3A_191, %sub3A_194, %convert_element_type3A_188 : vector<16xi1>, vector<16xi32>
    %convert_element_type3A_196 = arith.sitofp %convert_element_type3A_189 : vector<16xi32> to vector<16xf32>
    %gt3A_197 = arith.cmpf ogt, %convert_element_type3A_196, %add3A_187 : vector<16xf32>
    %sub3A_198 = arith.constant 1 : i32
    %sub3A_199 = vector.broadcast %sub3A_198 : i32 to vector<16xi32>
    %sub3A_200 = arith.subi %convert_element_type3A_189, %sub3A_199 : vector<16xi32>
    %select_n3A_201 = arith.select %gt3A_197, %sub3A_200, %convert_element_type3A_189 : vector<16xi1>, vector<16xi32>
    %convert_element_type3A_202 = arith.sitofp %select_n3A_195 : vector<16xi32> to vector<16xf32>
    %sub3A_203 = arith.subf %add3A_182, %convert_element_type3A_202 : vector<16xf32>
    %convert_element_type3A_204 = arith.sitofp %select_n3A_201 : vector<16xi32> to vector<16xf32>
    %sub3A_205 = arith.subf %add3A_187, %convert_element_type3A_204 : vector<16xf32>
    %sub3A_206 = arith.constant 1.000000e+00 : f32
    %sub3A_207 = vector.broadcast %sub3A_206 : f32 to vector<16xf32>
    %sub3A_208 = arith.subf %sub3A_207, %sub3A_203 : vector<16xf32>
    %sub3A_209 = arith.constant 1.000000e+00 : f32
    %sub3A_210 = vector.broadcast %sub3A_209 : f32 to vector<16xf32>
    %sub3A_211 = arith.subf %sub3A_210, %sub3A_205 : vector<16xf32>
    %add3A_212 = arith.constant 1 : i32
    %add3A_213 = vector.broadcast %add3A_212 : i32 to vector<16xi32>
    %add3A_214 = arith.addi %select_n3A_195, %add3A_213 : vector<16xi32>
    %add3A_215 = arith.constant 1 : i32
    %add3A_216 = vector.broadcast %add3A_215 : i32 to vector<16xi32>
    %add3A_217 = arith.addi %select_n3A_201, %add3A_216 : vector<16xi32>
    %broadcast_in_dim3A_218 = arith.constant 0.000000e+00 : f32
    %broadcast_in_dim3A_219 = vector.broadcast %broadcast_in_dim3A_218 : f32 to vector<16xf32>
    %ge3A_220 = arith.constant 0 : i32
    %ge3A_221 = vector.broadcast %ge3A_220 : i32 to vector<16xi32>
    %ge3A_222 = arith.cmpi sge, %select_n3A_195, %ge3A_221 : vector<16xi32>
    %lt3A_223 = arith.constant 224 : i32
    %lt3A_224 = vector.broadcast %lt3A_223 : i32 to vector<16xi32>
    %lt3A_225 = arith.cmpi slt, %select_n3A_195, %lt3A_224 : vector<16xi32>
    %and3A_226 = arith.andi %ge3A_222, %lt3A_225 : vector<16xi1>
    %select_n3A_227 = arith.select %and3A_226, %sub3A_208, %broadcast_in_dim3A_219 : vector<16xi1>, vector<16xf32>
    %ge3A_228 = arith.constant 0 : i32
    %ge3A_229 = vector.broadcast %ge3A_228 : i32 to vector<16xi32>
    %ge3A_230 = arith.cmpi sge, %add3A_214, %ge3A_229 : vector<16xi32>
    %lt3A_231 = arith.constant 224 : i32
    %lt3A_232 = vector.broadcast %lt3A_231 : i32 to vector<16xi32>
    %lt3A_233 = arith.cmpi slt, %add3A_214, %lt3A_232 : vector<16xi32>
    %and3A_234 = arith.andi %ge3A_230, %lt3A_233 : vector<16xi1>
    %select_n3A_235 = arith.select %and3A_234, %sub3A_203, %broadcast_in_dim3A_219 : vector<16xi1>, vector<16xf32>
    %ge3A_236 = arith.constant 0 : i32
    %ge3A_237 = vector.broadcast %ge3A_236 : i32 to vector<16xi32>
    %ge3A_238 = arith.cmpi sge, %select_n3A_201, %ge3A_237 : vector<16xi32>
    %lt3A_239 = arith.constant 224 : i32
    %lt3A_240 = vector.broadcast %lt3A_239 : i32 to vector<16xi32>
    %lt3A_241 = arith.cmpi slt, %select_n3A_201, %lt3A_240 : vector<16xi32>
    %and3A_242 = arith.andi %ge3A_238, %lt3A_241 : vector<16xi1>
    %select_n3A_243 = arith.select %and3A_242, %sub3A_211, %broadcast_in_dim3A_219 : vector<16xi1>, vector<16xf32>
    %ge3A_244 = arith.constant 0 : i32
    %ge3A_245 = vector.broadcast %ge3A_244 : i32 to vector<16xi32>
    %ge3A_246 = arith.cmpi sge, %add3A_217, %ge3A_245 : vector<16xi32>
    %lt3A_247 = arith.constant 224 : i32
    %lt3A_248 = vector.broadcast %lt3A_247 : i32 to vector<16xi32>
    %lt3A_249 = arith.cmpi slt, %add3A_217, %lt3A_248 : vector<16xi32>
    %and3A_250 = arith.andi %ge3A_246, %lt3A_249 : vector<16xi1>
    %select_n3A_251 = arith.select %and3A_250, %sub3A_205, %broadcast_in_dim3A_219 : vector<16xi1>, vector<16xf32>
    %max3A_252 = arith.constant 0 : i32
    %max3A_253 = vector.broadcast %max3A_252 : i32 to vector<16xi32>
    %max3A_254 = arith.maxsi %select_n3A_195, %max3A_253 : vector<16xi32>
    %min3A_255 = arith.constant 223 : i32
    %min3A_256 = vector.broadcast %min3A_255 : i32 to vector<16xi32>
    %min3A_257 = arith.minsi %max3A_254, %min3A_256 : vector<16xi32>
    %max3A_258 = arith.constant 0 : i32
    %max3A_259 = vector.broadcast %max3A_258 : i32 to vector<16xi32>
    %max3A_260 = arith.maxsi %add3A_214, %max3A_259 : vector<16xi32>
    %min3A_261 = arith.constant 223 : i32
    %min3A_262 = vector.broadcast %min3A_261 : i32 to vector<16xi32>
    %min3A_263 = arith.minsi %max3A_260, %min3A_262 : vector<16xi32>
    %max3A_264 = arith.constant 0 : i32
    %max3A_265 = vector.broadcast %max3A_264 : i32 to vector<16xi32>
    %max3A_266 = arith.maxsi %select_n3A_201, %max3A_265 : vector<16xi32>
    %min3A_267 = arith.constant 223 : i32
    %min3A_268 = vector.broadcast %min3A_267 : i32 to vector<16xi32>
    %min3A_269 = arith.minsi %max3A_266, %min3A_268 : vector<16xi32>
    %max3A_270 = arith.constant 0 : i32
    %max3A_271 = vector.broadcast %max3A_270 : i32 to vector<16xi32>
    %max3A_272 = arith.maxsi %add3A_217, %max3A_271 : vector<16xi32>
    %min3A_273 = arith.constant 223 : i32
    %min3A_274 = vector.broadcast %min3A_273 : i32 to vector<16xi32>
    %min3A_275 = arith.minsi %max3A_272, %min3A_274 : vector<16xi32>
    %mul3A_276 = arith.constant 224 : i32
    %mul3A_277 = vector.broadcast %mul3A_276 : i32 to vector<16xi32>
    %mul3A_278 = arith.muli %min3A_269, %mul3A_277 : vector<16xi32>
    %add3A_279 = arith.addi %mul3A_278, %min3A_257 : vector<16xi32>
    %add3A_280 = arith.addi %add3A_279, %get3A_38 : vector<16xi32>
    %mul3A_281 = arith.constant 224 : i32
    %mul3A_282 = vector.broadcast %mul3A_281 : i32 to vector<16xi32>
    %mul3A_283 = arith.muli %min3A_269, %mul3A_282 : vector<16xi32>
    %add3A_284 = arith.addi %mul3A_283, %min3A_263 : vector<16xi32>
    %add3A_285 = arith.addi %add3A_284, %get3A_38 : vector<16xi32>
    %mul3A_286 = arith.constant 224 : i32
    %mul3A_287 = vector.broadcast %mul3A_286 : i32 to vector<16xi32>
    %mul3A_288 = arith.muli %min3A_275, %mul3A_287 : vector<16xi32>
    %add3A_289 = arith.addi %mul3A_288, %min3A_257 : vector<16xi32>
    %add3A_290 = arith.addi %add3A_289, %get3A_38 : vector<16xi32>
    %mul3A_291 = arith.constant 224 : i32
    %mul3A_292 = vector.broadcast %mul3A_291 : i32 to vector<16xi32>
    %mul3A_293 = arith.muli %min3A_275, %mul3A_292 : vector<16xi32>
    %add3A_294 = arith.addi %mul3A_293, %min3A_263 : vector<16xi32>
    %add3A_295 = arith.addi %add3A_294, %get3A_38 : vector<16xi32>
    %mul3A_296 = arith.mulf %select_n3A_243, %select_n3A_227 : vector<16xf32>
    %mul3A_297 = arith.mulf %select_n3A_243, %select_n3A_235 : vector<16xf32>
    %mul3A_298 = arith.mulf %select_n3A_251, %select_n3A_227 : vector<16xf32>
    %mul3A_299 = arith.mulf %select_n3A_251, %select_n3A_235 : vector<16xf32>
    %swap3A_300 = arith.constant 0 : index
    %swap3A_301 = tpu.vector_load %arg17[%swap3A_300] {strides = array<i32>} : memref<16xi32, #tpu.memory_space<vmem>>, vector<16xi32>,
    tpu.vector_store %arg17[%swap3A_300], %add3A_280 {strides = array<i32>} : memref<16xi32, #tpu.memory_space<vmem>>, vector<16xi32>,
    %swap3A_302 = arith.constant 0 : index
    %swap3A_303 = tpu.vector_load %arg18[%swap3A_302] {strides = array<i32>} : memref<16xi32, #tpu.memory_space<vmem>>, vector<16xi32>,
    tpu.vector_store %arg18[%swap3A_302], %add3A_285 {strides = array<i32>} : memref<16xi32, #tpu.memory_space<vmem>>, vector<16xi32>,
    %swap3A_304 = arith.constant 0 : index
    %swap3A_305 = tpu.vector_load %arg19[%swap3A_304] {strides = array<i32>} : memref<16xi32, #tpu.memory_space<vmem>>, vector<16xi32>,
    tpu.vector_store %arg19[%swap3A_304], %add3A_290 {strides = array<i32>} : memref<16xi32, #tpu.memory_space<vmem>>, vector<16xi32>,
    %swap3A_306 = arith.constant 0 : index
    %swap3A_307 = tpu.vector_load %arg20[%swap3A_306] {strides = array<i32>} : memref<16xi32, #tpu.memory_space<vmem>>, vector<16xi32>,
    tpu.vector_store %arg20[%swap3A_306], %add3A_295 {strides = array<i32>} : memref<16xi32, #tpu.memory_space<vmem>>, vector<16xi32>,
    %add3A_308 = arith.constant 16 : i32
    %add3A_309 = arith.addi %mul3A_2, %add3A_308 : i32
    %dma_start3A_310 = arith.constant 0 : i32
    %dma_start3A_311 = arith.constant 0 : i32
    %dma_start3A_312 = tpu.memref_slice %arg2[%dma_start3A_310, %dma_start3A_311] : memref<100352x384xf32, #tpu.memory_space<hbm>> -> memref<100352x384xf32, #tpu.memory_space<hbm>>
    tpu.enqueue_indirect_dma source(%dma_start3A_312 : memref<100352x384xf32, #tpu.memory_space<hbm>>) target(%arg25 : memref<16x384xf32, #tpu.memory_space<vmem>>) offsets(%arg17 : memref<16xi32, #tpu.memory_space<vmem>>) semaphore(%arg34 : memref<!tpu.dma_semaphore, #tpu.memory_space<semaphore_mem>>)
    %dma_start3A_313 = arith.constant 0 : i32
    %dma_start3A_314 = arith.constant 0 : i32
    %dma_start3A_315 = tpu.memref_slice %arg2[%dma_start3A_313, %dma_start3A_314] : memref<100352x384xf32, #tpu.memory_space<hbm>> -> memref<100352x384xf32, #tpu.memory_space<hbm>>
    tpu.enqueue_indirect_dma source(%dma_start3A_315 : memref<100352x384xf32, #tpu.memory_space<hbm>>) target(%arg26 : memref<16x384xf32, #tpu.memory_space<vmem>>) offsets(%arg18 : memref<16xi32, #tpu.memory_space<vmem>>) semaphore(%arg34 : memref<!tpu.dma_semaphore, #tpu.memory_space<semaphore_mem>>)
    %dma_start3A_316 = arith.constant 0 : i32
    %dma_start3A_317 = arith.constant 0 : i32
    %dma_start3A_318 = tpu.memref_slice %arg2[%dma_start3A_316, %dma_start3A_317] : memref<100352x384xf32, #tpu.memory_space<hbm>> -> memref<100352x384xf32, #tpu.memory_space<hbm>>
    tpu.enqueue_indirect_dma source(%dma_start3A_318 : memref<100352x384xf32, #tpu.memory_space<hbm>>) target(%arg27 : memref<16x384xf32, #tpu.memory_space<vmem>>) offsets(%arg19 : memref<16xi32, #tpu.memory_space<vmem>>) semaphore(%arg34 : memref<!tpu.dma_semaphore, #tpu.memory_space<semaphore_mem>>)
    %dma_start3A_319 = arith.constant 0 : i32
    %dma_start3A_320 = arith.constant 0 : i32
    %dma_start3A_321 = tpu.memref_slice %arg2[%dma_start3A_319, %dma_start3A_320] : memref<100352x384xf32, #tpu.memory_space<hbm>> -> memref<100352x384xf32, #tpu.memory_space<hbm>>
    tpu.enqueue_indirect_dma source(%dma_start3A_321 : memref<100352x384xf32, #tpu.memory_space<hbm>>) target(%arg28 : memref<16x384xf32, #tpu.memory_space<vmem>>) offsets(%arg20 : memref<16xi32, #tpu.memory_space<vmem>>) semaphore(%arg34 : memref<!tpu.dma_semaphore, #tpu.memory_space<semaphore_mem>>)
    %dma_start3A_322 = arith.constant 0 : i32
    %dma_start3A_323 = tpu.memref_slice %arg3[%add3A_309, %dma_start3A_322] : memref<100352x384xf32, #tpu.memory_space<hbm>> -> memref<16x384xf32, #tpu.memory_space<hbm>>
    %dma_start3A_324 = arith.constant 0 : i32
    %dma_start3A_325 = tpu.memref_slice %arg3[%add3A_309, %dma_start3A_324] : memref<100352x384xf32, #tpu.memory_space<hbm>> -> memref<16x384xf32, #tpu.memory_space<hbm>>
    tpu.enqueue_dma source(%dma_start3A_325 : memref<16x384xf32, #tpu.memory_space<hbm>>) target(%arg30 : memref<16x384xf32, #tpu.memory_space<vmem>>) target_semaphore(%arg36 : memref<!tpu.dma_semaphore, #tpu.memory_space<semaphore_mem>>)
    %scan3A = arith.constant 0 : i32
    %scan3A_326 = arith.constant 0 : i32
    %scan3A_327 = arith.constant 98 : i32
    %scan3A_328 = arith.addi %scan3A_326, %scan3A_327 : i32
    %scan3A_329 = arith.constant 1 : i32
    scf.for %scan3A_331 = %scan3A_326 to %scan3A_328 step %scan3A_329  : i32 {
      %mul3A_332 = arith.constant 2 : i32
      %mul3A_333 = arith.muli %scan3A_331, %mul3A_332 : i32
      %add3A_334 = arith.constant 0 : i32
      %add3A_335 = arith.addi %mul3A_333, %add3A_334 : i32
      %mul3A_336 = arith.constant 16 : i32
      %mul3A_337 = arith.muli %add3A_335, %mul3A_336 : i32
      %add3A_338 = arith.addi %mul3A_2, %mul3A_337 : i32
      %dma_wait3A = arith.constant 0 : i32
      %dma_wait3A_339 = arith.constant 0 : i32
      %dma_wait3A_340 = tpu.memref_slice %arg2[%dma_wait3A, %dma_wait3A_339] : memref<100352x384xf32, #tpu.memory_space<hbm>> -> memref<100352x384xf32, #tpu.memory_space<hbm>>
      tpu.wait_indirect_dma semaphore(%arg33 : memref<!tpu.dma_semaphore, #tpu.memory_space<semaphore_mem>>) src(%dma_wait3A_340 : memref<100352x384xf32, #tpu.memory_space<hbm>>) dst(%arg21 : memref<16x384xf32, #tpu.memory_space<vmem>>)
      %dma_wait3A_341 = arith.constant 0 : i32
      %dma_wait3A_342 = arith.constant 0 : i32
      %dma_wait3A_343 = tpu.memref_slice %arg2[%dma_wait3A_341, %dma_wait3A_342] : memref<100352x384xf32, #tpu.memory_space<hbm>> -> memref<100352x384xf32, #tpu.memory_space<hbm>>
      tpu.wait_indirect_dma semaphore(%arg33 : memref<!tpu.dma_semaphore, #tpu.memory_space<semaphore_mem>>) src(%dma_wait3A_343 : memref<100352x384xf32, #tpu.memory_space<hbm>>) dst(%arg22 : memref<16x384xf32, #tpu.memory_space<vmem>>)
      %dma_wait3A_344 = arith.constant 0 : i32
      %dma_wait3A_345 = arith.constant 0 : i32
      %dma_wait3A_346 = tpu.memref_slice %arg2[%dma_wait3A_344, %dma_wait3A_345] : memref<100352x384xf32, #tpu.memory_space<hbm>> -> memref<100352x384xf32, #tpu.memory_space<hbm>>
      tpu.wait_indirect_dma semaphore(%arg33 : memref<!tpu.dma_semaphore, #tpu.memory_space<semaphore_mem>>) src(%dma_wait3A_346 : memref<100352x384xf32, #tpu.memory_space<hbm>>) dst(%arg23 : memref<16x384xf32, #tpu.memory_space<vmem>>)
      %dma_wait3A_347 = arith.constant 0 : i32
      %dma_wait3A_348 = arith.constant 0 : i32
      %dma_wait3A_349 = tpu.memref_slice %arg2[%dma_wait3A_347, %dma_wait3A_348] : memref<100352x384xf32, #tpu.memory_space<hbm>> -> memref<100352x384xf32, #tpu.memory_space<hbm>>
      tpu.wait_indirect_dma semaphore(%arg33 : memref<!tpu.dma_semaphore, #tpu.memory_space<semaphore_mem>>) src(%dma_wait3A_349 : memref<100352x384xf32, #tpu.memory_space<hbm>>) dst(%arg24 : memref<16x384xf32, #tpu.memory_space<vmem>>)
      %dma_wait3A_350 = arith.constant 0 : i32
      %dma_wait3A_351 = tpu.memref_slice %arg3[%add3A_338, %dma_wait3A_350] : memref<100352x384xf32, #tpu.memory_space<hbm>> -> memref<16x384xf32, #tpu.memory_space<hbm>>
      %dma_wait3A_352 = arith.constant 0 : i32
      %dma_wait3A_353 = tpu.memref_slice %arg3[%add3A_338, %dma_wait3A_352] : memref<100352x384xf32, #tpu.memory_space<hbm>> -> memref<16x384xf32, #tpu.memory_space<hbm>>
      tpu.wait_dma2 semaphore(%arg35 : memref<!tpu.dma_semaphore, #tpu.memory_space<semaphore_mem>>) src(%dma_wait3A_353 : memref<16x384xf32, #tpu.memory_space<hbm>>) dst(%arg29 : memref<16x384xf32, #tpu.memory_space<vmem>>)
      %mul3A_354 = arith.constant 16 : i32
      %mul3A_355 = arith.muli %add3A_335, %mul3A_354 : i32
      %get3A_356 = arith.index_cast %mul3A_355 : i32 to index
      %get3A_357 = tpu.vector_load %arg10[%get3A_356] {strides = array<i32>} : memref<3136xf32, #tpu.memory_space<vmem>>, vector<16xf32>,
      %get3A_358 = arith.index_cast %mul3A_355 : i32 to index
      %get3A_359 = tpu.vector_load %arg8[%get3A_358] {strides = array<i32>} : memref<3136xf32, #tpu.memory_space<vmem>>, vector<16xf32>,
      %add3A_360 = arith.addf %get3A_357, %get3A_359 : vector<16xf32>
      %get3A_361 = arith.index_cast %mul3A_355 : i32 to index
      %get3A_362 = tpu.vector_load %arg11[%get3A_361] {strides = array<i32>} : memref<3136xf32, #tpu.memory_space<vmem>>, vector<16xf32>,
      %get3A_363 = arith.index_cast %mul3A_355 : i32 to index
      %get3A_364 = tpu.vector_load %arg9[%get3A_363] {strides = array<i32>} : memref<3136xf32, #tpu.memory_space<vmem>>, vector<16xf32>,
      %add3A_365 = arith.addf %get3A_362, %get3A_364 : vector<16xf32>
      %convert_element_type3A_366 = arith.fptosi %add3A_360 : vector<16xf32> to vector<16xi32>
      %convert_element_type3A_367 = arith.fptosi %add3A_365 : vector<16xf32> to vector<16xi32>
      %convert_element_type3A_368 = arith.sitofp %convert_element_type3A_366 : vector<16xi32> to vector<16xf32>
      %gt3A_369 = arith.cmpf ogt, %convert_element_type3A_368, %add3A_360 : vector<16xf32>
      %sub3A_370 = arith.constant 1 : i32
      %sub3A_371 = vector.broadcast %sub3A_370 : i32 to vector<16xi32>
      %sub3A_372 = arith.subi %convert_element_type3A_366, %sub3A_371 : vector<16xi32>
      %select_n3A_373 = arith.select %gt3A_369, %sub3A_372, %convert_element_type3A_366 : vector<16xi1>, vector<16xi32>
      %convert_element_type3A_374 = arith.sitofp %convert_element_type3A_367 : vector<16xi32> to vector<16xf32>
      %gt3A_375 = arith.cmpf ogt, %convert_element_type3A_374, %add3A_365 : vector<16xf32>
      %sub3A_376 = arith.constant 1 : i32
      %sub3A_377 = vector.broadcast %sub3A_376 : i32 to vector<16xi32>
      %sub3A_378 = arith.subi %convert_element_type3A_367, %sub3A_377 : vector<16xi32>
      %select_n3A_379 = arith.select %gt3A_375, %sub3A_378, %convert_element_type3A_367 : vector<16xi1>, vector<16xi32>
      %convert_element_type3A_380 = arith.sitofp %select_n3A_373 : vector<16xi32> to vector<16xf32>
      %sub3A_381 = arith.subf %add3A_360, %convert_element_type3A_380 : vector<16xf32>
      %convert_element_type3A_382 = arith.sitofp %select_n3A_379 : vector<16xi32> to vector<16xf32>
      %sub3A_383 = arith.subf %add3A_365, %convert_element_type3A_382 : vector<16xf32>
      %sub3A_384 = arith.constant 1.000000e+00 : f32
      %sub3A_385 = vector.broadcast %sub3A_384 : f32 to vector<16xf32>
      %sub3A_386 = arith.subf %sub3A_385, %sub3A_381 : vector<16xf32>
      %sub3A_387 = arith.constant 1.000000e+00 : f32
      %sub3A_388 = vector.broadcast %sub3A_387 : f32 to vector<16xf32>
      %sub3A_389 = arith.subf %sub3A_388, %sub3A_383 : vector<16xf32>
      %add3A_390 = arith.constant 1 : i32
      %add3A_391 = vector.broadcast %add3A_390 : i32 to vector<16xi32>
      %add3A_392 = arith.addi %select_n3A_373, %add3A_391 : vector<16xi32>
      %add3A_393 = arith.constant 1 : i32
      %add3A_394 = vector.broadcast %add3A_393 : i32 to vector<16xi32>
      %add3A_395 = arith.addi %select_n3A_379, %add3A_394 : vector<16xi32>
      %broadcast_in_dim3A_396 = arith.constant 0.000000e+00 : f32
      %broadcast_in_dim3A_397 = vector.broadcast %broadcast_in_dim3A_396 : f32 to vector<16xf32>
      %ge3A_398 = arith.constant 0 : i32
      %ge3A_399 = vector.broadcast %ge3A_398 : i32 to vector<16xi32>
      %ge3A_400 = arith.cmpi sge, %select_n3A_373, %ge3A_399 : vector<16xi32>
      %lt3A_401 = arith.constant 224 : i32
      %lt3A_402 = vector.broadcast %lt3A_401 : i32 to vector<16xi32>
      %lt3A_403 = arith.cmpi slt, %select_n3A_373, %lt3A_402 : vector<16xi32>
      %and3A_404 = arith.andi %ge3A_400, %lt3A_403 : vector<16xi1>
      %select_n3A_405 = arith.select %and3A_404, %sub3A_386, %broadcast_in_dim3A_397 : vector<16xi1>, vector<16xf32>
      %ge3A_406 = arith.constant 0 : i32
      %ge3A_407 = vector.broadcast %ge3A_406 : i32 to vector<16xi32>
      %ge3A_408 = arith.cmpi sge, %add3A_392, %ge3A_407 : vector<16xi32>
      %lt3A_409 = arith.constant 224 : i32
      %lt3A_410 = vector.broadcast %lt3A_409 : i32 to vector<16xi32>
      %lt3A_411 = arith.cmpi slt, %add3A_392, %lt3A_410 : vector<16xi32>
      %and3A_412 = arith.andi %ge3A_408, %lt3A_411 : vector<16xi1>
      %select_n3A_413 = arith.select %and3A_412, %sub3A_381, %broadcast_in_dim3A_397 : vector<16xi1>, vector<16xf32>
      %ge3A_414 = arith.constant 0 : i32
      %ge3A_415 = vector.broadcast %ge3A_414 : i32 to vector<16xi32>
      %ge3A_416 = arith.cmpi sge, %select_n3A_379, %ge3A_415 : vector<16xi32>
      %lt3A_417 = arith.constant 224 : i32
      %lt3A_418 = vector.broadcast %lt3A_417 : i32 to vector<16xi32>
      %lt3A_419 = arith.cmpi slt, %select_n3A_379, %lt3A_418 : vector<16xi32>
      %and3A_420 = arith.andi %ge3A_416, %lt3A_419 : vector<16xi1>
      %select_n3A_421 = arith.select %and3A_420, %sub3A_389, %broadcast_in_dim3A_397 : vector<16xi1>, vector<16xf32>
      %ge3A_422 = arith.constant 0 : i32
      %ge3A_423 = vector.broadcast %ge3A_422 : i32 to vector<16xi32>
      %ge3A_424 = arith.cmpi sge, %add3A_395, %ge3A_423 : vector<16xi32>
      %lt3A_425 = arith.constant 224 : i32
      %lt3A_426 = vector.broadcast %lt3A_425 : i32 to vector<16xi32>
      %lt3A_427 = arith.cmpi slt, %add3A_395, %lt3A_426 : vector<16xi32>
      %and3A_428 = arith.andi %ge3A_424, %lt3A_427 : vector<16xi1>
      %select_n3A_429 = arith.select %and3A_428, %sub3A_383, %broadcast_in_dim3A_397 : vector<16xi1>, vector<16xf32>
      %max3A_430 = arith.constant 0 : i32
      %max3A_431 = vector.broadcast %max3A_430 : i32 to vector<16xi32>
      %max3A_432 = arith.maxsi %select_n3A_373, %max3A_431 : vector<16xi32>
      %min3A_433 = arith.constant 223 : i32
      %min3A_434 = vector.broadcast %min3A_433 : i32 to vector<16xi32>
      %min3A_435 = arith.minsi %max3A_432, %min3A_434 : vector<16xi32>
      %max3A_436 = arith.constant 0 : i32
      %max3A_437 = vector.broadcast %max3A_436 : i32 to vector<16xi32>
      %max3A_438 = arith.maxsi %add3A_392, %max3A_437 : vector<16xi32>
      %min3A_439 = arith.constant 223 : i32
      %min3A_440 = vector.broadcast %min3A_439 : i32 to vector<16xi32>
      %min3A_441 = arith.minsi %max3A_438, %min3A_440 : vector<16xi32>
      %max3A_442 = arith.constant 0 : i32
      %max3A_443 = vector.broadcast %max3A_442 : i32 to vector<16xi32>
      %max3A_444 = arith.maxsi %select_n3A_379, %max3A_443 : vector<16xi32>
      %min3A_445 = arith.constant 223 : i32
      %min3A_446 = vector.broadcast %min3A_445 : i32 to vector<16xi32>
      %min3A_447 = arith.minsi %max3A_444, %min3A_446 : vector<16xi32>
      %max3A_448 = arith.constant 0 : i32
      %max3A_449 = vector.broadcast %max3A_448 : i32 to vector<16xi32>
      %max3A_450 = arith.maxsi %add3A_395, %max3A_449 : vector<16xi32>
      %min3A_451 = arith.constant 223 : i32
      %min3A_452 = vector.broadcast %min3A_451 : i32 to vector<16xi32>
      %min3A_453 = arith.minsi %max3A_450, %min3A_452 : vector<16xi32>
      %mul3A_454 = arith.constant 224 : i32
      %mul3A_455 = vector.broadcast %mul3A_454 : i32 to vector<16xi32>
      %mul3A_456 = arith.muli %min3A_447, %mul3A_455 : vector<16xi32>
      %add3A_457 = arith.addi %mul3A_456, %min3A_435 : vector<16xi32>
      %add3A_458 = arith.addi %add3A_457, %get3A_38 : vector<16xi32>
      %mul3A_459 = arith.constant 224 : i32
      %mul3A_460 = vector.broadcast %mul3A_459 : i32 to vector<16xi32>
      %mul3A_461 = arith.muli %min3A_447, %mul3A_460 : vector<16xi32>
      %add3A_462 = arith.addi %mul3A_461, %min3A_441 : vector<16xi32>
      %add3A_463 = arith.addi %add3A_462, %get3A_38 : vector<16xi32>
      %mul3A_464 = arith.constant 224 : i32
      %mul3A_465 = vector.broadcast %mul3A_464 : i32 to vector<16xi32>
      %mul3A_466 = arith.muli %min3A_453, %mul3A_465 : vector<16xi32>
      %add3A_467 = arith.addi %mul3A_466, %min3A_435 : vector<16xi32>
      %add3A_468 = arith.addi %add3A_467, %get3A_38 : vector<16xi32>
      %mul3A_469 = arith.constant 224 : i32
      %mul3A_470 = vector.broadcast %mul3A_469 : i32 to vector<16xi32>
      %mul3A_471 = arith.muli %min3A_453, %mul3A_470 : vector<16xi32>
      %add3A_472 = arith.addi %mul3A_471, %min3A_441 : vector<16xi32>
      %add3A_473 = arith.addi %add3A_472, %get3A_38 : vector<16xi32>
      %mul3A_474 = arith.mulf %select_n3A_421, %select_n3A_405 : vector<16xf32>
      %mul3A_475 = arith.mulf %select_n3A_421, %select_n3A_413 : vector<16xf32>
      %mul3A_476 = arith.mulf %select_n3A_429, %select_n3A_405 : vector<16xf32>
      %mul3A_477 = arith.mulf %select_n3A_429, %select_n3A_413 : vector<16xf32>
      %broadcast_in_dim3A_478 = arith.constant 0.000000e+00 : f32
      %broadcast_in_dim3A_479 = vector.broadcast %broadcast_in_dim3A_478 : f32 to vector<16xf32>
      %broadcast_in_dim3A_480 = arith.constant 0 : i32
      %broadcast_in_dim3A_481 = vector.broadcast %broadcast_in_dim3A_480 : i32 to vector<16xi32>
      %scan3A_482 = arith.constant 0 : i32
      %scan3A_483 = arith.constant 16 : i32
      %scan3A_484 = arith.addi %scan3A_482, %scan3A_483 : i32
      %scan3A_485 = arith.constant 1 : i32
      %scan3A_486 = scf.for %scan3A_795 = %scan3A_482 to %scan3A_484 step %scan3A_485 iter_args(%scan3A_796 = %broadcast_in_dim3A_481) -> (vector<16xi32>)  : i32 {
        %broadcast_in_dim3A_797 = vector.shape_cast %scan3A_796 : vector<16xi32> to vector<16x1xi32>
        %gather3A_798 = vector.shape_cast %broadcast_in_dim3A_797 : vector<16x1xi32> to vector<16xi32>
        %gather3A_799 = tpu.dynamic_gather %mul3A_474[%gather3A_798] in [0] : vector<16xf32>, vector<16xi32> -> vector<16xf32>
        %broadcast_in_dim3A_800 = vector.shape_cast %scan3A_796 : vector<16xi32> to vector<16x1xi32>
        %gather3A_801 = vector.shape_cast %broadcast_in_dim3A_800 : vector<16x1xi32> to vector<16xi32>
        %gather3A_802 = tpu.dynamic_gather %mul3A_475[%gather3A_801] in [0] : vector<16xf32>, vector<16xi32> -> vector<16xf32>
        %broadcast_in_dim3A_803 = vector.shape_cast %scan3A_796 : vector<16xi32> to vector<16x1xi32>
        %gather3A_804 = vector.shape_cast %broadcast_in_dim3A_803 : vector<16x1xi32> to vector<16xi32>
        %gather3A_805 = tpu.dynamic_gather %mul3A_476[%gather3A_804] in [0] : vector<16xf32>, vector<16xi32> -> vector<16xf32>
        %broadcast_in_dim3A_806 = vector.shape_cast %scan3A_796 : vector<16xi32> to vector<16x1xi32>
        %gather3A_807 = vector.shape_cast %broadcast_in_dim3A_806 : vector<16x1xi32> to vector<16xi32>
        %gather3A_808 = tpu.dynamic_gather %mul3A_477[%gather3A_807] in [0] : vector<16xf32>, vector<16xi32> -> vector<16xf32>
        %scan3A_809 = arith.constant 0 : i32
        %scan3A_810 = arith.constant 3 : i32
        %scan3A_811 = arith.addi %scan3A_809, %scan3A_810 : i32
        %scan3A_812 = arith.constant 1 : i32
        %scan3A_813:2 = scf.for %scan3A_822 = %scan3A_809 to %scan3A_811 step %scan3A_812 iter_args(%scan3A_823 = %broadcast_in_dim3A_479, %scan3A_824 = %broadcast_in_dim3A_479) -> (vector<16xf32>, vector<16xf32>)  : i32 {
          %mul3A_825 = arith.constant 8 : i32
          %mul3A_826 = arith.muli %scan3A_822, %mul3A_825 : i32
          %add3A_827 = arith.constant 0 : i32
          %add3A_828 = arith.addi %mul3A_826, %add3A_827 : i32
          %mul3A_829 = arith.constant 16 : i32
          %mul3A_830 = arith.muli %add3A_828, %mul3A_829 : i32
          %get3A_831 = arith.index_cast %scan3A_795 : i32 to index
          %get3A_832 = arith.index_cast %mul3A_830 : i32 to index
          %get3A_833 = tpu.vector_load %arg21[%get3A_831, %get3A_832] {strides = array<i32>} : memref<16x384xf32, #tpu.memory_space<vmem>>, vector<16xf32>,
          %get3A_834 = arith.index_cast %scan3A_795 : i32 to index
          %get3A_835 = arith.index_cast %mul3A_830 : i32 to index
          %get3A_836 = tpu.vector_load %arg22[%get3A_834, %get3A_835] {strides = array<i32>} : memref<16x384xf32, #tpu.memory_space<vmem>>, vector<16xf32>,
          %get3A_837 = arith.index_cast %scan3A_795 : i32 to index
          %get3A_838 = arith.index_cast %mul3A_830 : i32 to index
          %get3A_839 = tpu.vector_load %arg23[%get3A_837, %get3A_838] {strides = array<i32>} : memref<16x384xf32, #tpu.memory_space<vmem>>, vector<16xf32>,
          %get3A_840 = arith.index_cast %scan3A_795 : i32 to index
          %get3A_841 = arith.index_cast %mul3A_830 : i32 to index
          %get3A_842 = tpu.vector_load %arg24[%get3A_840, %get3A_841] {strides = array<i32>} : memref<16x384xf32, #tpu.memory_space<vmem>>, vector<16xf32>,
          %get3A_843 = arith.index_cast %scan3A_795 : i32 to index
          %get3A_844 = arith.index_cast %mul3A_830 : i32 to index
          %get3A_845 = tpu.vector_load %arg29[%get3A_843, %get3A_844] {strides = array<i32>} : memref<16x384xf32, #tpu.memory_space<vmem>>, vector<16xf32>,
          %mul3A_846 = arith.mulf %get3A_833, %gather3A_799 : vector<16xf32>
          %mul3A_847 = arith.mulf %get3A_836, %gather3A_802 : vector<16xf32>
          %add3A_848 = arith.addf %mul3A_846, %mul3A_847 : vector<16xf32>
          %mul3A_849 = arith.mulf %get3A_839, %gather3A_805 : vector<16xf32>
          %mul3A_850 = arith.mulf %get3A_842, %gather3A_808 : vector<16xf32>
          %add3A_851 = arith.addf %mul3A_849, %mul3A_850 : vector<16xf32>
          %add3A_852 = arith.addf %add3A_848, %add3A_851 : vector<16xf32>
          %mul3A_853 = arith.mulf %get3A_845, %add3A_852 : vector<16xf32>
          %add3A_854 = arith.addf %scan3A_823, %mul3A_853 : vector<16xf32>
          %mul3A_855 = arith.constant 8 : i32
          %mul3A_856 = arith.muli %scan3A_822, %mul3A_855 : i32
          %add3A_857 = arith.constant 1 : i32
          %add3A_858 = arith.addi %mul3A_856, %add3A_857 : i32
          %mul3A_859 = arith.constant 16 : i32
          %mul3A_860 = arith.muli %add3A_858, %mul3A_859 : i32
          %get3A_861 = arith.index_cast %scan3A_795 : i32 to index
          %get3A_862 = arith.index_cast %mul3A_860 : i32 to index
          %get3A_863 = tpu.vector_load %arg21[%get3A_861, %get3A_862] {strides = array<i32>} : memref<16x384xf32, #tpu.memory_space<vmem>>, vector<16xf32>,
          %get3A_864 = arith.index_cast %scan3A_795 : i32 to index
          %get3A_865 = arith.index_cast %mul3A_860 : i32 to index
          %get3A_866 = tpu.vector_load %arg22[%get3A_864, %get3A_865] {strides = array<i32>} : memref<16x384xf32, #tpu.memory_space<vmem>>, vector<16xf32>,
          %get3A_867 = arith.index_cast %scan3A_795 : i32 to index
          %get3A_868 = arith.index_cast %mul3A_860 : i32 to index
          %get3A_869 = tpu.vector_load %arg23[%get3A_867, %get3A_868] {strides = array<i32>} : memref<16x384xf32, #tpu.memory_space<vmem>>, vector<16xf32>,
          %get3A_870 = arith.index_cast %scan3A_795 : i32 to index
          %get3A_871 = arith.index_cast %mul3A_860 : i32 to index
          %get3A_872 = tpu.vector_load %arg24[%get3A_870, %get3A_871] {strides = array<i32>} : memref<16x384xf32, #tpu.memory_space<vmem>>, vector<16xf32>,
          %get3A_873 = arith.index_cast %scan3A_795 : i32 to index
          %get3A_874 = arith.index_cast %mul3A_860 : i32 to index
          %get3A_875 = tpu.vector_load %arg29[%get3A_873, %get3A_874] {strides = array<i32>} : memref<16x384xf32, #tpu.memory_space<vmem>>, vector<16xf32>,
          %mul3A_876 = arith.mulf %get3A_863, %gather3A_799 : vector<16xf32>
          %mul3A_877 = arith.mulf %get3A_866, %gather3A_802 : vector<16xf32>
          %add3A_878 = arith.addf %mul3A_876, %mul3A_877 : vector<16xf32>
          %mul3A_879 = arith.mulf %get3A_869, %gather3A_805 : vector<16xf32>
          %mul3A_880 = arith.mulf %get3A_872, %gather3A_808 : vector<16xf32>
          %add3A_881 = arith.addf %mul3A_879, %mul3A_880 : vector<16xf32>
          %add3A_882 = arith.addf %add3A_878, %add3A_881 : vector<16xf32>
          %mul3A_883 = arith.mulf %get3A_875, %add3A_882 : vector<16xf32>
          %add3A_884 = arith.addf %scan3A_824, %mul3A_883 : vector<16xf32>
          %mul3A_885 = arith.constant 8 : i32
          %mul3A_886 = arith.muli %scan3A_822, %mul3A_885 : i32
          %add3A_887 = arith.constant 2 : i32
          %add3A_888 = arith.addi %mul3A_886, %add3A_887 : i32
          %mul3A_889 = arith.constant 16 : i32
          %mul3A_890 = arith.muli %add3A_888, %mul3A_889 : i32
          %get3A_891 = arith.index_cast %scan3A_795 : i32 to index
          %get3A_892 = arith.index_cast %mul3A_890 : i32 to index
          %get3A_893 = tpu.vector_load %arg21[%get3A_891, %get3A_892] {strides = array<i32>} : memref<16x384xf32, #tpu.memory_space<vmem>>, vector<16xf32>,
          %get3A_894 = arith.index_cast %scan3A_795 : i32 to index
          %get3A_895 = arith.index_cast %mul3A_890 : i32 to index
          %get3A_896 = tpu.vector_load %arg22[%get3A_894, %get3A_895] {strides = array<i32>} : memref<16x384xf32, #tpu.memory_space<vmem>>, vector<16xf32>,
          %get3A_897 = arith.index_cast %scan3A_795 : i32 to index
          %get3A_898 = arith.index_cast %mul3A_890 : i32 to index
          %get3A_899 = tpu.vector_load %arg23[%get3A_897, %get3A_898] {strides = array<i32>} : memref<16x384xf32, #tpu.memory_space<vmem>>, vector<16xf32>,
          %get3A_900 = arith.index_cast %scan3A_795 : i32 to index
          %get3A_901 = arith.index_cast %mul3A_890 : i32 to index
          %get3A_902 = tpu.vector_load %arg24[%get3A_900, %get3A_901] {strides = array<i32>} : memref<16x384xf32, #tpu.memory_space<vmem>>, vector<16xf32>,
          %get3A_903 = arith.index_cast %scan3A_795 : i32 to index
          %get3A_904 = arith.index_cast %mul3A_890 : i32 to index
          %get3A_905 = tpu.vector_load %arg29[%get3A_903, %get3A_904] {strides = array<i32>} : memref<16x384xf32, #tpu.memory_space<vmem>>, vector<16xf32>,
          %mul3A_906 = arith.mulf %get3A_893, %gather3A_799 : vector<16xf32>
          %mul3A_907 = arith.mulf %get3A_896, %gather3A_802 : vector<16xf32>
          %add3A_908 = arith.addf %mul3A_906, %mul3A_907 : vector<16xf32>
          %mul3A_909 = arith.mulf %get3A_899, %gather3A_805 : vector<16xf32>
          %mul3A_910 = arith.mulf %get3A_902, %gather3A_808 : vector<16xf32>
          %add3A_911 = arith.addf %mul3A_909, %mul3A_910 : vector<16xf32>
          %add3A_912 = arith.addf %add3A_908, %add3A_911 : vector<16xf32>
          %mul3A_913 = arith.mulf %get3A_905, %add3A_912 : vector<16xf32>
          %add3A_914 = arith.addf %add3A_854, %mul3A_913 : vector<16xf32>
          %mul3A_915 = arith.constant 8 : i32
          %mul3A_916 = arith.muli %scan3A_822, %mul3A_915 : i32
          %add3A_917 = arith.constant 3 : i32
          %add3A_918 = arith.addi %mul3A_916, %add3A_917 : i32
          %mul3A_919 = arith.constant 16 : i32
          %mul3A_920 = arith.muli %add3A_918, %mul3A_919 : i32
          %get3A_921 = arith.index_cast %scan3A_795 : i32 to index
          %get3A_922 = arith.index_cast %mul3A_920 : i32 to index
          %get3A_923 = tpu.vector_load %arg21[%get3A_921, %get3A_922] {strides = array<i32>} : memref<16x384xf32, #tpu.memory_space<vmem>>, vector<16xf32>,
          %get3A_924 = arith.index_cast %scan3A_795 : i32 to index
          %get3A_925 = arith.index_cast %mul3A_920 : i32 to index
          %get3A_926 = tpu.vector_load %arg22[%get3A_924, %get3A_925] {strides = array<i32>} : memref<16x384xf32, #tpu.memory_space<vmem>>, vector<16xf32>,
          %get3A_927 = arith.index_cast %scan3A_795 : i32 to index
          %get3A_928 = arith.index_cast %mul3A_920 : i32 to index
          %get3A_929 = tpu.vector_load %arg23[%get3A_927, %get3A_928] {strides = array<i32>} : memref<16x384xf32, #tpu.memory_space<vmem>>, vector<16xf32>,
          %get3A_930 = arith.index_cast %scan3A_795 : i32 to index
          %get3A_931 = arith.index_cast %mul3A_920 : i32 to index
          %get3A_932 = tpu.vector_load %arg24[%get3A_930, %get3A_931] {strides = array<i32>} : memref<16x384xf32, #tpu.memory_space<vmem>>, vector<16xf32>,
          %get3A_933 = arith.index_cast %scan3A_795 : i32 to index
          %get3A_934 = arith.index_cast %mul3A_920 : i32 to index
          %get3A_935 = tpu.vector_load %arg29[%get3A_933, %get3A_934] {strides = array<i32>} : memref<16x384xf32, #tpu.memory_space<vmem>>, vector<16xf32>,
          %mul3A_936 = arith.mulf %get3A_923, %gather3A_799 : vector<16xf32>
          %mul3A_937 = arith.mulf %get3A_926, %gather3A_802 : vector<16xf32>
          %add3A_938 = arith.addf %mul3A_936, %mul3A_937 : vector<16xf32>
          %mul3A_939 = arith.mulf %get3A_929, %gather3A_805 : vector<16xf32>
          %mul3A_940 = arith.mulf %get3A_932, %gather3A_808 : vector<16xf32>
          %add3A_941 = arith.addf %mul3A_939, %mul3A_940 : vector<16xf32>
          %add3A_942 = arith.addf %add3A_938, %add3A_941 : vector<16xf32>
          %mul3A_943 = arith.mulf %get3A_935, %add3A_942 : vector<16xf32>
          %add3A_944 = arith.addf %add3A_884, %mul3A_943 : vector<16xf32>
          %mul3A_945 = arith.constant 8 : i32
          %mul3A_946 = arith.muli %scan3A_822, %mul3A_945 : i32
          %add3A_947 = arith.constant 4 : i32
          %add3A_948 = arith.addi %mul3A_946, %add3A_947 : i32
          %mul3A_949 = arith.constant 16 : i32
          %mul3A_950 = arith.muli %add3A_948, %mul3A_949 : i32
          %get3A_951 = arith.index_cast %scan3A_795 : i32 to index
          %get3A_952 = arith.index_cast %mul3A_950 : i32 to index
          %get3A_953 = tpu.vector_load %arg21[%get3A_951, %get3A_952] {strides = array<i32>} : memref<16x384xf32, #tpu.memory_space<vmem>>, vector<16xf32>,
          %get3A_954 = arith.index_cast %scan3A_795 : i32 to index
          %get3A_955 = arith.index_cast %mul3A_950 : i32 to index
          %get3A_956 = tpu.vector_load %arg22[%get3A_954, %get3A_955] {strides = array<i32>} : memref<16x384xf32, #tpu.memory_space<vmem>>, vector<16xf32>,
          %get3A_957 = arith.index_cast %scan3A_795 : i32 to index
          %get3A_958 = arith.index_cast %mul3A_950 : i32 to index
          %get3A_959 = tpu.vector_load %arg23[%get3A_957, %get3A_958] {strides = array<i32>} : memref<16x384xf32, #tpu.memory_space<vmem>>, vector<16xf32>,
          %get3A_960 = arith.index_cast %scan3A_795 : i32 to index
          %get3A_961 = arith.index_cast %mul3A_950 : i32 to index
          %get3A_962 = tpu.vector_load %arg24[%get3A_960, %get3A_961] {strides = array<i32>} : memref<16x384xf32, #tpu.memory_space<vmem>>, vector<16xf32>,
          %get3A_963 = arith.index_cast %scan3A_795 : i32 to index
          %get3A_964 = arith.index_cast %mul3A_950 : i32 to index
          %get3A_965 = tpu.vector_load %arg29[%get3A_963, %get3A_964] {strides = array<i32>} : memref<16x384xf32, #tpu.memory_space<vmem>>, vector<16xf32>,
          %mul3A_966 = arith.mulf %get3A_953, %gather3A_799 : vector<16xf32>
          %mul3A_967 = arith.mulf %get3A_956, %gather3A_802 : vector<16xf32>
          %add3A_968 = arith.addf %mul3A_966, %mul3A_967 : vector<16xf32>
          %mul3A_969 = arith.mulf %get3A_959, %gather3A_805 : vector<16xf32>
          %mul3A_970 = arith.mulf %get3A_962, %gather3A_808 : vector<16xf32>
          %add3A_971 = arith.addf %mul3A_969, %mul3A_970 : vector<16xf32>
          %add3A_972 = arith.addf %add3A_968, %add3A_971 : vector<16xf32>
          %mul3A_973 = arith.mulf %get3A_965, %add3A_972 : vector<16xf32>
          %add3A_974 = arith.addf %add3A_914, %mul3A_973 : vector<16xf32>
          %mul3A_975 = arith.constant 8 : i32
          %mul3A_976 = arith.muli %scan3A_822, %mul3A_975 : i32
          %add3A_977 = arith.constant 5 : i32
          %add3A_978 = arith.addi %mul3A_976, %add3A_977 : i32
          %mul3A_979 = arith.constant 16 : i32
          %mul3A_980 = arith.muli %add3A_978, %mul3A_979 : i32
          %get3A_981 = arith.index_cast %scan3A_795 : i32 to index
          %get3A_982 = arith.index_cast %mul3A_980 : i32 to index
          %get3A_983 = tpu.vector_load %arg21[%get3A_981, %get3A_982] {strides = array<i32>} : memref<16x384xf32, #tpu.memory_space<vmem>>, vector<16xf32>,
          %get3A_984 = arith.index_cast %scan3A_795 : i32 to index
          %get3A_985 = arith.index_cast %mul3A_980 : i32 to index
          %get3A_986 = tpu.vector_load %arg22[%get3A_984, %get3A_985] {strides = array<i32>} : memref<16x384xf32, #tpu.memory_space<vmem>>, vector<16xf32>,
          %get3A_987 = arith.index_cast %scan3A_795 : i32 to index
          %get3A_988 = arith.index_cast %mul3A_980 : i32 to index
          %get3A_989 = tpu.vector_load %arg23[%get3A_987, %get3A_988] {strides = array<i32>} : memref<16x384xf32, #tpu.memory_space<vmem>>, vector<16xf32>,
          %get3A_990 = arith.index_cast %scan3A_795 : i32 to index
          %get3A_991 = arith.index_cast %mul3A_980 : i32 to index
          %get3A_992 = tpu.vector_load %arg24[%get3A_990, %get3A_991] {strides = array<i32>} : memref<16x384xf32, #tpu.memory_space<vmem>>, vector<16xf32>,
          %get3A_993 = arith.index_cast %scan3A_795 : i32 to index
          %get3A_994 = arith.index_cast %mul3A_980 : i32 to index
          %get3A_995 = tpu.vector_load %arg29[%get3A_993, %get3A_994] {strides = array<i32>} : memref<16x384xf32, #tpu.memory_space<vmem>>, vector<16xf32>,
          %mul3A_996 = arith.mulf %get3A_983, %gather3A_799 : vector<16xf32>
          %mul3A_997 = arith.mulf %get3A_986, %gather3A_802 : vector<16xf32>
          %add3A_998 = arith.addf %mul3A_996, %mul3A_997 : vector<16xf32>
          %mul3A_999 = arith.mulf %get3A_989, %gather3A_805 : vector<16xf32>
          %mul3A_1000 = arith.mulf %get3A_992, %gather3A_808 : vector<16xf32>
          %add3A_1001 = arith.addf %mul3A_999, %mul3A_1000 : vector<16xf32>
          %add3A_1002 = arith.addf %add3A_998, %add3A_1001 : vector<16xf32>
          %mul3A_1003 = arith.mulf %get3A_995, %add3A_1002 : vector<16xf32>
          %add3A_1004 = arith.addf %add3A_944, %mul3A_1003 : vector<16xf32>
          %mul3A_1005 = arith.constant 8 : i32
          %mul3A_1006 = arith.muli %scan3A_822, %mul3A_1005 : i32
          %add3A_1007 = arith.constant 6 : i32
          %add3A_1008 = arith.addi %mul3A_1006, %add3A_1007 : i32
          %mul3A_1009 = arith.constant 16 : i32
          %mul3A_1010 = arith.muli %add3A_1008, %mul3A_1009 : i32
          %get3A_1011 = arith.index_cast %scan3A_795 : i32 to index
          %get3A_1012 = arith.index_cast %mul3A_1010 : i32 to index
          %get3A_1013 = tpu.vector_load %arg21[%get3A_1011, %get3A_1012] {strides = array<i32>} : memref<16x384xf32, #tpu.memory_space<vmem>>, vector<16xf32>,
          %get3A_1014 = arith.index_cast %scan3A_795 : i32 to index
          %get3A_1015 = arith.index_cast %mul3A_1010 : i32 to index
          %get3A_1016 = tpu.vector_load %arg22[%get3A_1014, %get3A_1015] {strides = array<i32>} : memref<16x384xf32, #tpu.memory_space<vmem>>, vector<16xf32>,
          %get3A_1017 = arith.index_cast %scan3A_795 : i32 to index
          %get3A_1018 = arith.index_cast %mul3A_1010 : i32 to index
          %get3A_1019 = tpu.vector_load %arg23[%get3A_1017, %get3A_1018] {strides = array<i32>} : memref<16x384xf32, #tpu.memory_space<vmem>>, vector<16xf32>,
          %get3A_1020 = arith.index_cast %scan3A_795 : i32 to index
          %get3A_1021 = arith.index_cast %mul3A_1010 : i32 to index
          %get3A_1022 = tpu.vector_load %arg24[%get3A_1020, %get3A_1021] {strides = array<i32>} : memref<16x384xf32, #tpu.memory_space<vmem>>, vector<16xf32>,
          %get3A_1023 = arith.index_cast %scan3A_795 : i32 to index
          %get3A_1024 = arith.index_cast %mul3A_1010 : i32 to index
          %get3A_1025 = tpu.vector_load %arg29[%get3A_1023, %get3A_1024] {strides = array<i32>} : memref<16x384xf32, #tpu.memory_space<vmem>>, vector<16xf32>,
          %mul3A_1026 = arith.mulf %get3A_1013, %gather3A_799 : vector<16xf32>
          %mul3A_1027 = arith.mulf %get3A_1016, %gather3A_802 : vector<16xf32>
          %add3A_1028 = arith.addf %mul3A_1026, %mul3A_1027 : vector<16xf32>
          %mul3A_1029 = arith.mulf %get3A_1019, %gather3A_805 : vector<16xf32>
          %mul3A_1030 = arith.mulf %get3A_1022, %gather3A_808 : vector<16xf32>
          %add3A_1031 = arith.addf %mul3A_1029, %mul3A_1030 : vector<16xf32>
          %add3A_1032 = arith.addf %add3A_1028, %add3A_1031 : vector<16xf32>
          %mul3A_1033 = arith.mulf %get3A_1025, %add3A_1032 : vector<16xf32>
          %add3A_1034 = arith.addf %add3A_974, %mul3A_1033 : vector<16xf32>
          %mul3A_1035 = arith.constant 8 : i32
          %mul3A_1036 = arith.muli %scan3A_822, %mul3A_1035 : i32
          %add3A_1037 = arith.constant 7 : i32
          %add3A_1038 = arith.addi %mul3A_1036, %add3A_1037 : i32
          %mul3A_1039 = arith.constant 16 : i32
          %mul3A_1040 = arith.muli %add3A_1038, %mul3A_1039 : i32
          %get3A_1041 = arith.index_cast %scan3A_795 : i32 to index
          %get3A_1042 = arith.index_cast %mul3A_1040 : i32 to index
          %get3A_1043 = tpu.vector_load %arg21[%get3A_1041, %get3A_1042] {strides = array<i32>} : memref<16x384xf32, #tpu.memory_space<vmem>>, vector<16xf32>,
          %get3A_1044 = arith.index_cast %scan3A_795 : i32 to index
          %get3A_1045 = arith.index_cast %mul3A_1040 : i32 to index
          %get3A_1046 = tpu.vector_load %arg22[%get3A_1044, %get3A_1045] {strides = array<i32>} : memref<16x384xf32, #tpu.memory_space<vmem>>, vector<16xf32>,
          %get3A_1047 = arith.index_cast %scan3A_795 : i32 to index
          %get3A_1048 = arith.index_cast %mul3A_1040 : i32 to index
          %get3A_1049 = tpu.vector_load %arg23[%get3A_1047, %get3A_1048] {strides = array<i32>} : memref<16x384xf32, #tpu.memory_space<vmem>>, vector<16xf32>,
          %get3A_1050 = arith.index_cast %scan3A_795 : i32 to index
          %get3A_1051 = arith.index_cast %mul3A_1040 : i32 to index
          %get3A_1052 = tpu.vector_load %arg24[%get3A_1050, %get3A_1051] {strides = array<i32>} : memref<16x384xf32, #tpu.memory_space<vmem>>, vector<16xf32>,
          %get3A_1053 = arith.index_cast %scan3A_795 : i32 to index
          %get3A_1054 = arith.index_cast %mul3A_1040 : i32 to index
          %get3A_1055 = tpu.vector_load %arg29[%get3A_1053, %get3A_1054] {strides = array<i32>} : memref<16x384xf32, #tpu.memory_space<vmem>>, vector<16xf32>,
          %mul3A_1056 = arith.mulf %get3A_1043, %gather3A_799 : vector<16xf32>
          %mul3A_1057 = arith.mulf %get3A_1046, %gather3A_802 : vector<16xf32>
          %add3A_1058 = arith.addf %mul3A_1056, %mul3A_1057 : vector<16xf32>
          %mul3A_1059 = arith.mulf %get3A_1049, %gather3A_805 : vector<16xf32>
          %mul3A_1060 = arith.mulf %get3A_1052, %gather3A_808 : vector<16xf32>
          %add3A_1061 = arith.addf %mul3A_1059, %mul3A_1060 : vector<16xf32>
          %add3A_1062 = arith.addf %add3A_1058, %add3A_1061 : vector<16xf32>
          %mul3A_1063 = arith.mulf %get3A_1055, %add3A_1062 : vector<16xf32>
          %add3A_1064 = arith.addf %add3A_1004, %mul3A_1063 : vector<16xf32>
          scf.yield %add3A_1034, %add3A_1064 : vector<16xf32>, vector<16xf32>
        }
        %scan3A_814 = arith.constant 3 : i32
        %add3A_815 = arith.addf %scan3A_813#0, %scan3A_813#1 : vector<16xf32>
        %swap3A_816 = arith.index_cast %scan3A_795 : i32 to index
        %swap3A_817 = arith.constant 0 : index
        %swap3A_818 = tpu.vector_load %arg31[%swap3A_816, %swap3A_817] {strides = array<i32>} : memref<16x17xf32, #tpu.memory_space<vmem>>, vector<16xf32>,
        tpu.vector_store %arg31[%swap3A_816, %swap3A_817], %add3A_815 {strides = array<i32>} : memref<16x17xf32, #tpu.memory_space<vmem>>, vector<16xf32>,
        %add3A_819 = arith.constant 1 : i32
        %add3A_820 = vector.broadcast %add3A_819 : i32 to vector<16xi32>
        %add3A_821 = arith.addi %scan3A_796, %add3A_820 : vector<16xi32>
        scf.yield %add3A_821 : vector<16xi32>
      }
      %scan3A_487 = arith.constant 16 : i32
      %broadcast_in_dim3A_488 = arith.constant 0 : i32
      %broadcast_in_dim3A_489 = vector.broadcast %broadcast_in_dim3A_488 : i32 to vector<16xi32>
      %gather3A = tpu.vector_load_idx %arg31[%iota3A, %broadcast_in_dim3A_489] : memref<16x17xf32, #tpu.memory_space<vmem>>[vector<16xi32>, vector<16xi32>], vector<16xf32>,
      %broadcast_in_dim3A_490 = arith.constant 1 : i32
      %broadcast_in_dim3A_491 = vector.broadcast %broadcast_in_dim3A_490 : i32 to vector<16xi32>
      %gather3A_492 = tpu.vector_load_idx %arg31[%iota3A, %broadcast_in_dim3A_491] : memref<16x17xf32, #tpu.memory_space<vmem>>[vector<16xi32>, vector<16xi32>], vector<16xf32>,
      %broadcast_in_dim3A_493 = arith.constant 2 : i32
      %broadcast_in_dim3A_494 = vector.broadcast %broadcast_in_dim3A_493 : i32 to vector<16xi32>
      %gather3A_495 = tpu.vector_load_idx %arg31[%iota3A, %broadcast_in_dim3A_494] : memref<16x17xf32, #tpu.memory_space<vmem>>[vector<16xi32>, vector<16xi32>], vector<16xf32>,
      %broadcast_in_dim3A_496 = arith.constant 3 : i32
      %broadcast_in_dim3A_497 = vector.broadcast %broadcast_in_dim3A_496 : i32 to vector<16xi32>
      %gather3A_498 = tpu.vector_load_idx %arg31[%iota3A, %broadcast_in_dim3A_497] : memref<16x17xf32, #tpu.memory_space<vmem>>[vector<16xi32>, vector<16xi32>], vector<16xf32>,
      %broadcast_in_dim3A_499 = arith.constant 4 : i32
      %broadcast_in_dim3A_500 = vector.broadcast %broadcast_in_dim3A_499 : i32 to vector<16xi32>
      %gather3A_501 = tpu.vector_load_idx %arg31[%iota3A, %broadcast_in_dim3A_500] : memref<16x17xf32, #tpu.memory_space<vmem>>[vector<16xi32>, vector<16xi32>], vector<16xf32>,
      %broadcast_in_dim3A_502 = arith.constant 5 : i32
      %broadcast_in_dim3A_503 = vector.broadcast %broadcast_in_dim3A_502 : i32 to vector<16xi32>
      %gather3A_504 = tpu.vector_load_idx %arg31[%iota3A, %broadcast_in_dim3A_503] : memref<16x17xf32, #tpu.memory_space<vmem>>[vector<16xi32>, vector<16xi32>], vector<16xf32>,
      %broadcast_in_dim3A_505 = arith.constant 6 : i32
      %broadcast_in_dim3A_506 = vector.broadcast %broadcast_in_dim3A_505 : i32 to vector<16xi32>
      %gather3A_507 = tpu.vector_load_idx %arg31[%iota3A, %broadcast_in_dim3A_506] : memref<16x17xf32, #tpu.memory_space<vmem>>[vector<16xi32>, vector<16xi32>], vector<16xf32>,
      %broadcast_in_dim3A_508 = arith.constant 7 : i32
      %broadcast_in_dim3A_509 = vector.broadcast %broadcast_in_dim3A_508 : i32 to vector<16xi32>
      %gather3A_510 = tpu.vector_load_idx %arg31[%iota3A, %broadcast_in_dim3A_509] : memref<16x17xf32, #tpu.memory_space<vmem>>[vector<16xi32>, vector<16xi32>], vector<16xf32>,
      %broadcast_in_dim3A_511 = arith.constant 8 : i32
      %broadcast_in_dim3A_512 = vector.broadcast %broadcast_in_dim3A_511 : i32 to vector<16xi32>
      %gather3A_513 = tpu.vector_load_idx %arg31[%iota3A, %broadcast_in_dim3A_512] : memref<16x17xf32, #tpu.memory_space<vmem>>[vector<16xi32>, vector<16xi32>], vector<16xf32>,
      %broadcast_in_dim3A_514 = arith.constant 9 : i32
      %broadcast_in_dim3A_515 = vector.broadcast %broadcast_in_dim3A_514 : i32 to vector<16xi32>
      %gather3A_516 = tpu.vector_load_idx %arg31[%iota3A, %broadcast_in_dim3A_515] : memref<16x17xf32, #tpu.memory_space<vmem>>[vector<16xi32>, vector<16xi32>], vector<16xf32>,
      %broadcast_in_dim3A_517 = arith.constant 10 : i32
      %broadcast_in_dim3A_518 = vector.broadcast %broadcast_in_dim3A_517 : i32 to vector<16xi32>
      %gather3A_519 = tpu.vector_load_idx %arg31[%iota3A, %broadcast_in_dim3A_518] : memref<16x17xf32, #tpu.memory_space<vmem>>[vector<16xi32>, vector<16xi32>], vector<16xf32>,
      %broadcast_in_dim3A_520 = arith.constant 11 : i32
      %broadcast_in_dim3A_521 = vector.broadcast %broadcast_in_dim3A_520 : i32 to vector<16xi32>
      %gather3A_522 = tpu.vector_load_idx %arg31[%iota3A, %broadcast_in_dim3A_521] : memref<16x17xf32, #tpu.memory_space<vmem>>[vector<16xi32>, vector<16xi32>], vector<16xf32>,
      %broadcast_in_dim3A_523 = arith.constant 12 : i32
      %broadcast_in_dim3A_524 = vector.broadcast %broadcast_in_dim3A_523 : i32 to vector<16xi32>
      %gather3A_525 = tpu.vector_load_idx %arg31[%iota3A, %broadcast_in_dim3A_524] : memref<16x17xf32, #tpu.memory_space<vmem>>[vector<16xi32>, vector<16xi32>], vector<16xf32>,
      %broadcast_in_dim3A_526 = arith.constant 13 : i32
      %broadcast_in_dim3A_527 = vector.broadcast %broadcast_in_dim3A_526 : i32 to vector<16xi32>
      %gather3A_528 = tpu.vector_load_idx %arg31[%iota3A, %broadcast_in_dim3A_527] : memref<16x17xf32, #tpu.memory_space<vmem>>[vector<16xi32>, vector<16xi32>], vector<16xf32>,
      %broadcast_in_dim3A_529 = arith.constant 14 : i32
      %broadcast_in_dim3A_530 = vector.broadcast %broadcast_in_dim3A_529 : i32 to vector<16xi32>
      %gather3A_531 = tpu.vector_load_idx %arg31[%iota3A, %broadcast_in_dim3A_530] : memref<16x17xf32, #tpu.memory_space<vmem>>[vector<16xi32>, vector<16xi32>], vector<16xf32>,
      %broadcast_in_dim3A_532 = arith.constant 15 : i32
      %broadcast_in_dim3A_533 = vector.broadcast %broadcast_in_dim3A_532 : i32 to vector<16xi32>
      %gather3A_534 = tpu.vector_load_idx %arg31[%iota3A, %broadcast_in_dim3A_533] : memref<16x17xf32, #tpu.memory_space<vmem>>[vector<16xi32>, vector<16xi32>], vector<16xf32>,
      %add3A_535 = arith.addf %gather3A, %gather3A_492 : vector<16xf32>
      %add3A_536 = arith.addf %gather3A_495, %gather3A_498 : vector<16xf32>
      %add3A_537 = arith.addf %gather3A_501, %gather3A_504 : vector<16xf32>
      %add3A_538 = arith.addf %gather3A_507, %gather3A_510 : vector<16xf32>
      %add3A_539 = arith.addf %gather3A_513, %gather3A_516 : vector<16xf32>
      %add3A_540 = arith.addf %gather3A_519, %gather3A_522 : vector<16xf32>
      %add3A_541 = arith.addf %gather3A_525, %gather3A_528 : vector<16xf32>
      %add3A_542 = arith.addf %gather3A_531, %gather3A_534 : vector<16xf32>
      %add3A_543 = arith.addf %add3A_535, %add3A_536 : vector<16xf32>
      %add3A_544 = arith.addf %add3A_537, %add3A_538 : vector<16xf32>
      %add3A_545 = arith.addf %add3A_539, %add3A_540 : vector<16xf32>
      %add3A_546 = arith.addf %add3A_541, %add3A_542 : vector<16xf32>
      %add3A_547 = arith.addf %add3A_543, %add3A_544 : vector<16xf32>
      %add3A_548 = arith.addf %add3A_545, %add3A_546 : vector<16xf32>
      %add3A_549 = arith.addf %add3A_547, %add3A_548 : vector<16xf32>
      %mul3A_550 = arith.constant 16 : i32
      %mul3A_551 = arith.muli %add3A_335, %mul3A_550 : i32
      %swap3A_552 = arith.index_cast %mul3A_551 : i32 to index
      %swap3A_553 = tpu.vector_load %arg32[%swap3A_552] {strides = array<i32>} : memref<3136xf32, #tpu.memory_space<vmem>>, vector<16xf32>,
      tpu.vector_store %arg32[%swap3A_552], %add3A_549 {strides = array<i32>} : memref<3136xf32, #tpu.memory_space<vmem>>, vector<16xf32>,
      %add3A_554 = arith.constant 2 : i32
      %add3A_555 = arith.addi %add3A_335, %add3A_554 : i32
      %lt3A_556 = arith.constant 196 : i32
      %lt3A_557 = arith.cmpi slt, %add3A_555, %lt3A_556 : i32
      %add3A_558 = arith.constant 2 : i32
      %add3A_559 = arith.addi %add3A_335, %add3A_558 : i32
      %convert_element_type3A_560 = arith.extui %lt3A_557 : i1 to i32
      %cond3A = arith.constant 0 : i32
      %cond3A_561 = arith.cmpi ne, %convert_element_type3A_560, %cond3A : i32
      scf.if %cond3A_561 {
        %mul3A_795 = arith.constant 16 : i32
        %mul3A_796 = arith.muli %add3A_559, %mul3A_795 : i32
        %get3A_797 = arith.index_cast %mul3A_796 : i32 to index
        %get3A_798 = tpu.vector_load %arg10[%get3A_797] {strides = array<i32>} : memref<3136xf32, #tpu.memory_space<vmem>>, vector<16xf32>,
        %get3A_799 = arith.index_cast %mul3A_796 : i32 to index
        %get3A_800 = tpu.vector_load %arg8[%get3A_799] {strides = array<i32>} : memref<3136xf32, #tpu.memory_space<vmem>>, vector<16xf32>,
        %add3A_801 = arith.addf %get3A_798, %get3A_800 : vector<16xf32>
        %get3A_802 = arith.index_cast %mul3A_796 : i32 to index
        %get3A_803 = tpu.vector_load %arg11[%get3A_802] {strides = array<i32>} : memref<3136xf32, #tpu.memory_space<vmem>>, vector<16xf32>,
        %get3A_804 = arith.index_cast %mul3A_796 : i32 to index
        %get3A_805 = tpu.vector_load %arg9[%get3A_804] {strides = array<i32>} : memref<3136xf32, #tpu.memory_space<vmem>>, vector<16xf32>,
        %add3A_806 = arith.addf %get3A_803, %get3A_805 : vector<16xf32>
        %convert_element_type3A_807 = arith.fptosi %add3A_801 : vector<16xf32> to vector<16xi32>
        %convert_element_type3A_808 = arith.fptosi %add3A_806 : vector<16xf32> to vector<16xi32>
        %convert_element_type3A_809 = arith.sitofp %convert_element_type3A_807 : vector<16xi32> to vector<16xf32>
        %gt3A_810 = arith.cmpf ogt, %convert_element_type3A_809, %add3A_801 : vector<16xf32>
        %sub3A_811 = arith.constant 1 : i32
        %sub3A_812 = vector.broadcast %sub3A_811 : i32 to vector<16xi32>
        %sub3A_813 = arith.subi %convert_element_type3A_807, %sub3A_812 : vector<16xi32>
        %select_n3A_814 = arith.select %gt3A_810, %sub3A_813, %convert_element_type3A_807 : vector<16xi1>, vector<16xi32>
        %convert_element_type3A_815 = arith.sitofp %convert_element_type3A_808 : vector<16xi32> to vector<16xf32>
        %gt3A_816 = arith.cmpf ogt, %convert_element_type3A_815, %add3A_806 : vector<16xf32>
        %sub3A_817 = arith.constant 1 : i32
        %sub3A_818 = vector.broadcast %sub3A_817 : i32 to vector<16xi32>
        %sub3A_819 = arith.subi %convert_element_type3A_808, %sub3A_818 : vector<16xi32>
        %select_n3A_820 = arith.select %gt3A_816, %sub3A_819, %convert_element_type3A_808 : vector<16xi1>, vector<16xi32>
        %convert_element_type3A_821 = arith.sitofp %select_n3A_814 : vector<16xi32> to vector<16xf32>
        %sub3A_822 = arith.subf %add3A_801, %convert_element_type3A_821 : vector<16xf32>
        %convert_element_type3A_823 = arith.sitofp %select_n3A_820 : vector<16xi32> to vector<16xf32>
        %sub3A_824 = arith.subf %add3A_806, %convert_element_type3A_823 : vector<16xf32>
        %sub3A_825 = arith.constant 1.000000e+00 : f32
        %sub3A_826 = vector.broadcast %sub3A_825 : f32 to vector<16xf32>
        %sub3A_827 = arith.subf %sub3A_826, %sub3A_822 : vector<16xf32>
        %sub3A_828 = arith.constant 1.000000e+00 : f32
        %sub3A_829 = vector.broadcast %sub3A_828 : f32 to vector<16xf32>
        %sub3A_830 = arith.subf %sub3A_829, %sub3A_824 : vector<16xf32>
        %add3A_831 = arith.constant 1 : i32
        %add3A_832 = vector.broadcast %add3A_831 : i32 to vector<16xi32>
        %add3A_833 = arith.addi %select_n3A_814, %add3A_832 : vector<16xi32>
        %add3A_834 = arith.constant 1 : i32
        %add3A_835 = vector.broadcast %add3A_834 : i32 to vector<16xi32>
        %add3A_836 = arith.addi %select_n3A_820, %add3A_835 : vector<16xi32>
        %broadcast_in_dim3A_837 = arith.constant 0.000000e+00 : f32
        %broadcast_in_dim3A_838 = vector.broadcast %broadcast_in_dim3A_837 : f32 to vector<16xf32>
        %ge3A_839 = arith.constant 0 : i32
        %ge3A_840 = vector.broadcast %ge3A_839 : i32 to vector<16xi32>
        %ge3A_841 = arith.cmpi sge, %select_n3A_814, %ge3A_840 : vector<16xi32>
        %lt3A_842 = arith.constant 224 : i32
        %lt3A_843 = vector.broadcast %lt3A_842 : i32 to vector<16xi32>
        %lt3A_844 = arith.cmpi slt, %select_n3A_814, %lt3A_843 : vector<16xi32>
        %and3A_845 = arith.andi %ge3A_841, %lt3A_844 : vector<16xi1>
        %select_n3A_846 = arith.select %and3A_845, %sub3A_827, %broadcast_in_dim3A_838 : vector<16xi1>, vector<16xf32>
        %ge3A_847 = arith.constant 0 : i32
        %ge3A_848 = vector.broadcast %ge3A_847 : i32 to vector<16xi32>
        %ge3A_849 = arith.cmpi sge, %add3A_833, %ge3A_848 : vector<16xi32>
        %lt3A_850 = arith.constant 224 : i32
        %lt3A_851 = vector.broadcast %lt3A_850 : i32 to vector<16xi32>
        %lt3A_852 = arith.cmpi slt, %add3A_833, %lt3A_851 : vector<16xi32>
        %and3A_853 = arith.andi %ge3A_849, %lt3A_852 : vector<16xi1>
        %select_n3A_854 = arith.select %and3A_853, %sub3A_822, %broadcast_in_dim3A_838 : vector<16xi1>, vector<16xf32>
        %ge3A_855 = arith.constant 0 : i32
        %ge3A_856 = vector.broadcast %ge3A_855 : i32 to vector<16xi32>
        %ge3A_857 = arith.cmpi sge, %select_n3A_820, %ge3A_856 : vector<16xi32>
        %lt3A_858 = arith.constant 224 : i32
        %lt3A_859 = vector.broadcast %lt3A_858 : i32 to vector<16xi32>
        %lt3A_860 = arith.cmpi slt, %select_n3A_820, %lt3A_859 : vector<16xi32>
        %and3A_861 = arith.andi %ge3A_857, %lt3A_860 : vector<16xi1>
        %select_n3A_862 = arith.select %and3A_861, %sub3A_830, %broadcast_in_dim3A_838 : vector<16xi1>, vector<16xf32>
        %ge3A_863 = arith.constant 0 : i32
        %ge3A_864 = vector.broadcast %ge3A_863 : i32 to vector<16xi32>
        %ge3A_865 = arith.cmpi sge, %add3A_836, %ge3A_864 : vector<16xi32>
        %lt3A_866 = arith.constant 224 : i32
        %lt3A_867 = vector.broadcast %lt3A_866 : i32 to vector<16xi32>
        %lt3A_868 = arith.cmpi slt, %add3A_836, %lt3A_867 : vector<16xi32>
        %and3A_869 = arith.andi %ge3A_865, %lt3A_868 : vector<16xi1>
        %select_n3A_870 = arith.select %and3A_869, %sub3A_824, %broadcast_in_dim3A_838 : vector<16xi1>, vector<16xf32>
        %max3A_871 = arith.constant 0 : i32
        %max3A_872 = vector.broadcast %max3A_871 : i32 to vector<16xi32>
        %max3A_873 = arith.maxsi %select_n3A_814, %max3A_872 : vector<16xi32>
        %min3A_874 = arith.constant 223 : i32
        %min3A_875 = vector.broadcast %min3A_874 : i32 to vector<16xi32>
        %min3A_876 = arith.minsi %max3A_873, %min3A_875 : vector<16xi32>
        %max3A_877 = arith.constant 0 : i32
        %max3A_878 = vector.broadcast %max3A_877 : i32 to vector<16xi32>
        %max3A_879 = arith.maxsi %add3A_833, %max3A_878 : vector<16xi32>
        %min3A_880 = arith.constant 223 : i32
        %min3A_881 = vector.broadcast %min3A_880 : i32 to vector<16xi32>
        %min3A_882 = arith.minsi %max3A_879, %min3A_881 : vector<16xi32>
        %max3A_883 = arith.constant 0 : i32
        %max3A_884 = vector.broadcast %max3A_883 : i32 to vector<16xi32>
        %max3A_885 = arith.maxsi %select_n3A_820, %max3A_884 : vector<16xi32>
        %min3A_886 = arith.constant 223 : i32
        %min3A_887 = vector.broadcast %min3A_886 : i32 to vector<16xi32>
        %min3A_888 = arith.minsi %max3A_885, %min3A_887 : vector<16xi32>
        %max3A_889 = arith.constant 0 : i32
        %max3A_890 = vector.broadcast %max3A_889 : i32 to vector<16xi32>
        %max3A_891 = arith.maxsi %add3A_836, %max3A_890 : vector<16xi32>
        %min3A_892 = arith.constant 223 : i32
        %min3A_893 = vector.broadcast %min3A_892 : i32 to vector<16xi32>
        %min3A_894 = arith.minsi %max3A_891, %min3A_893 : vector<16xi32>
        %mul3A_895 = arith.constant 224 : i32
        %mul3A_896 = vector.broadcast %mul3A_895 : i32 to vector<16xi32>
        %mul3A_897 = arith.muli %min3A_888, %mul3A_896 : vector<16xi32>
        %add3A_898 = arith.addi %mul3A_897, %min3A_876 : vector<16xi32>
        %add3A_899 = arith.addi %add3A_898, %get3A_38 : vector<16xi32>
        %mul3A_900 = arith.constant 224 : i32
        %mul3A_901 = vector.broadcast %mul3A_900 : i32 to vector<16xi32>
        %mul3A_902 = arith.muli %min3A_888, %mul3A_901 : vector<16xi32>
        %add3A_903 = arith.addi %mul3A_902, %min3A_882 : vector<16xi32>
        %add3A_904 = arith.addi %add3A_903, %get3A_38 : vector<16xi32>
        %mul3A_905 = arith.constant 224 : i32
        %mul3A_906 = vector.broadcast %mul3A_905 : i32 to vector<16xi32>
        %mul3A_907 = arith.muli %min3A_894, %mul3A_906 : vector<16xi32>
        %add3A_908 = arith.addi %mul3A_907, %min3A_876 : vector<16xi32>
        %add3A_909 = arith.addi %add3A_908, %get3A_38 : vector<16xi32>
        %mul3A_910 = arith.constant 224 : i32
        %mul3A_911 = vector.broadcast %mul3A_910 : i32 to vector<16xi32>
        %mul3A_912 = arith.muli %min3A_894, %mul3A_911 : vector<16xi32>
        %add3A_913 = arith.addi %mul3A_912, %min3A_882 : vector<16xi32>
        %add3A_914 = arith.addi %add3A_913, %get3A_38 : vector<16xi32>
        %mul3A_915 = arith.mulf %select_n3A_862, %select_n3A_846 : vector<16xf32>
        %mul3A_916 = arith.mulf %select_n3A_862, %select_n3A_854 : vector<16xf32>
        %mul3A_917 = arith.mulf %select_n3A_870, %select_n3A_846 : vector<16xf32>
        %mul3A_918 = arith.mulf %select_n3A_870, %select_n3A_854 : vector<16xf32>
        %swap3A_919 = arith.constant 0 : index
        %swap3A_920 = tpu.vector_load %arg13[%swap3A_919] {strides = array<i32>} : memref<16xi32, #tpu.memory_space<vmem>>, vector<16xi32>,
        tpu.vector_store %arg13[%swap3A_919], %add3A_899 {strides = array<i32>} : memref<16xi32, #tpu.memory_space<vmem>>, vector<16xi32>,
        %swap3A_921 = arith.constant 0 : index
        %swap3A_922 = tpu.vector_load %arg14[%swap3A_921] {strides = array<i32>} : memref<16xi32, #tpu.memory_space<vmem>>, vector<16xi32>,
        tpu.vector_store %arg14[%swap3A_921], %add3A_904 {strides = array<i32>} : memref<16xi32, #tpu.memory_space<vmem>>, vector<16xi32>,
        %swap3A_923 = arith.constant 0 : index
        %swap3A_924 = tpu.vector_load %arg15[%swap3A_923] {strides = array<i32>} : memref<16xi32, #tpu.memory_space<vmem>>, vector<16xi32>,
        tpu.vector_store %arg15[%swap3A_923], %add3A_909 {strides = array<i32>} : memref<16xi32, #tpu.memory_space<vmem>>, vector<16xi32>,
        %swap3A_925 = arith.constant 0 : index
        %swap3A_926 = tpu.vector_load %arg16[%swap3A_925] {strides = array<i32>} : memref<16xi32, #tpu.memory_space<vmem>>, vector<16xi32>,
        tpu.vector_store %arg16[%swap3A_925], %add3A_914 {strides = array<i32>} : memref<16xi32, #tpu.memory_space<vmem>>, vector<16xi32>,
        %mul3A_927 = arith.constant 16 : i32
        %mul3A_928 = arith.muli %add3A_559, %mul3A_927 : i32
        %add3A_929 = arith.addi %mul3A_2, %mul3A_928 : i32
        %dma_start3A_930 = arith.constant 0 : i32
        %dma_start3A_931 = arith.constant 0 : i32
        %dma_start3A_932 = tpu.memref_slice %arg2[%dma_start3A_930, %dma_start3A_931] : memref<100352x384xf32, #tpu.memory_space<hbm>> -> memref<100352x384xf32, #tpu.memory_space<hbm>>
        tpu.enqueue_indirect_dma source(%dma_start3A_932 : memref<100352x384xf32, #tpu.memory_space<hbm>>) target(%arg21 : memref<16x384xf32, #tpu.memory_space<vmem>>) offsets(%arg13 : memref<16xi32, #tpu.memory_space<vmem>>) semaphore(%arg33 : memref<!tpu.dma_semaphore, #tpu.memory_space<semaphore_mem>>)
        %dma_start3A_933 = arith.constant 0 : i32
        %dma_start3A_934 = arith.constant 0 : i32
        %dma_start3A_935 = tpu.memref_slice %arg2[%dma_start3A_933, %dma_start3A_934] : memref<100352x384xf32, #tpu.memory_space<hbm>> -> memref<100352x384xf32, #tpu.memory_space<hbm>>
        tpu.enqueue_indirect_dma source(%dma_start3A_935 : memref<100352x384xf32, #tpu.memory_space<hbm>>) target(%arg22 : memref<16x384xf32, #tpu.memory_space<vmem>>) offsets(%arg14 : memref<16xi32, #tpu.memory_space<vmem>>) semaphore(%arg33 : memref<!tpu.dma_semaphore, #tpu.memory_space<semaphore_mem>>)
        %dma_start3A_936 = arith.constant 0 : i32
        %dma_start3A_937 = arith.constant 0 : i32
        %dma_start3A_938 = tpu.memref_slice %arg2[%dma_start3A_936, %dma_start3A_937] : memref<100352x384xf32, #tpu.memory_space<hbm>> -> memref<100352x384xf32, #tpu.memory_space<hbm>>
        tpu.enqueue_indirect_dma source(%dma_start3A_938 : memref<100352x384xf32, #tpu.memory_space<hbm>>) target(%arg23 : memref<16x384xf32, #tpu.memory_space<vmem>>) offsets(%arg15 : memref<16xi32, #tpu.memory_space<vmem>>) semaphore(%arg33 : memref<!tpu.dma_semaphore, #tpu.memory_space<semaphore_mem>>)
        %dma_start3A_939 = arith.constant 0 : i32
        %dma_start3A_940 = arith.constant 0 : i32
        %dma_start3A_941 = tpu.memref_slice %arg2[%dma_start3A_939, %dma_start3A_940] : memref<100352x384xf32, #tpu.memory_space<hbm>> -> memref<100352x384xf32, #tpu.memory_space<hbm>>
        tpu.enqueue_indirect_dma source(%dma_start3A_941 : memref<100352x384xf32, #tpu.memory_space<hbm>>) target(%arg24 : memref<16x384xf32, #tpu.memory_space<vmem>>) offsets(%arg16 : memref<16xi32, #tpu.memory_space<vmem>>) semaphore(%arg33 : memref<!tpu.dma_semaphore, #tpu.memory_space<semaphore_mem>>)
        %dma_start3A_942 = arith.constant 0 : i32
        %dma_start3A_943 = tpu.memref_slice %arg3[%add3A_929, %dma_start3A_942] : memref<100352x384xf32, #tpu.memory_space<hbm>> -> memref<16x384xf32, #tpu.memory_space<hbm>>
        %dma_start3A_944 = arith.constant 0 : i32
        %dma_start3A_945 = tpu.memref_slice %arg3[%add3A_929, %dma_start3A_944] : memref<100352x384xf32, #tpu.memory_space<hbm>> -> memref<16x384xf32, #tpu.memory_space<hbm>>
        tpu.enqueue_dma source(%dma_start3A_945 : memref<16x384xf32, #tpu.memory_space<hbm>>) target(%arg29 : memref<16x384xf32, #tpu.memory_space<vmem>>) target_semaphore(%arg35 : memref<!tpu.dma_semaphore, #tpu.memory_space<semaphore_mem>>)
      } else {
      }
      %mul3A_562 = arith.constant 2 : i32
      %mul3A_563 = arith.muli %scan3A_331, %mul3A_562 : i32
      %add3A_564 = arith.constant 1 : i32
      %add3A_565 = arith.addi %mul3A_563, %add3A_564 : i32
      %mul3A_566 = arith.constant 16 : i32
      %mul3A_567 = arith.muli %add3A_565, %mul3A_566 : i32
      %add3A_568 = arith.addi %mul3A_2, %mul3A_567 : i32
      %dma_wait3A_569 = arith.constant 0 : i32
      %dma_wait3A_570 = arith.constant 0 : i32
      %dma_wait3A_571 = tpu.memref_slice %arg2[%dma_wait3A_569, %dma_wait3A_570] : memref<100352x384xf32, #tpu.memory_space<hbm>> -> memref<100352x384xf32, #tpu.memory_space<hbm>>
      tpu.wait_indirect_dma semaphore(%arg34 : memref<!tpu.dma_semaphore, #tpu.memory_space<semaphore_mem>>) src(%dma_wait3A_571 : memref<100352x384xf32, #tpu.memory_space<hbm>>) dst(%arg25 : memref<16x384xf32, #tpu.memory_space<vmem>>)
      %dma_wait3A_572 = arith.constant 0 : i32
      %dma_wait3A_573 = arith.constant 0 : i32
      %dma_wait3A_574 = tpu.memref_slice %arg2[%dma_wait3A_572, %dma_wait3A_573] : memref<100352x384xf32, #tpu.memory_space<hbm>> -> memref<100352x384xf32, #tpu.memory_space<hbm>>
      tpu.wait_indirect_dma semaphore(%arg34 : memref<!tpu.dma_semaphore, #tpu.memory_space<semaphore_mem>>) src(%dma_wait3A_574 : memref<100352x384xf32, #tpu.memory_space<hbm>>) dst(%arg26 : memref<16x384xf32, #tpu.memory_space<vmem>>)
      %dma_wait3A_575 = arith.constant 0 : i32
      %dma_wait3A_576 = arith.constant 0 : i32
      %dma_wait3A_577 = tpu.memref_slice %arg2[%dma_wait3A_575, %dma_wait3A_576] : memref<100352x384xf32, #tpu.memory_space<hbm>> -> memref<100352x384xf32, #tpu.memory_space<hbm>>
      tpu.wait_indirect_dma semaphore(%arg34 : memref<!tpu.dma_semaphore, #tpu.memory_space<semaphore_mem>>) src(%dma_wait3A_577 : memref<100352x384xf32, #tpu.memory_space<hbm>>) dst(%arg27 : memref<16x384xf32, #tpu.memory_space<vmem>>)
      %dma_wait3A_578 = arith.constant 0 : i32
      %dma_wait3A_579 = arith.constant 0 : i32
      %dma_wait3A_580 = tpu.memref_slice %arg2[%dma_wait3A_578, %dma_wait3A_579] : memref<100352x384xf32, #tpu.memory_space<hbm>> -> memref<100352x384xf32, #tpu.memory_space<hbm>>
      tpu.wait_indirect_dma semaphore(%arg34 : memref<!tpu.dma_semaphore, #tpu.memory_space<semaphore_mem>>) src(%dma_wait3A_580 : memref<100352x384xf32, #tpu.memory_space<hbm>>) dst(%arg28 : memref<16x384xf32, #tpu.memory_space<vmem>>)
      %dma_wait3A_581 = arith.constant 0 : i32
      %dma_wait3A_582 = tpu.memref_slice %arg3[%add3A_568, %dma_wait3A_581] : memref<100352x384xf32, #tpu.memory_space<hbm>> -> memref<16x384xf32, #tpu.memory_space<hbm>>
      %dma_wait3A_583 = arith.constant 0 : i32
      %dma_wait3A_584 = tpu.memref_slice %arg3[%add3A_568, %dma_wait3A_583] : memref<100352x384xf32, #tpu.memory_space<hbm>> -> memref<16x384xf32, #tpu.memory_space<hbm>>
      tpu.wait_dma2 semaphore(%arg36 : memref<!tpu.dma_semaphore, #tpu.memory_space<semaphore_mem>>) src(%dma_wait3A_584 : memref<16x384xf32, #tpu.memory_space<hbm>>) dst(%arg30 : memref<16x384xf32, #tpu.memory_space<vmem>>)
      %mul3A_585 = arith.constant 16 : i32
      %mul3A_586 = arith.muli %add3A_565, %mul3A_585 : i32
      %get3A_587 = arith.index_cast %mul3A_586 : i32 to index
      %get3A_588 = tpu.vector_load %arg10[%get3A_587] {strides = array<i32>} : memref<3136xf32, #tpu.memory_space<vmem>>, vector<16xf32>,
      %get3A_589 = arith.index_cast %mul3A_586 : i32 to index
      %get3A_590 = tpu.vector_load %arg8[%get3A_589] {strides = array<i32>} : memref<3136xf32, #tpu.memory_space<vmem>>, vector<16xf32>,
      %add3A_591 = arith.addf %get3A_588, %get3A_590 : vector<16xf32>
      %get3A_592 = arith.index_cast %mul3A_586 : i32 to index
      %get3A_593 = tpu.vector_load %arg11[%get3A_592] {strides = array<i32>} : memref<3136xf32, #tpu.memory_space<vmem>>, vector<16xf32>,
      %get3A_594 = arith.index_cast %mul3A_586 : i32 to index
      %get3A_595 = tpu.vector_load %arg9[%get3A_594] {strides = array<i32>} : memref<3136xf32, #tpu.memory_space<vmem>>, vector<16xf32>,
      %add3A_596 = arith.addf %get3A_593, %get3A_595 : vector<16xf32>
      %convert_element_type3A_597 = arith.fptosi %add3A_591 : vector<16xf32> to vector<16xi32>
      %convert_element_type3A_598 = arith.fptosi %add3A_596 : vector<16xf32> to vector<16xi32>
      %convert_element_type3A_599 = arith.sitofp %convert_element_type3A_597 : vector<16xi32> to vector<16xf32>
      %gt3A_600 = arith.cmpf ogt, %convert_element_type3A_599, %add3A_591 : vector<16xf32>
      %sub3A_601 = arith.constant 1 : i32
      %sub3A_602 = vector.broadcast %sub3A_601 : i32 to vector<16xi32>
      %sub3A_603 = arith.subi %convert_element_type3A_597, %sub3A_602 : vector<16xi32>
      %select_n3A_604 = arith.select %gt3A_600, %sub3A_603, %convert_element_type3A_597 : vector<16xi1>, vector<16xi32>
      %convert_element_type3A_605 = arith.sitofp %convert_element_type3A_598 : vector<16xi32> to vector<16xf32>
      %gt3A_606 = arith.cmpf ogt, %convert_element_type3A_605, %add3A_596 : vector<16xf32>
      %sub3A_607 = arith.constant 1 : i32
      %sub3A_608 = vector.broadcast %sub3A_607 : i32 to vector<16xi32>
      %sub3A_609 = arith.subi %convert_element_type3A_598, %sub3A_608 : vector<16xi32>
      %select_n3A_610 = arith.select %gt3A_606, %sub3A_609, %convert_element_type3A_598 : vector<16xi1>, vector<16xi32>
      %convert_element_type3A_611 = arith.sitofp %select_n3A_604 : vector<16xi32> to vector<16xf32>
      %sub3A_612 = arith.subf %add3A_591, %convert_element_type3A_611 : vector<16xf32>
      %convert_element_type3A_613 = arith.sitofp %select_n3A_610 : vector<16xi32> to vector<16xf32>
      %sub3A_614 = arith.subf %add3A_596, %convert_element_type3A_613 : vector<16xf32>
      %sub3A_615 = arith.constant 1.000000e+00 : f32
      %sub3A_616 = vector.broadcast %sub3A_615 : f32 to vector<16xf32>
      %sub3A_617 = arith.subf %sub3A_616, %sub3A_612 : vector<16xf32>
      %sub3A_618 = arith.constant 1.000000e+00 : f32
      %sub3A_619 = vector.broadcast %sub3A_618 : f32 to vector<16xf32>
      %sub3A_620 = arith.subf %sub3A_619, %sub3A_614 : vector<16xf32>
      %add3A_621 = arith.constant 1 : i32
      %add3A_622 = vector.broadcast %add3A_621 : i32 to vector<16xi32>
      %add3A_623 = arith.addi %select_n3A_604, %add3A_622 : vector<16xi32>
      %add3A_624 = arith.constant 1 : i32
      %add3A_625 = vector.broadcast %add3A_624 : i32 to vector<16xi32>
      %add3A_626 = arith.addi %select_n3A_610, %add3A_625 : vector<16xi32>
      %broadcast_in_dim3A_627 = arith.constant 0.000000e+00 : f32
      %broadcast_in_dim3A_628 = vector.broadcast %broadcast_in_dim3A_627 : f32 to vector<16xf32>
      %ge3A_629 = arith.constant 0 : i32
      %ge3A_630 = vector.broadcast %ge3A_629 : i32 to vector<16xi32>
      %ge3A_631 = arith.cmpi sge, %select_n3A_604, %ge3A_630 : vector<16xi32>
      %lt3A_632 = arith.constant 224 : i32
      %lt3A_633 = vector.broadcast %lt3A_632 : i32 to vector<16xi32>
      %lt3A_634 = arith.cmpi slt, %select_n3A_604, %lt3A_633 : vector<16xi32>
      %and3A_635 = arith.andi %ge3A_631, %lt3A_634 : vector<16xi1>
      %select_n3A_636 = arith.select %and3A_635, %sub3A_617, %broadcast_in_dim3A_628 : vector<16xi1>, vector<16xf32>
      %ge3A_637 = arith.constant 0 : i32
      %ge3A_638 = vector.broadcast %ge3A_637 : i32 to vector<16xi32>
      %ge3A_639 = arith.cmpi sge, %add3A_623, %ge3A_638 : vector<16xi32>
      %lt3A_640 = arith.constant 224 : i32
      %lt3A_641 = vector.broadcast %lt3A_640 : i32 to vector<16xi32>
      %lt3A_642 = arith.cmpi slt, %add3A_623, %lt3A_641 : vector<16xi32>
      %and3A_643 = arith.andi %ge3A_639, %lt3A_642 : vector<16xi1>
      %select_n3A_644 = arith.select %and3A_643, %sub3A_612, %broadcast_in_dim3A_628 : vector<16xi1>, vector<16xf32>
      %ge3A_645 = arith.constant 0 : i32
      %ge3A_646 = vector.broadcast %ge3A_645 : i32 to vector<16xi32>
      %ge3A_647 = arith.cmpi sge, %select_n3A_610, %ge3A_646 : vector<16xi32>
      %lt3A_648 = arith.constant 224 : i32
      %lt3A_649 = vector.broadcast %lt3A_648 : i32 to vector<16xi32>
      %lt3A_650 = arith.cmpi slt, %select_n3A_610, %lt3A_649 : vector<16xi32>
      %and3A_651 = arith.andi %ge3A_647, %lt3A_650 : vector<16xi1>
      %select_n3A_652 = arith.select %and3A_651, %sub3A_620, %broadcast_in_dim3A_628 : vector<16xi1>, vector<16xf32>
      %ge3A_653 = arith.constant 0 : i32
      %ge3A_654 = vector.broadcast %ge3A_653 : i32 to vector<16xi32>
      %ge3A_655 = arith.cmpi sge, %add3A_626, %ge3A_654 : vector<16xi32>
      %lt3A_656 = arith.constant 224 : i32
      %lt3A_657 = vector.broadcast %lt3A_656 : i32 to vector<16xi32>
      %lt3A_658 = arith.cmpi slt, %add3A_626, %lt3A_657 : vector<16xi32>
      %and3A_659 = arith.andi %ge3A_655, %lt3A_658 : vector<16xi1>
      %select_n3A_660 = arith.select %and3A_659, %sub3A_614, %broadcast_in_dim3A_628 : vector<16xi1>, vector<16xf32>
      %max3A_661 = arith.constant 0 : i32
      %max3A_662 = vector.broadcast %max3A_661 : i32 to vector<16xi32>
      %max3A_663 = arith.maxsi %select_n3A_604, %max3A_662 : vector<16xi32>
      %min3A_664 = arith.constant 223 : i32
      %min3A_665 = vector.broadcast %min3A_664 : i32 to vector<16xi32>
      %min3A_666 = arith.minsi %max3A_663, %min3A_665 : vector<16xi32>
      %max3A_667 = arith.constant 0 : i32
      %max3A_668 = vector.broadcast %max3A_667 : i32 to vector<16xi32>
      %max3A_669 = arith.maxsi %add3A_623, %max3A_668 : vector<16xi32>
      %min3A_670 = arith.constant 223 : i32
      %min3A_671 = vector.broadcast %min3A_670 : i32 to vector<16xi32>
      %min3A_672 = arith.minsi %max3A_669, %min3A_671 : vector<16xi32>
      %max3A_673 = arith.constant 0 : i32
      %max3A_674 = vector.broadcast %max3A_673 : i32 to vector<16xi32>
      %max3A_675 = arith.maxsi %select_n3A_610, %max3A_674 : vector<16xi32>
      %min3A_676 = arith.constant 223 : i32
      %min3A_677 = vector.broadcast %min3A_676 : i32 to vector<16xi32>
      %min3A_678 = arith.minsi %max3A_675, %min3A_677 : vector<16xi32>
      %max3A_679 = arith.constant 0 : i32
      %max3A_680 = vector.broadcast %max3A_679 : i32 to vector<16xi32>
      %max3A_681 = arith.maxsi %add3A_626, %max3A_680 : vector<16xi32>
      %min3A_682 = arith.constant 223 : i32
      %min3A_683 = vector.broadcast %min3A_682 : i32 to vector<16xi32>
      %min3A_684 = arith.minsi %max3A_681, %min3A_683 : vector<16xi32>
      %mul3A_685 = arith.constant 224 : i32
      %mul3A_686 = vector.broadcast %mul3A_685 : i32 to vector<16xi32>
      %mul3A_687 = arith.muli %min3A_678, %mul3A_686 : vector<16xi32>
      %add3A_688 = arith.addi %mul3A_687, %min3A_666 : vector<16xi32>
      %add3A_689 = arith.addi %add3A_688, %get3A_38 : vector<16xi32>
      %mul3A_690 = arith.constant 224 : i32
      %mul3A_691 = vector.broadcast %mul3A_690 : i32 to vector<16xi32>
      %mul3A_692 = arith.muli %min3A_678, %mul3A_691 : vector<16xi32>
      %add3A_693 = arith.addi %mul3A_692, %min3A_672 : vector<16xi32>
      %add3A_694 = arith.addi %add3A_693, %get3A_38 : vector<16xi32>
      %mul3A_695 = arith.constant 224 : i32
      %mul3A_696 = vector.broadcast %mul3A_695 : i32 to vector<16xi32>
      %mul3A_697 = arith.muli %min3A_684, %mul3A_696 : vector<16xi32>
      %add3A_698 = arith.addi %mul3A_697, %min3A_666 : vector<16xi32>
      %add3A_699 = arith.addi %add3A_698, %get3A_38 : vector<16xi32>
      %mul3A_700 = arith.constant 224 : i32
      %mul3A_701 = vector.broadcast %mul3A_700 : i32 to vector<16xi32>
      %mul3A_702 = arith.muli %min3A_684, %mul3A_701 : vector<16xi32>
      %add3A_703 = arith.addi %mul3A_702, %min3A_672 : vector<16xi32>
      %add3A_704 = arith.addi %add3A_703, %get3A_38 : vector<16xi32>
      %mul3A_705 = arith.mulf %select_n3A_652, %select_n3A_636 : vector<16xf32>
      %mul3A_706 = arith.mulf %select_n3A_652, %select_n3A_644 : vector<16xf32>
      %mul3A_707 = arith.mulf %select_n3A_660, %select_n3A_636 : vector<16xf32>
      %mul3A_708 = arith.mulf %select_n3A_660, %select_n3A_644 : vector<16xf32>
      %broadcast_in_dim3A_709 = arith.constant 0.000000e+00 : f32
      %broadcast_in_dim3A_710 = vector.broadcast %broadcast_in_dim3A_709 : f32 to vector<16xf32>
      %broadcast_in_dim3A_711 = arith.constant 0 : i32
      %broadcast_in_dim3A_712 = vector.broadcast %broadcast_in_dim3A_711 : i32 to vector<16xi32>
      %scan3A_713 = arith.constant 0 : i32
      %scan3A_714 = arith.constant 16 : i32
      %scan3A_715 = arith.addi %scan3A_713, %scan3A_714 : i32
      %scan3A_716 = arith.constant 1 : i32
      %scan3A_717 = scf.for %scan3A_795 = %scan3A_713 to %scan3A_715 step %scan3A_716 iter_args(%scan3A_796 = %broadcast_in_dim3A_712) -> (vector<16xi32>)  : i32 {
        %broadcast_in_dim3A_797 = vector.shape_cast %scan3A_796 : vector<16xi32> to vector<16x1xi32>
        %gather3A_798 = vector.shape_cast %broadcast_in_dim3A_797 : vector<16x1xi32> to vector<16xi32>
        %gather3A_799 = tpu.dynamic_gather %mul3A_705[%gather3A_798] in [0] : vector<16xf32>, vector<16xi32> -> vector<16xf32>
        %broadcast_in_dim3A_800 = vector.shape_cast %scan3A_796 : vector<16xi32> to vector<16x1xi32>
        %gather3A_801 = vector.shape_cast %broadcast_in_dim3A_800 : vector<16x1xi32> to vector<16xi32>
        %gather3A_802 = tpu.dynamic_gather %mul3A_706[%gather3A_801] in [0] : vector<16xf32>, vector<16xi32> -> vector<16xf32>
        %broadcast_in_dim3A_803 = vector.shape_cast %scan3A_796 : vector<16xi32> to vector<16x1xi32>
        %gather3A_804 = vector.shape_cast %broadcast_in_dim3A_803 : vector<16x1xi32> to vector<16xi32>
        %gather3A_805 = tpu.dynamic_gather %mul3A_707[%gather3A_804] in [0] : vector<16xf32>, vector<16xi32> -> vector<16xf32>
        %broadcast_in_dim3A_806 = vector.shape_cast %scan3A_796 : vector<16xi32> to vector<16x1xi32>
        %gather3A_807 = vector.shape_cast %broadcast_in_dim3A_806 : vector<16x1xi32> to vector<16xi32>
        %gather3A_808 = tpu.dynamic_gather %mul3A_708[%gather3A_807] in [0] : vector<16xf32>, vector<16xi32> -> vector<16xf32>
        %scan3A_809 = arith.constant 0 : i32
        %scan3A_810 = arith.constant 3 : i32
        %scan3A_811 = arith.addi %scan3A_809, %scan3A_810 : i32
        %scan3A_812 = arith.constant 1 : i32
        %scan3A_813:2 = scf.for %scan3A_822 = %scan3A_809 to %scan3A_811 step %scan3A_812 iter_args(%scan3A_823 = %broadcast_in_dim3A_710, %scan3A_824 = %broadcast_in_dim3A_710) -> (vector<16xf32>, vector<16xf32>)  : i32 {
          %mul3A_825 = arith.constant 8 : i32
          %mul3A_826 = arith.muli %scan3A_822, %mul3A_825 : i32
          %add3A_827 = arith.constant 0 : i32
          %add3A_828 = arith.addi %mul3A_826, %add3A_827 : i32
          %mul3A_829 = arith.constant 16 : i32
          %mul3A_830 = arith.muli %add3A_828, %mul3A_829 : i32
          %get3A_831 = arith.index_cast %scan3A_795 : i32 to index
          %get3A_832 = arith.index_cast %mul3A_830 : i32 to index
          %get3A_833 = tpu.vector_load %arg25[%get3A_831, %get3A_832] {strides = array<i32>} : memref<16x384xf32, #tpu.memory_space<vmem>>, vector<16xf32>,
          %get3A_834 = arith.index_cast %scan3A_795 : i32 to index
          %get3A_835 = arith.index_cast %mul3A_830 : i32 to index
          %get3A_836 = tpu.vector_load %arg26[%get3A_834, %get3A_835] {strides = array<i32>} : memref<16x384xf32, #tpu.memory_space<vmem>>, vector<16xf32>,
          %get3A_837 = arith.index_cast %scan3A_795 : i32 to index
          %get3A_838 = arith.index_cast %mul3A_830 : i32 to index
          %get3A_839 = tpu.vector_load %arg27[%get3A_837, %get3A_838] {strides = array<i32>} : memref<16x384xf32, #tpu.memory_space<vmem>>, vector<16xf32>,
          %get3A_840 = arith.index_cast %scan3A_795 : i32 to index
          %get3A_841 = arith.index_cast %mul3A_830 : i32 to index
          %get3A_842 = tpu.vector_load %arg28[%get3A_840, %get3A_841] {strides = array<i32>} : memref<16x384xf32, #tpu.memory_space<vmem>>, vector<16xf32>,
          %get3A_843 = arith.index_cast %scan3A_795 : i32 to index
          %get3A_844 = arith.index_cast %mul3A_830 : i32 to index
          %get3A_845 = tpu.vector_load %arg30[%get3A_843, %get3A_844] {strides = array<i32>} : memref<16x384xf32, #tpu.memory_space<vmem>>, vector<16xf32>,
          %mul3A_846 = arith.mulf %get3A_833, %gather3A_799 : vector<16xf32>
          %mul3A_847 = arith.mulf %get3A_836, %gather3A_802 : vector<16xf32>
          %add3A_848 = arith.addf %mul3A_846, %mul3A_847 : vector<16xf32>
          %mul3A_849 = arith.mulf %get3A_839, %gather3A_805 : vector<16xf32>
          %mul3A_850 = arith.mulf %get3A_842, %gather3A_808 : vector<16xf32>
          %add3A_851 = arith.addf %mul3A_849, %mul3A_850 : vector<16xf32>
          %add3A_852 = arith.addf %add3A_848, %add3A_851 : vector<16xf32>
          %mul3A_853 = arith.mulf %get3A_845, %add3A_852 : vector<16xf32>
          %add3A_854 = arith.addf %scan3A_823, %mul3A_853 : vector<16xf32>
          %mul3A_855 = arith.constant 8 : i32
          %mul3A_856 = arith.muli %scan3A_822, %mul3A_855 : i32
          %add3A_857 = arith.constant 1 : i32
          %add3A_858 = arith.addi %mul3A_856, %add3A_857 : i32
          %mul3A_859 = arith.constant 16 : i32
          %mul3A_860 = arith.muli %add3A_858, %mul3A_859 : i32
          %get3A_861 = arith.index_cast %scan3A_795 : i32 to index
          %get3A_862 = arith.index_cast %mul3A_860 : i32 to index
          %get3A_863 = tpu.vector_load %arg25[%get3A_861, %get3A_862] {strides = array<i32>} : memref<16x384xf32, #tpu.memory_space<vmem>>, vector<16xf32>,
          %get3A_864 = arith.index_cast %scan3A_795 : i32 to index
          %get3A_865 = arith.index_cast %mul3A_860 : i32 to index
          %get3A_866 = tpu.vector_load %arg26[%get3A_864, %get3A_865] {strides = array<i32>} : memref<16x384xf32, #tpu.memory_space<vmem>>, vector<16xf32>,
          %get3A_867 = arith.index_cast %scan3A_795 : i32 to index
          %get3A_868 = arith.index_cast %mul3A_860 : i32 to index
          %get3A_869 = tpu.vector_load %arg27[%get3A_867, %get3A_868] {strides = array<i32>} : memref<16x384xf32, #tpu.memory_space<vmem>>, vector<16xf32>,
          %get3A_870 = arith.index_cast %scan3A_795 : i32 to index
          %get3A_871 = arith.index_cast %mul3A_860 : i32 to index
          %get3A_872 = tpu.vector_load %arg28[%get3A_870, %get3A_871] {strides = array<i32>} : memref<16x384xf32, #tpu.memory_space<vmem>>, vector<16xf32>,
          %get3A_873 = arith.index_cast %scan3A_795 : i32 to index
          %get3A_874 = arith.index_cast %mul3A_860 : i32 to index
          %get3A_875 = tpu.vector_load %arg30[%get3A_873, %get3A_874] {strides = array<i32>} : memref<16x384xf32, #tpu.memory_space<vmem>>, vector<16xf32>,
          %mul3A_876 = arith.mulf %get3A_863, %gather3A_799 : vector<16xf32>
          %mul3A_877 = arith.mulf %get3A_866, %gather3A_802 : vector<16xf32>
          %add3A_878 = arith.addf %mul3A_876, %mul3A_877 : vector<16xf32>
          %mul3A_879 = arith.mulf %get3A_869, %gather3A_805 : vector<16xf32>
          %mul3A_880 = arith.mulf %get3A_872, %gather3A_808 : vector<16xf32>
          %add3A_881 = arith.addf %mul3A_879, %mul3A_880 : vector<16xf32>
          %add3A_882 = arith.addf %add3A_878, %add3A_881 : vector<16xf32>
          %mul3A_883 = arith.mulf %get3A_875, %add3A_882 : vector<16xf32>
          %add3A_884 = arith.addf %scan3A_824, %mul3A_883 : vector<16xf32>
          %mul3A_885 = arith.constant 8 : i32
          %mul3A_886 = arith.muli %scan3A_822, %mul3A_885 : i32
          %add3A_887 = arith.constant 2 : i32
          %add3A_888 = arith.addi %mul3A_886, %add3A_887 : i32
          %mul3A_889 = arith.constant 16 : i32
          %mul3A_890 = arith.muli %add3A_888, %mul3A_889 : i32
          %get3A_891 = arith.index_cast %scan3A_795 : i32 to index
          %get3A_892 = arith.index_cast %mul3A_890 : i32 to index
          %get3A_893 = tpu.vector_load %arg25[%get3A_891, %get3A_892] {strides = array<i32>} : memref<16x384xf32, #tpu.memory_space<vmem>>, vector<16xf32>,
          %get3A_894 = arith.index_cast %scan3A_795 : i32 to index
          %get3A_895 = arith.index_cast %mul3A_890 : i32 to index
          %get3A_896 = tpu.vector_load %arg26[%get3A_894, %get3A_895] {strides = array<i32>} : memref<16x384xf32, #tpu.memory_space<vmem>>, vector<16xf32>,
          %get3A_897 = arith.index_cast %scan3A_795 : i32 to index
          %get3A_898 = arith.index_cast %mul3A_890 : i32 to index
          %get3A_899 = tpu.vector_load %arg27[%get3A_897, %get3A_898] {strides = array<i32>} : memref<16x384xf32, #tpu.memory_space<vmem>>, vector<16xf32>,
          %get3A_900 = arith.index_cast %scan3A_795 : i32 to index
          %get3A_901 = arith.index_cast %mul3A_890 : i32 to index
          %get3A_902 = tpu.vector_load %arg28[%get3A_900, %get3A_901] {strides = array<i32>} : memref<16x384xf32, #tpu.memory_space<vmem>>, vector<16xf32>,
          %get3A_903 = arith.index_cast %scan3A_795 : i32 to index
          %get3A_904 = arith.index_cast %mul3A_890 : i32 to index
          %get3A_905 = tpu.vector_load %arg30[%get3A_903, %get3A_904] {strides = array<i32>} : memref<16x384xf32, #tpu.memory_space<vmem>>, vector<16xf32>,
          %mul3A_906 = arith.mulf %get3A_893, %gather3A_799 : vector<16xf32>
          %mul3A_907 = arith.mulf %get3A_896, %gather3A_802 : vector<16xf32>
          %add3A_908 = arith.addf %mul3A_906, %mul3A_907 : vector<16xf32>
          %mul3A_909 = arith.mulf %get3A_899, %gather3A_805 : vector<16xf32>
          %mul3A_910 = arith.mulf %get3A_902, %gather3A_808 : vector<16xf32>
          %add3A_911 = arith.addf %mul3A_909, %mul3A_910 : vector<16xf32>
          %add3A_912 = arith.addf %add3A_908, %add3A_911 : vector<16xf32>
          %mul3A_913 = arith.mulf %get3A_905, %add3A_912 : vector<16xf32>
          %add3A_914 = arith.addf %add3A_854, %mul3A_913 : vector<16xf32>
          %mul3A_915 = arith.constant 8 : i32
          %mul3A_916 = arith.muli %scan3A_822, %mul3A_915 : i32
          %add3A_917 = arith.constant 3 : i32
          %add3A_918 = arith.addi %mul3A_916, %add3A_917 : i32
          %mul3A_919 = arith.constant 16 : i32
          %mul3A_920 = arith.muli %add3A_918, %mul3A_919 : i32
          %get3A_921 = arith.index_cast %scan3A_795 : i32 to index
          %get3A_922 = arith.index_cast %mul3A_920 : i32 to index
          %get3A_923 = tpu.vector_load %arg25[%get3A_921, %get3A_922] {strides = array<i32>} : memref<16x384xf32, #tpu.memory_space<vmem>>, vector<16xf32>,
          %get3A_924 = arith.index_cast %scan3A_795 : i32 to index
          %get3A_925 = arith.index_cast %mul3A_920 : i32 to index
          %get3A_926 = tpu.vector_load %arg26[%get3A_924, %get3A_925] {strides = array<i32>} : memref<16x384xf32, #tpu.memory_space<vmem>>, vector<16xf32>,
          %get3A_927 = arith.index_cast %scan3A_795 : i32 to index
          %get3A_928 = arith.index_cast %mul3A_920 : i32 to index
          %get3A_929 = tpu.vector_load %arg27[%get3A_927, %get3A_928] {strides = array<i32>} : memref<16x384xf32, #tpu.memory_space<vmem>>, vector<16xf32>,
          %get3A_930 = arith.index_cast %scan3A_795 : i32 to index
          %get3A_931 = arith.index_cast %mul3A_920 : i32 to index
          %get3A_932 = tpu.vector_load %arg28[%get3A_930, %get3A_931] {strides = array<i32>} : memref<16x384xf32, #tpu.memory_space<vmem>>, vector<16xf32>,
          %get3A_933 = arith.index_cast %scan3A_795 : i32 to index
          %get3A_934 = arith.index_cast %mul3A_920 : i32 to index
          %get3A_935 = tpu.vector_load %arg30[%get3A_933, %get3A_934] {strides = array<i32>} : memref<16x384xf32, #tpu.memory_space<vmem>>, vector<16xf32>,
          %mul3A_936 = arith.mulf %get3A_923, %gather3A_799 : vector<16xf32>
          %mul3A_937 = arith.mulf %get3A_926, %gather3A_802 : vector<16xf32>
          %add3A_938 = arith.addf %mul3A_936, %mul3A_937 : vector<16xf32>
          %mul3A_939 = arith.mulf %get3A_929, %gather3A_805 : vector<16xf32>
          %mul3A_940 = arith.mulf %get3A_932, %gather3A_808 : vector<16xf32>
          %add3A_941 = arith.addf %mul3A_939, %mul3A_940 : vector<16xf32>
          %add3A_942 = arith.addf %add3A_938, %add3A_941 : vector<16xf32>
          %mul3A_943 = arith.mulf %get3A_935, %add3A_942 : vector<16xf32>
          %add3A_944 = arith.addf %add3A_884, %mul3A_943 : vector<16xf32>
          %mul3A_945 = arith.constant 8 : i32
          %mul3A_946 = arith.muli %scan3A_822, %mul3A_945 : i32
          %add3A_947 = arith.constant 4 : i32
          %add3A_948 = arith.addi %mul3A_946, %add3A_947 : i32
          %mul3A_949 = arith.constant 16 : i32
          %mul3A_950 = arith.muli %add3A_948, %mul3A_949 : i32
          %get3A_951 = arith.index_cast %scan3A_795 : i32 to index
          %get3A_952 = arith.index_cast %mul3A_950 : i32 to index
          %get3A_953 = tpu.vector_load %arg25[%get3A_951, %get3A_952] {strides = array<i32>} : memref<16x384xf32, #tpu.memory_space<vmem>>, vector<16xf32>,
          %get3A_954 = arith.index_cast %scan3A_795 : i32 to index
          %get3A_955 = arith.index_cast %mul3A_950 : i32 to index
          %get3A_956 = tpu.vector_load %arg26[%get3A_954, %get3A_955] {strides = array<i32>} : memref<16x384xf32, #tpu.memory_space<vmem>>, vector<16xf32>,
          %get3A_957 = arith.index_cast %scan3A_795 : i32 to index
          %get3A_958 = arith.index_cast %mul3A_950 : i32 to index
          %get3A_959 = tpu.vector_load %arg27[%get3A_957, %get3A_958] {strides = array<i32>} : memref<16x384xf32, #tpu.memory_space<vmem>>, vector<16xf32>,
          %get3A_960 = arith.index_cast %scan3A_795 : i32 to index
          %get3A_961 = arith.index_cast %mul3A_950 : i32 to index
          %get3A_962 = tpu.vector_load %arg28[%get3A_960, %get3A_961] {strides = array<i32>} : memref<16x384xf32, #tpu.memory_space<vmem>>, vector<16xf32>,
          %get3A_963 = arith.index_cast %scan3A_795 : i32 to index
          %get3A_964 = arith.index_cast %mul3A_950 : i32 to index
          %get3A_965 = tpu.vector_load %arg30[%get3A_963, %get3A_964] {strides = array<i32>} : memref<16x384xf32, #tpu.memory_space<vmem>>, vector<16xf32>,
          %mul3A_966 = arith.mulf %get3A_953, %gather3A_799 : vector<16xf32>
          %mul3A_967 = arith.mulf %get3A_956, %gather3A_802 : vector<16xf32>
          %add3A_968 = arith.addf %mul3A_966, %mul3A_967 : vector<16xf32>
          %mul3A_969 = arith.mulf %get3A_959, %gather3A_805 : vector<16xf32>
          %mul3A_970 = arith.mulf %get3A_962, %gather3A_808 : vector<16xf32>
          %add3A_971 = arith.addf %mul3A_969, %mul3A_970 : vector<16xf32>
          %add3A_972 = arith.addf %add3A_968, %add3A_971 : vector<16xf32>
          %mul3A_973 = arith.mulf %get3A_965, %add3A_972 : vector<16xf32>
          %add3A_974 = arith.addf %add3A_914, %mul3A_973 : vector<16xf32>
          %mul3A_975 = arith.constant 8 : i32
          %mul3A_976 = arith.muli %scan3A_822, %mul3A_975 : i32
          %add3A_977 = arith.constant 5 : i32
          %add3A_978 = arith.addi %mul3A_976, %add3A_977 : i32
          %mul3A_979 = arith.constant 16 : i32
          %mul3A_980 = arith.muli %add3A_978, %mul3A_979 : i32
          %get3A_981 = arith.index_cast %scan3A_795 : i32 to index
          %get3A_982 = arith.index_cast %mul3A_980 : i32 to index
          %get3A_983 = tpu.vector_load %arg25[%get3A_981, %get3A_982] {strides = array<i32>} : memref<16x384xf32, #tpu.memory_space<vmem>>, vector<16xf32>,
          %get3A_984 = arith.index_cast %scan3A_795 : i32 to index
          %get3A_985 = arith.index_cast %mul3A_980 : i32 to index
          %get3A_986 = tpu.vector_load %arg26[%get3A_984, %get3A_985] {strides = array<i32>} : memref<16x384xf32, #tpu.memory_space<vmem>>, vector<16xf32>,
          %get3A_987 = arith.index_cast %scan3A_795 : i32 to index
          %get3A_988 = arith.index_cast %mul3A_980 : i32 to index
          %get3A_989 = tpu.vector_load %arg27[%get3A_987, %get3A_988] {strides = array<i32>} : memref<16x384xf32, #tpu.memory_space<vmem>>, vector<16xf32>,
          %get3A_990 = arith.index_cast %scan3A_795 : i32 to index
          %get3A_991 = arith.index_cast %mul3A_980 : i32 to index
          %get3A_992 = tpu.vector_load %arg28[%get3A_990, %get3A_991] {strides = array<i32>} : memref<16x384xf32, #tpu.memory_space<vmem>>, vector<16xf32>,
          %get3A_993 = arith.index_cast %scan3A_795 : i32 to index
          %get3A_994 = arith.index_cast %mul3A_980 : i32 to index
          %get3A_995 = tpu.vector_load %arg30[%get3A_993, %get3A_994] {strides = array<i32>} : memref<16x384xf32, #tpu.memory_space<vmem>>, vector<16xf32>,
          %mul3A_996 = arith.mulf %get3A_983, %gather3A_799 : vector<16xf32>
          %mul3A_997 = arith.mulf %get3A_986, %gather3A_802 : vector<16xf32>
          %add3A_998 = arith.addf %mul3A_996, %mul3A_997 : vector<16xf32>
          %mul3A_999 = arith.mulf %get3A_989, %gather3A_805 : vector<16xf32>
          %mul3A_1000 = arith.mulf %get3A_992, %gather3A_808 : vector<16xf32>
          %add3A_1001 = arith.addf %mul3A_999, %mul3A_1000 : vector<16xf32>
          %add3A_1002 = arith.addf %add3A_998, %add3A_1001 : vector<16xf32>
          %mul3A_1003 = arith.mulf %get3A_995, %add3A_1002 : vector<16xf32>
          %add3A_1004 = arith.addf %add3A_944, %mul3A_1003 : vector<16xf32>
          %mul3A_1005 = arith.constant 8 : i32
          %mul3A_1006 = arith.muli %scan3A_822, %mul3A_1005 : i32
          %add3A_1007 = arith.constant 6 : i32
          %add3A_1008 = arith.addi %mul3A_1006, %add3A_1007 : i32
          %mul3A_1009 = arith.constant 16 : i32
          %mul3A_1010 = arith.muli %add3A_1008, %mul3A_1009 : i32
          %get3A_1011 = arith.index_cast %scan3A_795 : i32 to index
          %get3A_1012 = arith.index_cast %mul3A_1010 : i32 to index
          %get3A_1013 = tpu.vector_load %arg25[%get3A_1011, %get3A_1012] {strides = array<i32>} : memref<16x384xf32, #tpu.memory_space<vmem>>, vector<16xf32>,
          %get3A_1014 = arith.index_cast %scan3A_795 : i32 to index
          %get3A_1015 = arith.index_cast %mul3A_1010 : i32 to index
          %get3A_1016 = tpu.vector_load %arg26[%get3A_1014, %get3A_1015] {strides = array<i32>} : memref<16x384xf32, #tpu.memory_space<vmem>>, vector<16xf32>,
          %get3A_1017 = arith.index_cast %scan3A_795 : i32 to index
          %get3A_1018 = arith.index_cast %mul3A_1010 : i32 to index
          %get3A_1019 = tpu.vector_load %arg27[%get3A_1017, %get3A_1018] {strides = array<i32>} : memref<16x384xf32, #tpu.memory_space<vmem>>, vector<16xf32>,
          %get3A_1020 = arith.index_cast %scan3A_795 : i32 to index
          %get3A_1021 = arith.index_cast %mul3A_1010 : i32 to index
          %get3A_1022 = tpu.vector_load %arg28[%get3A_1020, %get3A_1021] {strides = array<i32>} : memref<16x384xf32, #tpu.memory_space<vmem>>, vector<16xf32>,
          %get3A_1023 = arith.index_cast %scan3A_795 : i32 to index
          %get3A_1024 = arith.index_cast %mul3A_1010 : i32 to index
          %get3A_1025 = tpu.vector_load %arg30[%get3A_1023, %get3A_1024] {strides = array<i32>} : memref<16x384xf32, #tpu.memory_space<vmem>>, vector<16xf32>,
          %mul3A_1026 = arith.mulf %get3A_1013, %gather3A_799 : vector<16xf32>
          %mul3A_1027 = arith.mulf %get3A_1016, %gather3A_802 : vector<16xf32>
          %add3A_1028 = arith.addf %mul3A_1026, %mul3A_1027 : vector<16xf32>
          %mul3A_1029 = arith.mulf %get3A_1019, %gather3A_805 : vector<16xf32>
          %mul3A_1030 = arith.mulf %get3A_1022, %gather3A_808 : vector<16xf32>
          %add3A_1031 = arith.addf %mul3A_1029, %mul3A_1030 : vector<16xf32>
          %add3A_1032 = arith.addf %add3A_1028, %add3A_1031 : vector<16xf32>
          %mul3A_1033 = arith.mulf %get3A_1025, %add3A_1032 : vector<16xf32>
          %add3A_1034 = arith.addf %add3A_974, %mul3A_1033 : vector<16xf32>
          %mul3A_1035 = arith.constant 8 : i32
          %mul3A_1036 = arith.muli %scan3A_822, %mul3A_1035 : i32
          %add3A_1037 = arith.constant 7 : i32
          %add3A_1038 = arith.addi %mul3A_1036, %add3A_1037 : i32
          %mul3A_1039 = arith.constant 16 : i32
          %mul3A_1040 = arith.muli %add3A_1038, %mul3A_1039 : i32
          %get3A_1041 = arith.index_cast %scan3A_795 : i32 to index
          %get3A_1042 = arith.index_cast %mul3A_1040 : i32 to index
          %get3A_1043 = tpu.vector_load %arg25[%get3A_1041, %get3A_1042] {strides = array<i32>} : memref<16x384xf32, #tpu.memory_space<vmem>>, vector<16xf32>,
          %get3A_1044 = arith.index_cast %scan3A_795 : i32 to index
          %get3A_1045 = arith.index_cast %mul3A_1040 : i32 to index
          %get3A_1046 = tpu.vector_load %arg26[%get3A_1044, %get3A_1045] {strides = array<i32>} : memref<16x384xf32, #tpu.memory_space<vmem>>, vector<16xf32>,
          %get3A_1047 = arith.index_cast %scan3A_795 : i32 to index
          %get3A_1048 = arith.index_cast %mul3A_1040 : i32 to index
          %get3A_1049 = tpu.vector_load %arg27[%get3A_1047, %get3A_1048] {strides = array<i32>} : memref<16x384xf32, #tpu.memory_space<vmem>>, vector<16xf32>,
          %get3A_1050 = arith.index_cast %scan3A_795 : i32 to index
          %get3A_1051 = arith.index_cast %mul3A_1040 : i32 to index
          %get3A_1052 = tpu.vector_load %arg28[%get3A_1050, %get3A_1051] {strides = array<i32>} : memref<16x384xf32, #tpu.memory_space<vmem>>, vector<16xf32>,
          %get3A_1053 = arith.index_cast %scan3A_795 : i32 to index
          %get3A_1054 = arith.index_cast %mul3A_1040 : i32 to index
          %get3A_1055 = tpu.vector_load %arg30[%get3A_1053, %get3A_1054] {strides = array<i32>} : memref<16x384xf32, #tpu.memory_space<vmem>>, vector<16xf32>,
          %mul3A_1056 = arith.mulf %get3A_1043, %gather3A_799 : vector<16xf32>
          %mul3A_1057 = arith.mulf %get3A_1046, %gather3A_802 : vector<16xf32>
          %add3A_1058 = arith.addf %mul3A_1056, %mul3A_1057 : vector<16xf32>
          %mul3A_1059 = arith.mulf %get3A_1049, %gather3A_805 : vector<16xf32>
          %mul3A_1060 = arith.mulf %get3A_1052, %gather3A_808 : vector<16xf32>
          %add3A_1061 = arith.addf %mul3A_1059, %mul3A_1060 : vector<16xf32>
          %add3A_1062 = arith.addf %add3A_1058, %add3A_1061 : vector<16xf32>
          %mul3A_1063 = arith.mulf %get3A_1055, %add3A_1062 : vector<16xf32>
          %add3A_1064 = arith.addf %add3A_1004, %mul3A_1063 : vector<16xf32>
          scf.yield %add3A_1034, %add3A_1064 : vector<16xf32>, vector<16xf32>
        }
        %scan3A_814 = arith.constant 3 : i32
        %add3A_815 = arith.addf %scan3A_813#0, %scan3A_813#1 : vector<16xf32>
        %swap3A_816 = arith.index_cast %scan3A_795 : i32 to index
        %swap3A_817 = arith.constant 0 : index
        %swap3A_818 = tpu.vector_load %arg31[%swap3A_816, %swap3A_817] {strides = array<i32>} : memref<16x17xf32, #tpu.memory_space<vmem>>, vector<16xf32>,
        tpu.vector_store %arg31[%swap3A_816, %swap3A_817], %add3A_815 {strides = array<i32>} : memref<16x17xf32, #tpu.memory_space<vmem>>, vector<16xf32>,
        %add3A_819 = arith.constant 1 : i32
        %add3A_820 = vector.broadcast %add3A_819 : i32 to vector<16xi32>
        %add3A_821 = arith.addi %scan3A_796, %add3A_820 : vector<16xi32>
        scf.yield %add3A_821 : vector<16xi32>
      }
      %scan3A_718 = arith.constant 16 : i32
      %broadcast_in_dim3A_719 = arith.constant 0 : i32
      %broadcast_in_dim3A_720 = vector.broadcast %broadcast_in_dim3A_719 : i32 to vector<16xi32>
      %gather3A_721 = tpu.vector_load_idx %arg31[%iota3A, %broadcast_in_dim3A_720] : memref<16x17xf32, #tpu.memory_space<vmem>>[vector<16xi32>, vector<16xi32>], vector<16xf32>,
      %broadcast_in_dim3A_722 = arith.constant 1 : i32
      %broadcast_in_dim3A_723 = vector.broadcast %broadcast_in_dim3A_722 : i32 to vector<16xi32>
      %gather3A_724 = tpu.vector_load_idx %arg31[%iota3A, %broadcast_in_dim3A_723] : memref<16x17xf32, #tpu.memory_space<vmem>>[vector<16xi32>, vector<16xi32>], vector<16xf32>,
      %broadcast_in_dim3A_725 = arith.constant 2 : i32
      %broadcast_in_dim3A_726 = vector.broadcast %broadcast_in_dim3A_725 : i32 to vector<16xi32>
      %gather3A_727 = tpu.vector_load_idx %arg31[%iota3A, %broadcast_in_dim3A_726] : memref<16x17xf32, #tpu.memory_space<vmem>>[vector<16xi32>, vector<16xi32>], vector<16xf32>,
      %broadcast_in_dim3A_728 = arith.constant 3 : i32
      %broadcast_in_dim3A_729 = vector.broadcast %broadcast_in_dim3A_728 : i32 to vector<16xi32>
      %gather3A_730 = tpu.vector_load_idx %arg31[%iota3A, %broadcast_in_dim3A_729] : memref<16x17xf32, #tpu.memory_space<vmem>>[vector<16xi32>, vector<16xi32>], vector<16xf32>,
      %broadcast_in_dim3A_731 = arith.constant 4 : i32
      %broadcast_in_dim3A_732 = vector.broadcast %broadcast_in_dim3A_731 : i32 to vector<16xi32>
      %gather3A_733 = tpu.vector_load_idx %arg31[%iota3A, %broadcast_in_dim3A_732] : memref<16x17xf32, #tpu.memory_space<vmem>>[vector<16xi32>, vector<16xi32>], vector<16xf32>,
      %broadcast_in_dim3A_734 = arith.constant 5 : i32
      %broadcast_in_dim3A_735 = vector.broadcast %broadcast_in_dim3A_734 : i32 to vector<16xi32>
      %gather3A_736 = tpu.vector_load_idx %arg31[%iota3A, %broadcast_in_dim3A_735] : memref<16x17xf32, #tpu.memory_space<vmem>>[vector<16xi32>, vector<16xi32>], vector<16xf32>,
      %broadcast_in_dim3A_737 = arith.constant 6 : i32
      %broadcast_in_dim3A_738 = vector.broadcast %broadcast_in_dim3A_737 : i32 to vector<16xi32>
      %gather3A_739 = tpu.vector_load_idx %arg31[%iota3A, %broadcast_in_dim3A_738] : memref<16x17xf32, #tpu.memory_space<vmem>>[vector<16xi32>, vector<16xi32>], vector<16xf32>,
      %broadcast_in_dim3A_740 = arith.constant 7 : i32
      %broadcast_in_dim3A_741 = vector.broadcast %broadcast_in_dim3A_740 : i32 to vector<16xi32>
      %gather3A_742 = tpu.vector_load_idx %arg31[%iota3A, %broadcast_in_dim3A_741] : memref<16x17xf32, #tpu.memory_space<vmem>>[vector<16xi32>, vector<16xi32>], vector<16xf32>,
      %broadcast_in_dim3A_743 = arith.constant 8 : i32
      %broadcast_in_dim3A_744 = vector.broadcast %broadcast_in_dim3A_743 : i32 to vector<16xi32>
      %gather3A_745 = tpu.vector_load_idx %arg31[%iota3A, %broadcast_in_dim3A_744] : memref<16x17xf32, #tpu.memory_space<vmem>>[vector<16xi32>, vector<16xi32>], vector<16xf32>,
      %broadcast_in_dim3A_746 = arith.constant 9 : i32
      %broadcast_in_dim3A_747 = vector.broadcast %broadcast_in_dim3A_746 : i32 to vector<16xi32>
      %gather3A_748 = tpu.vector_load_idx %arg31[%iota3A, %broadcast_in_dim3A_747] : memref<16x17xf32, #tpu.memory_space<vmem>>[vector<16xi32>, vector<16xi32>], vector<16xf32>,
      %broadcast_in_dim3A_749 = arith.constant 10 : i32
      %broadcast_in_dim3A_750 = vector.broadcast %broadcast_in_dim3A_749 : i32 to vector<16xi32>
      %gather3A_751 = tpu.vector_load_idx %arg31[%iota3A, %broadcast_in_dim3A_750] : memref<16x17xf32, #tpu.memory_space<vmem>>[vector<16xi32>, vector<16xi32>], vector<16xf32>,
      %broadcast_in_dim3A_752 = arith.constant 11 : i32
      %broadcast_in_dim3A_753 = vector.broadcast %broadcast_in_dim3A_752 : i32 to vector<16xi32>
      %gather3A_754 = tpu.vector_load_idx %arg31[%iota3A, %broadcast_in_dim3A_753] : memref<16x17xf32, #tpu.memory_space<vmem>>[vector<16xi32>, vector<16xi32>], vector<16xf32>,
      %broadcast_in_dim3A_755 = arith.constant 12 : i32
      %broadcast_in_dim3A_756 = vector.broadcast %broadcast_in_dim3A_755 : i32 to vector<16xi32>
      %gather3A_757 = tpu.vector_load_idx %arg31[%iota3A, %broadcast_in_dim3A_756] : memref<16x17xf32, #tpu.memory_space<vmem>>[vector<16xi32>, vector<16xi32>], vector<16xf32>,
      %broadcast_in_dim3A_758 = arith.constant 13 : i32
      %broadcast_in_dim3A_759 = vector.broadcast %broadcast_in_dim3A_758 : i32 to vector<16xi32>
      %gather3A_760 = tpu.vector_load_idx %arg31[%iota3A, %broadcast_in_dim3A_759] : memref<16x17xf32, #tpu.memory_space<vmem>>[vector<16xi32>, vector<16xi32>], vector<16xf32>,
      %broadcast_in_dim3A_761 = arith.constant 14 : i32
      %broadcast_in_dim3A_762 = vector.broadcast %broadcast_in_dim3A_761 : i32 to vector<16xi32>
      %gather3A_763 = tpu.vector_load_idx %arg31[%iota3A, %broadcast_in_dim3A_762] : memref<16x17xf32, #tpu.memory_space<vmem>>[vector<16xi32>, vector<16xi32>], vector<16xf32>,
      %broadcast_in_dim3A_764 = arith.constant 15 : i32
      %broadcast_in_dim3A_765 = vector.broadcast %broadcast_in_dim3A_764 : i32 to vector<16xi32>
      %gather3A_766 = tpu.vector_load_idx %arg31[%iota3A, %broadcast_in_dim3A_765] : memref<16x17xf32, #tpu.memory_space<vmem>>[vector<16xi32>, vector<16xi32>], vector<16xf32>,
      %add3A_767 = arith.addf %gather3A_721, %gather3A_724 : vector<16xf32>
      %add3A_768 = arith.addf %gather3A_727, %gather3A_730 : vector<16xf32>
      %add3A_769 = arith.addf %gather3A_733, %gather3A_736 : vector<16xf32>
      %add3A_770 = arith.addf %gather3A_739, %gather3A_742 : vector<16xf32>
      %add3A_771 = arith.addf %gather3A_745, %gather3A_748 : vector<16xf32>
      %add3A_772 = arith.addf %gather3A_751, %gather3A_754 : vector<16xf32>
      %add3A_773 = arith.addf %gather3A_757, %gather3A_760 : vector<16xf32>
      %add3A_774 = arith.addf %gather3A_763, %gather3A_766 : vector<16xf32>
      %add3A_775 = arith.addf %add3A_767, %add3A_768 : vector<16xf32>
      %add3A_776 = arith.addf %add3A_769, %add3A_770 : vector<16xf32>
      %add3A_777 = arith.addf %add3A_771, %add3A_772 : vector<16xf32>
      %add3A_778 = arith.addf %add3A_773, %add3A_774 : vector<16xf32>
      %add3A_779 = arith.addf %add3A_775, %add3A_776 : vector<16xf32>
      %add3A_780 = arith.addf %add3A_777, %add3A_778 : vector<16xf32>
      %add3A_781 = arith.addf %add3A_779, %add3A_780 : vector<16xf32>
      %mul3A_782 = arith.constant 16 : i32
      %mul3A_783 = arith.muli %add3A_565, %mul3A_782 : i32
      %swap3A_784 = arith.index_cast %mul3A_783 : i32 to index
      %swap3A_785 = tpu.vector_load %arg32[%swap3A_784] {strides = array<i32>} : memref<3136xf32, #tpu.memory_space<vmem>>, vector<16xf32>,
      tpu.vector_store %arg32[%swap3A_784], %add3A_781 {strides = array<i32>} : memref<3136xf32, #tpu.memory_space<vmem>>, vector<16xf32>,
      %add3A_786 = arith.constant 2 : i32
      %add3A_787 = arith.addi %add3A_565, %add3A_786 : i32
      %lt3A_788 = arith.constant 196 : i32
      %lt3A_789 = arith.cmpi slt, %add3A_787, %lt3A_788 : i32
      %add3A_790 = arith.constant 2 : i32
      %add3A_791 = arith.addi %add3A_565, %add3A_790 : i32
      %convert_element_type3A_792 = arith.extui %lt3A_789 : i1 to i32
      %cond3A_793 = arith.constant 0 : i32
      %cond3A_794 = arith.cmpi ne, %convert_element_type3A_792, %cond3A_793 : i32
      scf.if %cond3A_794 {
        %mul3A_795 = arith.constant 16 : i32
        %mul3A_796 = arith.muli %add3A_791, %mul3A_795 : i32
        %get3A_797 = arith.index_cast %mul3A_796 : i32 to index
        %get3A_798 = tpu.vector_load %arg10[%get3A_797] {strides = array<i32>} : memref<3136xf32, #tpu.memory_space<vmem>>, vector<16xf32>,
        %get3A_799 = arith.index_cast %mul3A_796 : i32 to index
        %get3A_800 = tpu.vector_load %arg8[%get3A_799] {strides = array<i32>} : memref<3136xf32, #tpu.memory_space<vmem>>, vector<16xf32>,
        %add3A_801 = arith.addf %get3A_798, %get3A_800 : vector<16xf32>
        %get3A_802 = arith.index_cast %mul3A_796 : i32 to index
        %get3A_803 = tpu.vector_load %arg11[%get3A_802] {strides = array<i32>} : memref<3136xf32, #tpu.memory_space<vmem>>, vector<16xf32>,
        %get3A_804 = arith.index_cast %mul3A_796 : i32 to index
        %get3A_805 = tpu.vector_load %arg9[%get3A_804] {strides = array<i32>} : memref<3136xf32, #tpu.memory_space<vmem>>, vector<16xf32>,
        %add3A_806 = arith.addf %get3A_803, %get3A_805 : vector<16xf32>
        %convert_element_type3A_807 = arith.fptosi %add3A_801 : vector<16xf32> to vector<16xi32>
        %convert_element_type3A_808 = arith.fptosi %add3A_806 : vector<16xf32> to vector<16xi32>
        %convert_element_type3A_809 = arith.sitofp %convert_element_type3A_807 : vector<16xi32> to vector<16xf32>
        %gt3A_810 = arith.cmpf ogt, %convert_element_type3A_809, %add3A_801 : vector<16xf32>
        %sub3A_811 = arith.constant 1 : i32
        %sub3A_812 = vector.broadcast %sub3A_811 : i32 to vector<16xi32>
        %sub3A_813 = arith.subi %convert_element_type3A_807, %sub3A_812 : vector<16xi32>
        %select_n3A_814 = arith.select %gt3A_810, %sub3A_813, %convert_element_type3A_807 : vector<16xi1>, vector<16xi32>
        %convert_element_type3A_815 = arith.sitofp %convert_element_type3A_808 : vector<16xi32> to vector<16xf32>
        %gt3A_816 = arith.cmpf ogt, %convert_element_type3A_815, %add3A_806 : vector<16xf32>
        %sub3A_817 = arith.constant 1 : i32
        %sub3A_818 = vector.broadcast %sub3A_817 : i32 to vector<16xi32>
        %sub3A_819 = arith.subi %convert_element_type3A_808, %sub3A_818 : vector<16xi32>
        %select_n3A_820 = arith.select %gt3A_816, %sub3A_819, %convert_element_type3A_808 : vector<16xi1>, vector<16xi32>
        %convert_element_type3A_821 = arith.sitofp %select_n3A_814 : vector<16xi32> to vector<16xf32>
        %sub3A_822 = arith.subf %add3A_801, %convert_element_type3A_821 : vector<16xf32>
        %convert_element_type3A_823 = arith.sitofp %select_n3A_820 : vector<16xi32> to vector<16xf32>
        %sub3A_824 = arith.subf %add3A_806, %convert_element_type3A_823 : vector<16xf32>
        %sub3A_825 = arith.constant 1.000000e+00 : f32
        %sub3A_826 = vector.broadcast %sub3A_825 : f32 to vector<16xf32>
        %sub3A_827 = arith.subf %sub3A_826, %sub3A_822 : vector<16xf32>
        %sub3A_828 = arith.constant 1.000000e+00 : f32
        %sub3A_829 = vector.broadcast %sub3A_828 : f32 to vector<16xf32>
        %sub3A_830 = arith.subf %sub3A_829, %sub3A_824 : vector<16xf32>
        %add3A_831 = arith.constant 1 : i32
        %add3A_832 = vector.broadcast %add3A_831 : i32 to vector<16xi32>
        %add3A_833 = arith.addi %select_n3A_814, %add3A_832 : vector<16xi32>
        %add3A_834 = arith.constant 1 : i32
        %add3A_835 = vector.broadcast %add3A_834 : i32 to vector<16xi32>
        %add3A_836 = arith.addi %select_n3A_820, %add3A_835 : vector<16xi32>
        %broadcast_in_dim3A_837 = arith.constant 0.000000e+00 : f32
        %broadcast_in_dim3A_838 = vector.broadcast %broadcast_in_dim3A_837 : f32 to vector<16xf32>
        %ge3A_839 = arith.constant 0 : i32
        %ge3A_840 = vector.broadcast %ge3A_839 : i32 to vector<16xi32>
        %ge3A_841 = arith.cmpi sge, %select_n3A_814, %ge3A_840 : vector<16xi32>
        %lt3A_842 = arith.constant 224 : i32
        %lt3A_843 = vector.broadcast %lt3A_842 : i32 to vector<16xi32>
        %lt3A_844 = arith.cmpi slt, %select_n3A_814, %lt3A_843 : vector<16xi32>
        %and3A_845 = arith.andi %ge3A_841, %lt3A_844 : vector<16xi1>
        %select_n3A_846 = arith.select %and3A_845, %sub3A_827, %broadcast_in_dim3A_838 : vector<16xi1>, vector<16xf32>
        %ge3A_847 = arith.constant 0 : i32
        %ge3A_848 = vector.broadcast %ge3A_847 : i32 to vector<16xi32>
        %ge3A_849 = arith.cmpi sge, %add3A_833, %ge3A_848 : vector<16xi32>
        %lt3A_850 = arith.constant 224 : i32
        %lt3A_851 = vector.broadcast %lt3A_850 : i32 to vector<16xi32>
        %lt3A_852 = arith.cmpi slt, %add3A_833, %lt3A_851 : vector<16xi32>
        %and3A_853 = arith.andi %ge3A_849, %lt3A_852 : vector<16xi1>
        %select_n3A_854 = arith.select %and3A_853, %sub3A_822, %broadcast_in_dim3A_838 : vector<16xi1>, vector<16xf32>
        %ge3A_855 = arith.constant 0 : i32
        %ge3A_856 = vector.broadcast %ge3A_855 : i32 to vector<16xi32>
        %ge3A_857 = arith.cmpi sge, %select_n3A_820, %ge3A_856 : vector<16xi32>
        %lt3A_858 = arith.constant 224 : i32
        %lt3A_859 = vector.broadcast %lt3A_858 : i32 to vector<16xi32>
        %lt3A_860 = arith.cmpi slt, %select_n3A_820, %lt3A_859 : vector<16xi32>
        %and3A_861 = arith.andi %ge3A_857, %lt3A_860 : vector<16xi1>
        %select_n3A_862 = arith.select %and3A_861, %sub3A_830, %broadcast_in_dim3A_838 : vector<16xi1>, vector<16xf32>
        %ge3A_863 = arith.constant 0 : i32
        %ge3A_864 = vector.broadcast %ge3A_863 : i32 to vector<16xi32>
        %ge3A_865 = arith.cmpi sge, %add3A_836, %ge3A_864 : vector<16xi32>
        %lt3A_866 = arith.constant 224 : i32
        %lt3A_867 = vector.broadcast %lt3A_866 : i32 to vector<16xi32>
        %lt3A_868 = arith.cmpi slt, %add3A_836, %lt3A_867 : vector<16xi32>
        %and3A_869 = arith.andi %ge3A_865, %lt3A_868 : vector<16xi1>
        %select_n3A_870 = arith.select %and3A_869, %sub3A_824, %broadcast_in_dim3A_838 : vector<16xi1>, vector<16xf32>
        %max3A_871 = arith.constant 0 : i32
        %max3A_872 = vector.broadcast %max3A_871 : i32 to vector<16xi32>
        %max3A_873 = arith.maxsi %select_n3A_814, %max3A_872 : vector<16xi32>
        %min3A_874 = arith.constant 223 : i32
        %min3A_875 = vector.broadcast %min3A_874 : i32 to vector<16xi32>
        %min3A_876 = arith.minsi %max3A_873, %min3A_875 : vector<16xi32>
        %max3A_877 = arith.constant 0 : i32
        %max3A_878 = vector.broadcast %max3A_877 : i32 to vector<16xi32>
        %max3A_879 = arith.maxsi %add3A_833, %max3A_878 : vector<16xi32>
        %min3A_880 = arith.constant 223 : i32
        %min3A_881 = vector.broadcast %min3A_880 : i32 to vector<16xi32>
        %min3A_882 = arith.minsi %max3A_879, %min3A_881 : vector<16xi32>
        %max3A_883 = arith.constant 0 : i32
        %max3A_884 = vector.broadcast %max3A_883 : i32 to vector<16xi32>
        %max3A_885 = arith.maxsi %select_n3A_820, %max3A_884 : vector<16xi32>
        %min3A_886 = arith.constant 223 : i32
        %min3A_887 = vector.broadcast %min3A_886 : i32 to vector<16xi32>
        %min3A_888 = arith.minsi %max3A_885, %min3A_887 : vector<16xi32>
        %max3A_889 = arith.constant 0 : i32
        %max3A_890 = vector.broadcast %max3A_889 : i32 to vector<16xi32>
        %max3A_891 = arith.maxsi %add3A_836, %max3A_890 : vector<16xi32>
        %min3A_892 = arith.constant 223 : i32
        %min3A_893 = vector.broadcast %min3A_892 : i32 to vector<16xi32>
        %min3A_894 = arith.minsi %max3A_891, %min3A_893 : vector<16xi32>
        %mul3A_895 = arith.constant 224 : i32
        %mul3A_896 = vector.broadcast %mul3A_895 : i32 to vector<16xi32>
        %mul3A_897 = arith.muli %min3A_888, %mul3A_896 : vector<16xi32>
        %add3A_898 = arith.addi %mul3A_897, %min3A_876 : vector<16xi32>
        %add3A_899 = arith.addi %add3A_898, %get3A_38 : vector<16xi32>
        %mul3A_900 = arith.constant 224 : i32
        %mul3A_901 = vector.broadcast %mul3A_900 : i32 to vector<16xi32>
        %mul3A_902 = arith.muli %min3A_888, %mul3A_901 : vector<16xi32>
        %add3A_903 = arith.addi %mul3A_902, %min3A_882 : vector<16xi32>
        %add3A_904 = arith.addi %add3A_903, %get3A_38 : vector<16xi32>
        %mul3A_905 = arith.constant 224 : i32
        %mul3A_906 = vector.broadcast %mul3A_905 : i32 to vector<16xi32>
        %mul3A_907 = arith.muli %min3A_894, %mul3A_906 : vector<16xi32>
        %add3A_908 = arith.addi %mul3A_907, %min3A_876 : vector<16xi32>
        %add3A_909 = arith.addi %add3A_908, %get3A_38 : vector<16xi32>
        %mul3A_910 = arith.constant 224 : i32
        %mul3A_911 = vector.broadcast %mul3A_910 : i32 to vector<16xi32>
        %mul3A_912 = arith.muli %min3A_894, %mul3A_911 : vector<16xi32>
        %add3A_913 = arith.addi %mul3A_912, %min3A_882 : vector<16xi32>
        %add3A_914 = arith.addi %add3A_913, %get3A_38 : vector<16xi32>
        %mul3A_915 = arith.mulf %select_n3A_862, %select_n3A_846 : vector<16xf32>
        %mul3A_916 = arith.mulf %select_n3A_862, %select_n3A_854 : vector<16xf32>
        %mul3A_917 = arith.mulf %select_n3A_870, %select_n3A_846 : vector<16xf32>
        %mul3A_918 = arith.mulf %select_n3A_870, %select_n3A_854 : vector<16xf32>
        %swap3A_919 = arith.constant 0 : index
        %swap3A_920 = tpu.vector_load %arg17[%swap3A_919] {strides = array<i32>} : memref<16xi32, #tpu.memory_space<vmem>>, vector<16xi32>,
        tpu.vector_store %arg17[%swap3A_919], %add3A_899 {strides = array<i32>} : memref<16xi32, #tpu.memory_space<vmem>>, vector<16xi32>,
        %swap3A_921 = arith.constant 0 : index
        %swap3A_922 = tpu.vector_load %arg18[%swap3A_921] {strides = array<i32>} : memref<16xi32, #tpu.memory_space<vmem>>, vector<16xi32>,
        tpu.vector_store %arg18[%swap3A_921], %add3A_904 {strides = array<i32>} : memref<16xi32, #tpu.memory_space<vmem>>, vector<16xi32>,
        %swap3A_923 = arith.constant 0 : index
        %swap3A_924 = tpu.vector_load %arg19[%swap3A_923] {strides = array<i32>} : memref<16xi32, #tpu.memory_space<vmem>>, vector<16xi32>,
        tpu.vector_store %arg19[%swap3A_923], %add3A_909 {strides = array<i32>} : memref<16xi32, #tpu.memory_space<vmem>>, vector<16xi32>,
        %swap3A_925 = arith.constant 0 : index
        %swap3A_926 = tpu.vector_load %arg20[%swap3A_925] {strides = array<i32>} : memref<16xi32, #tpu.memory_space<vmem>>, vector<16xi32>,
        tpu.vector_store %arg20[%swap3A_925], %add3A_914 {strides = array<i32>} : memref<16xi32, #tpu.memory_space<vmem>>, vector<16xi32>,
        %mul3A_927 = arith.constant 16 : i32
        %mul3A_928 = arith.muli %add3A_791, %mul3A_927 : i32
        %add3A_929 = arith.addi %mul3A_2, %mul3A_928 : i32
        %dma_start3A_930 = arith.constant 0 : i32
        %dma_start3A_931 = arith.constant 0 : i32
        %dma_start3A_932 = tpu.memref_slice %arg2[%dma_start3A_930, %dma_start3A_931] : memref<100352x384xf32, #tpu.memory_space<hbm>> -> memref<100352x384xf32, #tpu.memory_space<hbm>>
        tpu.enqueue_indirect_dma source(%dma_start3A_932 : memref<100352x384xf32, #tpu.memory_space<hbm>>) target(%arg25 : memref<16x384xf32, #tpu.memory_space<vmem>>) offsets(%arg17 : memref<16xi32, #tpu.memory_space<vmem>>) semaphore(%arg34 : memref<!tpu.dma_semaphore, #tpu.memory_space<semaphore_mem>>)
        %dma_start3A_933 = arith.constant 0 : i32
        %dma_start3A_934 = arith.constant 0 : i32
        %dma_start3A_935 = tpu.memref_slice %arg2[%dma_start3A_933, %dma_start3A_934] : memref<100352x384xf32, #tpu.memory_space<hbm>> -> memref<100352x384xf32, #tpu.memory_space<hbm>>
        tpu.enqueue_indirect_dma source(%dma_start3A_935 : memref<100352x384xf32, #tpu.memory_space<hbm>>) target(%arg26 : memref<16x384xf32, #tpu.memory_space<vmem>>) offsets(%arg18 : memref<16xi32, #tpu.memory_space<vmem>>) semaphore(%arg34 : memref<!tpu.dma_semaphore, #tpu.memory_space<semaphore_mem>>)
        %dma_start3A_936 = arith.constant 0 : i32
        %dma_start3A_937 = arith.constant 0 : i32
        %dma_start3A_938 = tpu.memref_slice %arg2[%dma_start3A_936, %dma_start3A_937] : memref<100352x384xf32, #tpu.memory_space<hbm>> -> memref<100352x384xf32, #tpu.memory_space<hbm>>
        tpu.enqueue_indirect_dma source(%dma_start3A_938 : memref<100352x384xf32, #tpu.memory_space<hbm>>) target(%arg27 : memref<16x384xf32, #tpu.memory_space<vmem>>) offsets(%arg19 : memref<16xi32, #tpu.memory_space<vmem>>) semaphore(%arg34 : memref<!tpu.dma_semaphore, #tpu.memory_space<semaphore_mem>>)
        %dma_start3A_939 = arith.constant 0 : i32
        %dma_start3A_940 = arith.constant 0 : i32
        %dma_start3A_941 = tpu.memref_slice %arg2[%dma_start3A_939, %dma_start3A_940] : memref<100352x384xf32, #tpu.memory_space<hbm>> -> memref<100352x384xf32, #tpu.memory_space<hbm>>
        tpu.enqueue_indirect_dma source(%dma_start3A_941 : memref<100352x384xf32, #tpu.memory_space<hbm>>) target(%arg28 : memref<16x384xf32, #tpu.memory_space<vmem>>) offsets(%arg20 : memref<16xi32, #tpu.memory_space<vmem>>) semaphore(%arg34 : memref<!tpu.dma_semaphore, #tpu.memory_space<semaphore_mem>>)
        %dma_start3A_942 = arith.constant 0 : i32
        %dma_start3A_943 = tpu.memref_slice %arg3[%add3A_929, %dma_start3A_942] : memref<100352x384xf32, #tpu.memory_space<hbm>> -> memref<16x384xf32, #tpu.memory_space<hbm>>
        %dma_start3A_944 = arith.constant 0 : i32
        %dma_start3A_945 = tpu.memref_slice %arg3[%add3A_929, %dma_start3A_944] : memref<100352x384xf32, #tpu.memory_space<hbm>> -> memref<16x384xf32, #tpu.memory_space<hbm>>
        tpu.enqueue_dma source(%dma_start3A_945 : memref<16x384xf32, #tpu.memory_space<hbm>>) target(%arg30 : memref<16x384xf32, #tpu.memory_space<vmem>>) target_semaphore(%arg36 : memref<!tpu.dma_semaphore, #tpu.memory_space<semaphore_mem>>)
      } else {
      }
    }
    %scan3A_330 = arith.constant 98 : i32
    "tpu.region"() ({
      %run_scoped3A = tpu.sem_alloc : memref<!tpu.dma_semaphore, #tpu.memory_space<semaphore_mem>>
      %dma_start3A_331 = tpu.memref_slice %arg7[%mul3A_2] : memref<100352xf32, #tpu.memory_space<hbm>> -> memref<3136xf32, #tpu.memory_space<hbm>>
      %dma_start3A_332 = tpu.memref_slice %arg7[%mul3A_2] : memref<100352xf32, #tpu.memory_space<hbm>> -> memref<3136xf32, #tpu.memory_space<hbm>>
      tpu.enqueue_dma source(%arg32 : memref<3136xf32, #tpu.memory_space<vmem>>) target(%dma_start3A_332 : memref<3136xf32, #tpu.memory_space<hbm>>) target_semaphore(%run_scoped3A : memref<!tpu.dma_semaphore, #tpu.memory_space<semaphore_mem>>)
      %dma_wait3A = tpu.memref_slice %arg7[%mul3A_2] : memref<100352xf32, #tpu.memory_space<hbm>> -> memref<3136xf32, #tpu.memory_space<hbm>>
      %dma_wait3A_333 = tpu.memref_slice %arg7[%mul3A_2] : memref<100352xf32, #tpu.memory_space<hbm>> -> memref<3136xf32, #tpu.memory_space<hbm>>
      tpu.wait_dma2 semaphore(%run_scoped3A : memref<!tpu.dma_semaphore, #tpu.memory_space<semaphore_mem>>) src(%arg32 : memref<3136xf32, #tpu.memory_space<vmem>>) dst(%dma_wait3A_333 : memref<3136xf32, #tpu.memory_space<hbm>>)
      tpu.yield
    }) : () -> ()
    return
  }
}

</mosaic_0001>

<sc_bundles>
// kernel: kernel.3.cloned.1.call-start
scs
__scs_entry_jumppad:
0x0: {  	(pc) =	sbr.rel $0x88, $3  }
0x1: {  	(tag) =	ssettag $0x0;
	lr =	simm.s32 $0x1  }
0x2: {  	[smem:$0x3F9E] =	sst lr;
	_ =	strace $0xD0000000  }
0x3: {  	_ = 	snop  }
0x4: {  	_ = 	snop  }
0x5: {  	_ = 	snop  }
0x6: {  	_ = 	snop  }
0x7: {  	_ = 	snop  }
__scs_overlays_trampoline_lowered:
0x8: {  	[smem:$0x3FAD] =	sst s0  }
0x9: {  	[smem:$0x3FAE] =	sst s1  }
0xa: {  	[smem:$0x3FAF] =	sst s2  }
0xb: {  	[smem:$0x3FB0] =	sst s3  }
0xc: {  	[smem:$0x3FB1] =	sst s4  }
0xd: {  	[smem:$0x3FB2] =	sst s5  }
0xe: {  	[smem:$0x3FB3] =	sst s6  }
0xf: {  	[smem:$0x3FB4] =	sst s7  }
0x10: {  	[smem:$0x3FB5] =	sst s8  }
0x11: {  	[smem:$0x3FB6] =	sst s9;
	s0 =	simm.s32 @!p0 $0x0  }
0x12: {  	s1 =	sld [smem:$0x3F9C];
	s0 =	simm.s32 @p0 $0x1  }
0x13: {  	[smem:$0x3FB7] =	sst s0;
	s0 =	simm.s32 @!p1 $0x0  }
0x14: {  	s2 =	sld [smem:$0x3F9B];
	s0 =	simm.s32 @p1 $0x1  }
0x15: {  	[smem:$0x3FB8] =	sst s0;
	s0 =	simm.s32 @!p2 $0x0  }
0x16: {  	s3 =	sld [smem:$0x3FDB];
	s0 =	simm.s32 @p2 $0x1  }
0x17: {  	s4 =	simm.s32 $0x1BF5;
	[smem:$0x3FBA] =	sst s0  }
0x18: {  	s0 =	sld [smem:$0x3F9D];
	_ =	swait.ge [sflag:s4], $0x0  }
0x19: {  	s7 =	sld [smem:$0x3F9E]  }
0x1a: {  	s8 =	sadd.s32 $0xFFFFE003, lr  }
0x1b: {  	s9 =	sadd.s32 $0xFFFFFEF7, lr;
	s5 =	simm.s32 $0xFFFFFFFF;
	p2 =	slt.u32 s8, $0xFFFFF086  }
0x1c: {  	p1 =	slt.u32 s9, $0xF7A;
	s5 =	simm.s32 @!p2 $0x0  }
0x1d: {  	s5 =	simm.s32 @p1 $0x1;
	p0 =	seq.s32 s7, s2  }
0x1e: {  	s7 =	smul.u32 @!p0 $0xF7A, s2;
	p2 =	seq.s32 @!p0 s5, $0x0  }
0x1f: {  	s9 =	smul.u32 $0xF7A, s1;
	s8 =	simm.s32 @!p0 $0x1BF5;
	p2 =	por !p2, p0  }
0x20: {  	[sflag:s8] =	ssyncset.s32 @!p0 $0xFFFFF086;
	s6 =	sadd.s32 @!p0 s3, s7;
	s7 =	simm.s32 @!p0 $0x108  }
0x21: {  	s3 =	sadd.s32 s3, s9;
	s6 =	sadd.s32 @!p0 $0x88, s6;
	s7 =	simm.s32 @p2 $0x1082  }
0x22: {  	[simem:s7], [sflag:s8] =	dma.local @!p0 [hbm:s6], $0xF7A  }
0x23: {  	s9 =	sor.u32 $0xD0000000, s2;
	s6 =	simm.s32 $0x108;
	_ =	swait.ge @!p0 [sflag:s8], $0x0  }
0x24: {  	s3 =	sadd.s32 $0x88, s3;
	s6 =	simm.s32 @!p1 $0x1082;
	[sflag:s4] =	ssyncset.s32 $0xFFFFF086  }
0x25: {  	[simem:s6], [sflag:s4] =	dma.local [hbm:s3], $0xF7A  }
0x26: {  	[smem:$0x3F9E] =	sst s1;
	(tag) =	ssettag s2;
	_ =	strace s9  }
0x27: {  	s1 =	sld [smem:$0x3FAE]  }
0x28: {  	s2 =	sld [smem:$0x3FAF]  }
0x29: {  	s4 =	sld [smem:$0x3FB1]  }
0x2a: {  	p0 =	seq.s32 s5, $0x0;
	s5 =	sld [smem:$0x3FB2]  }
0x2b: {  	s6 =	sld [smem:$0x3FB3]  }
0x2c: {  	s7 =	sld [smem:$0x3FB4]  }
0x2d: {  	s3 =	simm.s32 $0x108;
	s8 =	sld [smem:$0x3FB5]  }
0x2e: {  	s3 =	simm.s32 @!p0 $0x1082;
	s9 =	sld [smem:$0x3FB6]  }
0x2f: {  	lr =	sadd.s32 s0, s3;
	s0 =	sld [smem:$0x3FAD]  }
0x30: {  	s3 =	sld [smem:$0x3FB0]  }
0x31: {  	[smem:$0x3FB9] =	sst s10  }
0x32: {  	s10 =	sld [smem:$0x3FB7];
	_ =	sdelay $0x3  }
0x33: {  	p0 =	seq.s32 s10, $0x1;
	s10 =	sld [smem:$0x3FB9];
	_ =	sdelay $0x3  }
0x34: {  	[smem:$0x3FB9] =	sst s10  }
0x35: {  	s10 =	sld [smem:$0x3FB8];
	_ =	sdelay $0x3  }
0x36: {  	p1 =	seq.s32 s10, $0x1;
	s10 =	sld [smem:$0x3FB9];
	_ =	sdelay $0x3  }
0x37: {  	[smem:$0x3FB9] =	sst s10  }
0x38: {  	s10 =	sld [smem:$0x3FBA]  }
0x39: {  	_ = 	snop;
	(pc) =	sbr.ind lr, $3  }
0x3a: {  	_ = 	snop  }
0x3b: {  	_ = 	snop  }
0x3c: {  	p2 =	seq.s32 s10, $0x1;
	s10 =	sld [smem:$0x3FB9]  }
0x3d: {  	_ =	shalt  }
0x3e: {  	_ =	shalt  }
0x3f: {  	_ =	shalt  }
0x40: {  	_ =	shalt  }
0x41: {  	_ =	shalt  }
0x42: {  	_ =	shalt  }
0x43: {  	_ =	shalt  }
0x44: {  	_ =	shalt  }
0x45: {  	_ =	shalt  }
0x46: {  	_ =	shalt  }
0x47: {  	_ =	shalt  }
0x48: {  	_ =	shalt  }
0x49: {  	_ =	shalt  }
0x4a: {  	_ =	shalt  }
0x4b: {  	_ =	shalt  }
0x4c: {  	_ =	shalt  }
0x4d: {  	_ =	shalt  }
0x4e: {  	_ =	shalt  }
0x4f: {  	_ =	shalt  }
0x50: {  	_ =	shalt  }
0x51: {  	_ =	shalt  }
0x52: {  	_ =	shalt  }
0x53: {  	_ =	shalt  }
0x54: {  	_ =	shalt  }
0x55: {  	_ =	shalt  }
0x56: {  	_ =	shalt  }
0x57: {  	_ =	shalt  }
0x58: {  	_ =	shalt  }
0x59: {  	_ =	shalt  }
0x5a: {  	_ =	shalt  }
0x5b: {  	_ =	shalt  }
0x5c: {  	_ =	shalt  }
0x5d: {  	_ =	shalt  }
0x5e: {  	_ =	shalt  }
0x5f: {  	_ =	shalt  }
0x60: {  	_ =	shalt  }
0x61: {  	_ =	shalt  }
0x62: {  	_ =	shalt  }
0x63: {  	_ =	shalt  }
0x64: {  	_ =	shalt  }
0x65: {  	_ =	shalt  }
0x66: {  	_ =	shalt  }
0x67: {  	_ =	shalt  }
0x68: {  	_ =	shalt  }
0x69: {  	_ =	shalt  }
0x6a: {  	_ =	shalt  }
0x6b: {  	_ =	shalt  }
0x6c: {  	_ =	shalt  }
0x6d: {  	_ =	shalt  }
0x6e: {  	_ =	shalt  }
0x6f: {  	_ =	shalt  }
0x70: {  	_ =	shalt  }
0x71: {  	_ =	shalt  }
0x72: {  	_ =	shalt  }
0x73: {  	_ =	shalt  }
0x74: {  	_ =	shalt  }
0x75: {  	_ =	shalt  }
0x76: {  	_ =	shalt  }
0x77: {  	_ =	shalt  }
0x78: {  	_ =	shalt  }
0x79: {  	_ =	shalt  }
0x7a: {  	_ =	shalt  }
0x7b: {  	_ =	shalt  }
0x7c: {  	_ =	shalt  }
0x7d: {  	_ =	shalt  }
0x7e: {  	_ =	shalt  }
0x7f: {  	_ =	shalt  }
0x80: {  	_ =	shalt  }
0x81: {  	_ =	shalt  }
0x82: {  	_ =	shalt  }
0x83: {  	_ =	shalt  }
0x84: {  	_ =	shalt  }
0x85: {  	_ =	shalt  }
0x86: {  	_ =	shalt  }
0x87: {  	_ =	shalt  }
.Lfunc_end0:
.L_simem_size_0:
called_computation_lowered:
.L_overlay_start_0:
0x88: {  	s2 =	sld [smem:$0x3FD9]  }
0x89: {  	s3 =	sld [smem:$0x3FFE];
	_ =	sdelay $0x1  }
0x8a: {  	s1 =	srdreg.scid  }
0x8b: {  	s0 =	sand.u32 $0x1, s1  }
0x8c: {  	s16 =	sshll.u32 s0, $0xA;
	s2 =	sadd.s32 s3, s2  }
0x8d: {  	s2 =	sadd.s32 s2, s16  }
0x8e: {  	[smem:$0x3FC5] =	sst s2  }
0x8f: {  	_ = 	snop  }
0x90: {  	(tm) =	ssettm $0x1  }
0x91: {  	s17 =	sld [smem:$0x3FFB];
	_ =	sdelay $0x3  }
0x92: {  	_ =	strace s17  }
0x93: {  	s2 =	sld [smem:$0x3FFC];
	_ =	sdelay $0x3  }
0x94: {  	_ =	strace s2  }
0x95: {  	s2 =	sld [smem:$0x3FFD];
	_ =	sdelay $0x3  }
0x96: {  	_ =	strace s2  }
0x97: {  	_ =	strace $0x8FFFFFFF  }
0x98: {  	s18 =	sld [smem:$0x3FDB];
	_ =	sdelay $0x1  }
0x99: {  	s19 =	simm.s32 $_scs_section_size  }
0x9a: {  	s4 =	simm.s32 $_size__tile_overlayer_lowered;
	s5 =	simm.s32 $_tile_overlayer_lowered  }
0x9b: {  	s22 =	simm.s32 $0x1BFF;
	s21 =	sshll.u32 s5, $0x1;
	s2 =	sadd.s32 s19, s18  }
0x9c: {  	s6 =	simm.s32 $0x0;
	s20 =	sshll.u32 s4, $0x1;
	s4 =	sadd.s32 s21, s2  }
0x9d: {  	[timem:s6], [sflag:s22] =	dma.local [hbm:s4], s20  }
0x9e: {  	_ =	swait.ge [sflag:s22], s20  }
0x9f: {  	s3 =	ssub.s32 $0x0, s20;
	[sflag:s22] =	ssyncset.done $0x0  }
0xa0: {  	[sflag:s22] =	ssyncadd.s32 s3;
	_ =	sdelay $0x1  }
0xa1: {  	s23 =	simm.s32 $0x1B8B  }
0xa2: {  	_ =	swait.ge [sflag:s23], $0x1  }
0xa3: {  	[sflag:s23] =	ssyncset.done $0x0  }
0xa4: {  	s25 =	simm.s32 $0x1B8E;
	s24 =	sld [smem:$0x3FFE];
	[sflag:s23] =	ssyncadd.s32 $0xFFFFFFFF  }
0xa5: {  	s26 =	simm.s32 $execute0_lowered;
	[smem:$0x3FD2] =	sst s25  }
0xa6: {  	s4 =	sshll.u32 s26, $0x1;
	_ =	strace $0x80000046;
	[dreg:$0x1] =	wrdreg $0xFFFFFFFF  }
0xa7: {  	s28 =	simm.s32 $_size_execute0_lowered;
	s2 =	sadd.s32 s2, s4;
	[dreg:$0x0] =	wrdreg $0x0  }
0xa8: {  	s4 =	sshll.u32 s28, $0x1;
	[dreg:$0x2] =	wrdreg s2  }
0xa9: {  	[dreg:$0x3] =	wrdreg s4  }
0xaa: {  	[dreg:$0x4] =	wrdreg $0xC0  }
0xab: {  	_ =	task [dreg:s6], $0x5FFFF  }
0xac: {  	[dreg:$0x1] =	wrdreg $0xFFFFFFFF  }
0xad: {  	[dreg:$0x0] =	wrdreg $0x60  }
0xae: {  	[dreg:$0x2] =	wrdreg s24  }
0xaf: {  	[dreg:$0x3] =	wrdreg $0x9  }
0xb0: {  	_ =	task.clear_ibuf [dreg:s6], $0x4FFFF;
	_ =	strace $0x90000046  }
0xb1: {  	s29 =	simm.s32 $0x9;
	_ =	strace $0x80000048  }
0xb2: {  	_ =	swait.ge [sflag:s29], $0x1  }
0xb3: {  	[sflag:s29] =	ssyncadd.s32 $0xFFFFFFFF  }
0xb4: {  	_ =	strace $0x90000048  }
0xb5: {  	_ =	sfence  }
0xb6: {  	s30 =	sld [smem:$0x0];
	_ =	sdelay $0x2  }
0xb7: {  	s31 =	sshll.u32 s1, $0xD;
	s1 =	sshrl.u32 s1, $0x2  }
0xb8: {  	s3 =	sand.u32 $0x4000, s31;
	s1 =	sadd.s32 s1, s30  }
0xb9: {  	s0 =	sor.u32 s3, s0;
	s1 =	sshll.u32 s1, $0x11  }
0xba: {  	s0 =	sor.u32 s1, s0  }
0xbb: {  	s0 =	sadd.s32 $0x8F2B, s0  }
0xbc: {  	[sflag:s0] =	ssyncadd.remote.s32 $0x1  }
0xbd: {  	_ =	sfence.sel $0xFFFF  }
0xbe: {  	[dreg:$0x0] =	wrdreg $0xFFFFFFFF;
	(pc) =	sbr.abs _section_cstart, $3  }
0xbf: {  	[dreg:$0x1] =	wrdreg $0xFFFFFFFF  }
0xc0: {  	_ =	task.clear_ibuf [dreg:s6], $0x2FFFF;
	_ =	strace $0x9FFFFFFF  }
0xc1: {  	(tm) =	ssettm $0x7FFFFFFF  }
tec
execute0_lowered:
.L_overlay_start_1:
0x0: {  	(tag) =	ssettag $0x1  }
0x1: {  	s0 =	rddreg [dreg:$0x0];
	s2 =	simm.s32 $0x0  }
0x2: {  	s1 =	srdreg.scid;
	s5 =	stileid.u32;
	s15 =	simm.s32 $0x5  }
0x3: {  	s20 =	simm.s32 $0x10;
	s31 =	simm.s32 $0x3150;
	s16 =	simm.s32 $0xA990  }
0x4: {  	s17 =	simm.s32 $0x3170;
	s18 =	simm.s32 $0xC190;
	s19 =	simm.s32 $0x3180  }
0x5: {  	s12 =	simm.s32 $0x2;
	s13 =	simm.s32 $0x4;
	s14 =	simm.s32 $0x0  }
0x6: {  	[smem:$0x7FF] =	sst s2;
	s1 =	sand.u32 $0x1, s1;
	s3 =	sshll.u32 s5, $0x1  }
0x7: {  	s7 =	sshrl.u32 s5, $0x3;
	s5 =	sadd.s32 $0x9E00, s0;
	s10 =	sadd.s32 $0x3C00, s0  }
0x8: {  	_ =	strace $0x80000047;
	s6 =	sor.u32 s1, s3;
	s9 =	smul.u32 $0xFFFF3C00, s7  }
0x9: {  	s3 =	sadd.s32 $0x4A1E00, s0;
	s1 =	ssub.s32 $0x2, s1;
	s4 =	smul.u32 $0xC40, s6  }
0xa: {  	s8 =	sshll.u32 s6, $0x1;
	s25 =	sshrl.u32 s1, $0x1;
	s6 =	smul.u32 $0x24C00, s6  }
0xb: {  	s7 =	smul.u32 $0x18800, s7;
	s8 =	sadd.s32 s8, s0;
	s1 =	ssub.s32 s1, s25  }
0xc: {  	s11 =	sshrl.u32 s4, $0x3;
	s9 =	sadd.s32 s9, s4;
	s6 =	sadd.s32 s5, s6  }
0xd: {  	s29 =	sadd.s32 $0x800, s8;
	s30 =	smax.u32 s1, $0x1;
	s1 =	simm.s32 $0x3160  }
0xe: {  	s8 =	simm.s32 $0x1;
	s0 =	sadd.s32 s11, s0;
	[dreg:$0x7] =	wrdreg s29  }
0xf: {  	v0 =	vlaneseq.u32;
	s7 =	sadd.s32 s7, s9;
	[dreg:$0x5] =	wrdreg s6;
	s6 =	sadd.s32 $0x300, s6  }
0x10: {  	v0 =	vmul.u32 $0x18, v0;
	[dreg:$0xa] =	wrdreg s30;
	s11 =	simm.s32 $0x12190;
	s9 =	sshrl.u32 s7, $0x3  }
0x11: {  	v1 =	vimm.s32 $0x0;
	s7 =	sadd.s32 $0xC400, s7;
	s26 =	sadd.s32 $0x939E00, s0;
	[dreg:$0x8] =	wrdreg s6  }
.Ltmp0:
0x12: {  	v2 =	vor.u32 $0x1, v0;
	v5 =	vor.u32 $0x4, v0;
	v6 =	vor.u32 $0x5, v0;
	s28 =	sadd.s32 $0x93CF00, s0;
	[dreg:$0x4] =	wrdreg s26;
	(pc) =	sbr.rel .LBB2_1-.Ltmp0, $4  }
0x13: {  	v7 =	vor.u32 $0x6, v0;
	v8 =	vor.u32 $0x7, v0;
	v9 =	vadd.s32 $0x8, v0;
	s0 =	sadd.s32 $0xA00, s0;
	s6 =	simm.s32 $0xD990;
	[dreg:$0x6] =	wrdreg s28  }
0x14: {  	v10 =	vadd.s32 $0x9, v0;
	v11 =	vadd.s32 $0xA, v0;
	[tilespmem:$0x1FFD0] =	vst v2;
	v2 =	vor.u32 $0x2, v0;
	s9 =	sadd.s32 s10, s9;
	s7 =	sshrl.u32 s7, $0x3;
	[dreg:$0x9] =	wrdreg s0  }
0x15: {  	v12 =	vadd.s32 $0xB, v0;
	v13 =	vadd.s32 $0xC, v0;
	[tilespmem:$0x1FFE0] =	vst v2;
	v2 =	vor.u32 $0x3, v0;
	s0 =	simm.s32 $0x9190;
	[dreg:$0x2] =	wrdreg s9;
	s7 =	sadd.s32 s10, s7  }
0x16: {  	v14 =	vadd.s32 $0xD, v0;
	v15 =	vadd.s32 $0xE, v0;
	v4 =	vmovc v0;
	v16 =	vadd.s32 $0xF, v0;
	[tilespmem:$0x1FFF0] =	vst v2;
	s10 =	simm.s32 $0x3;
	[dreg:$0x3] =	wrdreg s7;
	s7 =	simm.s32 $0x10990  }
.LBB2_14:
0x17: {  	s9 =	rddreg [dreg:$0x9];
	s14 =	simm.s32 $0x12310  }
0x18: {  	[hbm4b:s9+s2] =	stream.linear.scatter [tilespmem:s14], [sflag:$0x5], $0xC40, $0x38;
	[tilespmem:$0x12F50] =	vst v63  }
0x19: {  	_ =	swait.ge [sflag:s15], $0xC40  }
0x1a: {  	s29 =	rddreg [dreg:$0xb]  }
0x1b: {  	s30 =	rddreg [dreg:$0xa];
	s14 =	sadd.s32 $0x1, s29  }
0x1c: {  	p0 =	sne.s32 s14, s30  }
.Ltmp1:
0x1d: {  	_ = 	snop;
	(pc) =	sbr.rel @!p0 .LBB2_15-.Ltmp1, $3  }
0x1e: {  	_ =	sdelay $0x1  }
0x1f: {  	[sflag:s15] =	ssyncset.done $0x0  }
0x20: {  	[sflag:s15] =	ssyncadd.s32 $0xFFFFF3C0  }
.LBB2_1:
0x21: {  	[dreg:$0xb] =	wrdreg s14  }
0x22: {  	s9 =	rddreg [dreg:$0x2]  }
0x23: {  	[tilespmem:s2], [sflag:$0x5] =	stream.linear.gather [hbm4b:s9+s2], $0xC40, $0x38;
	[tilespmem:$0x12F50] =	vst v63  }
0x24: {  	_ =	swait.ge [sflag:s15], $0xC40  }
0x25: {  	[sflag:s15] =	ssyncset.done $0x0  }
0x26: {  	s21 =	simm.s32 $0xC40;
	s14 =	rddreg [dreg:$0x3];
	[sflag:s15] =	ssyncadd.s32 $0xFFFFF3C0  }
0x27: {  	[tilespmem:s21], [sflag:$0x5] =	stream.linear.gather [hbm4b:s14+s2], $0xC40, $0x38;
	[tilespmem:$0x12F50] =	vst v63  }
0x28: {  	_ =	swait.ge [sflag:s15], $0xC40  }
0x29: {  	[sflag:s15] =	ssyncset.done $0x0  }
0x2a: {  	s23 =	simm.s32 $0x1880;
	s22 =	rddreg [dreg:$0x4];
	[sflag:s15] =	ssyncadd.s32 $0xFFFFF3C0  }
0x2b: {  	[tilespmem:s23], [sflag:$0x5] =	stream.linear.gather [hbm4b:s22+s2], $0xC40, $0x38;
	[tilespmem:$0x12F50] =	vst v63  }
0x2c: {  	_ =	swait.ge [sflag:s15], $0xC40  }
0x2d: {  	[sflag:s15] =	ssyncset.done $0x0  }
0x2e: {  	s25 =	simm.s32 $0x24C0;
	s24 =	rddreg [dreg:$0x6];
	[sflag:s15] =	ssyncadd.s32 $0xFFFFF3C0  }
0x2f: {  	[tilespmem:s25], [sflag:$0x5] =	stream.linear.gather [hbm4b:s24+s2], $0xC40, $0x38;
	[tilespmem:$0x12F50] =	vst v63  }
0x30: {  	_ =	swait.ge [sflag:s15], $0xC40  }
0x31: {  	[sflag:s15] =	ssyncset.done $0x0  }
0x32: {  	s28 =	simm.s32 $0x3100;
	s26 =	rddreg [dreg:$0x7];
	[sflag:s15] =	ssyncadd.s32 $0xFFFFF3C0  }
0x33: {  	[tilespmem:s28], [sflag:$0x5] =	stream.linear.gather [hbm4b:s26+s2], $0x10, $0x38;
	[tilespmem:$0x12F50] =	vst v63  }
0x34: {  	_ =	swait.ge [sflag:s15], $0x10  }
0x35: {  	[sflag:s15] =	ssyncset.done $0x0  }
0x36: {  	[sflag:s15] =	ssyncadd.s32 $0xFFFFFFF0  }
0x37: {  	v17 =	vld [tilespmem:$0x1880]  }
0x38: {  	v18 =	vld [tilespmem:$0x0]  }
0x39: {  	v19 =	vld [tilespmem:$0x24C0]  }
0x3a: {  	v20 =	vld [tilespmem:$0xC40];
	_ =	sdelay $0x3  }
0x3b: {  	v17 =	vadd.f32 v18, v17  }
0x3c: {  	v18 =	vadd.f32 v20, v19  }
0x3d: {  	v19 =	vtrunc.f32 v17  }
0x3e: {  	v21 =	vtrunc.f32 v18;
	v51 =	vcvt.f32.s32 v19;
	vm0 =	vlt.f32 v17, v19  }
0x3f: {  	v19 =	vcvt.f32.s32 v21;
	vm5 =	vlt.f32 v18, v21;
	v17 =	vsel vm0, $0xFFFFFFFF, v1  }
0x40: {  	v52 =	vsel vm5, $0xFFFFFFFF, v1;
	v18 =	vadd.s32 v51, v17  }
0x41: {  	v17 =	vld [tilespmem:$0x3100];
	v19 =	vadd.s32 v19, v52;
	vm6 =	vgt.s32 v18, $0x0  }
0x42: {  	v53 =	vadd.s32 $0x1, v18;
	vm7 =	vgt.s32 v19, $0x0;
	v54 =	vadd.s32 $0x1, v19  }
0x43: {  	v18 =	vnsel vm6, $0x0, v18;
	v19 =	vnsel vm7, $0x0, v19;
	vm8 =	vgt.s32 v53, $0x0  }
0x44: {  	vm9 =	vgt.s32 v54, $0x0;
	v20 =	vnsel vm8, $0x0, v53;
	v19 =	vmin.u32 v19, $0xDF  }
0x45: {  	v18 =	vmin.u32 v18, $0xDF;
	v21 =	vnsel vm9, $0x0, v54;
	v19 =	vmul.u32 $0xE0, v19  }
0x46: {  	v20 =	vmin.u32 v20, $0xDF;
	v21 =	vmin.u32 v21, $0xDF;
	v18 =	vadd.s32 v17, v18  }
0x47: {  	v20 =	vadd.s32 v17, v20;
	v21 =	vmul.u32 $0xE0, v21;
	v22 =	vadd.s32 v19, v18  }
0x48: {  	v19 =	vadd.s32 v19, v20;
	[tilespmem:$0x3110] =	vst v22  }
0x49: {  	v18 =	vadd.s32 v21, v18;
	[tilespmem:$0x3120] =	vst v19  }
0x4a: {  	v19 =	vadd.s32 v21, v20;
	[tilespmem:$0x3130] =	vst v18  }
0x4b: {  	s29 =	simm.s32 $0x3110;
	s30 =	simm.s32 $0x3190;
	[tilespmem:$0x3140] =	vst v19  }
0x4c: {  	[tilespmem:s30], [sflag:$0x1] =	stream.indirect.gather [hbm4b:s3+s20], $0x180, s29, s20, $0xb8;
	[tilespmem:$0x12F50] =	vst v63  }
0x4d: {  	s21 =	simm.s32 $0x3120;
	s22 =	simm.s32 $0x4990  }
0x4e: {  	[tilespmem:s22], [sflag:$0x1] =	stream.indirect.gather [hbm4b:s3+s20], $0x180, s21, s20, $0xb8;
	[tilespmem:$0x12F50] =	vst v63  }
0x4f: {  	s23 =	simm.s32 $0x3130;
	s24 =	simm.s32 $0x6190  }
0x50: {  	[tilespmem:s24], [sflag:$0x1] =	stream.indirect.gather [hbm4b:s3+s20], $0x180, s23, s20, $0xb8;
	[tilespmem:$0x12F50] =	vst v63  }
0x51: {  	s25 =	simm.s32 $0x3140;
	s26 =	simm.s32 $0x7990  }
0x52: {  	[tilespmem:s26], [sflag:$0x1] =	stream.indirect.gather [hbm4b:s3+s20], $0x180, s25, s20, $0xb8;
	[tilespmem:$0x12F50] =	vst v63  }
0x53: {  	s28 =	rddreg [dreg:$0x5];
	s29 =	simm.s32 $0xF190  }
0x54: {  	[tilespmem:s29], [sflag:$0x3] =	stream.linear.gather [hbm4b:s28+s2], $0x1800, $0x38;
	[tilespmem:$0x12F50] =	vst v63  }
0x55: {  	v18 =	vld [tilespmem:$0x1890]  }
0x56: {  	v19 =	vld [tilespmem:$0x10]  }
0x57: {  	v55 =	vld [tilespmem:$0x24D0]  }
0x58: {  	v56 =	vld [tilespmem:$0xC50];
	_ =	sdelay $0x3  }
0x59: {  	v18 =	vadd.f32 v19, v18  }
0x5a: {  	v19 =	vadd.f32 v56, v55  }
0x5b: {  	v57 =	vtrunc.f32 v18  }
0x5c: {  	v59 =	vtrunc.f32 v19;
	v58 =	vcvt.f32.s32 v57;
	vm10 =	vlt.f32 v18, v57  }
0x5d: {  	v18 =	vcvt.f32.s32 v59;
	vm11 =	vlt.f32 v19, v59;
	v20 =	vsel vm10, $0xFFFFFFFF, v1  }
0x5e: {  	v60 =	vsel vm11, $0xFFFFFFFF, v1;
	v19 =	vadd.s32 v58, v20  }
0x5f: {  	v18 =	vadd.s32 v18, v60;
	vm12 =	vgt.s32 v19, $0x0  }
0x60: {  	v61 =	vadd.s32 $0x1, v19;
	vm13 =	vgt.s32 v18, $0x0;
	v62 =	vadd.s32 $0x1, v18  }
0x61: {  	v19 =	vnsel vm12, $0x0, v19;
	v18 =	vnsel vm13, $0x0, v18;
	vm14 =	vgt.s32 v61, $0x0  }
0x62: {  	vm15 =	vgt.s32 v62, $0x0;
	v20 =	vnsel vm14, $0x0, v61;
	v18 =	vmin.u32 v18, $0xDF  }
0x63: {  	v19 =	vmin.u32 v19, $0xDF;
	v21 =	vnsel vm15, $0x0, v62;
	v18 =	vmul.u32 $0xE0, v18  }
0x64: {  	v20 =	vmin.u32 v20, $0xDF;
	v21 =	vmin.u32 v21, $0xDF;
	v19 =	vadd.s32 v17, v19  }
0x65: {  	v20 =	vadd.s32 v17, v20;
	v21 =	vmul.u32 $0xE0, v21;
	v63 =	vadd.s32 v18, v19  }
0x66: {  	v18 =	vadd.s32 v18, v20;
	[tilespmem:$0x3150] =	vst v63  }
0x67: {  	v19 =	vadd.s32 v21, v19;
	[tilespmem:$0x3160] =	vst v18  }
0x68: {  	v18 =	vadd.s32 v21, v20;
	[tilespmem:$0x3170] =	vst v19  }
0x69: {  	[tilespmem:$0x3180] =	vst v18  }
0x6a: {  	[tilespmem:s0], [sflag:$0x2] =	stream.indirect.gather [hbm4b:s3+s20], $0x180, s31, s20, $0xb8;
	[tilespmem:$0x12F50] =	vst v63  }
0x6b: {  	_ = 	snop  }
0x6c: {  	[tilespmem:s16], [sflag:$0x2] =	stream.indirect.gather [hbm4b:s3+s20], $0x180, s1, s20, $0xb8;
	[tilespmem:$0x12F50] =	vst v63  }
0x6d: {  	_ = 	snop  }
0x6e: {  	[tilespmem:s18], [sflag:$0x2] =	stream.indirect.gather [hbm4b:s3+s20], $0x180, s17, s20, $0xb8;
	[tilespmem:$0x12F50] =	vst v63  }
0x6f: {  	_ = 	snop  }
0x70: {  	[tilespmem:s6], [sflag:$0x2] =	stream.indirect.gather [hbm4b:s3+s20], $0x180, s19, s20, $0xb8;
	[tilespmem:$0x12F50] =	vst v63  }
0x71: {  	s9 =	simm.s32 $0x0;
	s30 =	rddreg [dreg:$0x8]  }
0x72: {  	[tilespmem:s7], [sflag:$0x4] =	stream.linear.gather [hbm4b:s30+s2], $0x1800, $0x38;
	[tilespmem:$0x12F50] =	vst v63  }
.LBB2_2:
0x73: {  	_ =	swait.ge [sflag:s8], $0x1800  }
0x74: {  	[sflag:s8] =	ssyncset.done $0x0  }
0x75: {  	[sflag:s8] =	ssyncadd.s32 $0xFFFFE800  }
0x76: {  	_ =	swait.ge [sflag:s8], $0x1800  }
0x77: {  	[sflag:s8] =	ssyncset.done $0x0  }
0x78: {  	[sflag:s8] =	ssyncadd.s32 $0xFFFFE800  }
0x79: {  	_ =	swait.ge [sflag:s8], $0x1800  }
0x7a: {  	[sflag:s8] =	ssyncset.done $0x0  }
0x7b: {  	[sflag:s8] =	ssyncadd.s32 $0xFFFFE800  }
0x7c: {  	_ =	swait.ge [sflag:s8], $0x1800  }
0x7d: {  	[sflag:s8] =	ssyncset.done $0x0  }
0x7e: {  	[sflag:s8] =	ssyncadd.s32 $0xFFFFE800  }
0x7f: {  	_ =	swait.ge [sflag:s10], $0x1800  }
0x80: {  	[sflag:s10] =	ssyncset.done $0x0  }
0x81: {  	s14 =	sshll.u32 s9, $0x5;
	[sflag:s10] =	ssyncadd.s32 $0xFFFFE800  }
0x82: {  	v18 =	vld [tilespmem:s14+$0x1880]  }
0x83: {  	v19 =	vld [tilespmem:s14+$0x0]  }
0x84: {  	v20 =	vld [tilespmem:s14+$0x24C0]  }
0x85: {  	v21 =	vld [tilespmem:s14+$0xC40];
	_ =	sdelay $0x2  }
0x86: {  	v18 =	vadd.f32 v19, v18;
	_ =	sdelay $0x1  }
0x87: {  	v19 =	vadd.f32 v21, v20;
	v20 =	vtrunc.f32 v18  }
0x88: {  	v21 =	vcvt.f32.s32 v20;
	vm0 =	vlt.f32 v18, v20  }
0x89: {  	v20 =	vtrunc.f32 v19;
	v22 =	vsel vm0, $0xFFFFFFFF, v1  }
0x8a: {  	v23 =	vcvt.f32.s32 v20;
	vm12 =	vlt.f32 v19, v20;
	v21 =	vadd.s32 v21, v22  }
0x8b: {  	v20 =	vsel vm12, $0xFFFFFFFF, v1;
	v22 =	vcvt.s32.f32 v21  }
0x8c: {  	v20 =	vadd.s32 v23, v20  }
0x8d: {  	v18 =	vsub.f32 v18, v22;
	v22 =	vcvt.s32.f32 v20;
	_ =	sdelay $0x1  }
0x8e: {  	v19 =	vsub.f32 v19, v22  }
0x8f: {  	vm13 =	vlt.u32 v21, $0xE0;
	v21 =	vadd.s32 $0x1, v21;
	vm1 =	vlt.u32 v20, $0xE0  }
0x90: {  	v20 =	vadd.s32 $0x1, v20;
	v22 =	vsub.f32 $1.000000000e+00, v18;
	v23 =	vsub.f32 $1.000000000e+00, v19  }
0x91: {  	vm14 =	vlt.u32 v21, $0xE0;
	vm15 =	vlt.u32 v20, $0xE0  }
0x92: {  	v22 =	vnsel vm13, $0x0, v22;
	v24 =	vnsel vm15, $0x0, v19;
	v23 =	vnsel vm1, $0x0, v23  }
0x93: {  	s21 =	simm.s32 $0x0;
	s22 =	simm.s32 $0x31D0;
	s23 =	simm.s32 $0x4A00;
	v21 =	vnsel vm14, $0x0, v18;
	v20 =	vmul.f32 v24, v22;
	v18 =	vmul.f32 v23, v22  }
0x94: {  	s24 =	simm.s32 $0x6200;
	s25 =	simm.s32 $0x7A00;
	s26 =	simm.s32 $0xF200;
	v19 =	vmul.f32 v23, v21;
	v21 =	vmul.f32 v24, v21;
	v22 =	vimm.s32 $0x0  }
.LBB2_3:
0x95: {  	v27 =	vmov s22  }
0x96: {  	v28 =	vmov s23  }
0x97: {  	v26 =	vmov s24  }
0x98: {  	v23 =	vmov s25  }
0x99: {  	s28 =	simm.s32 $0x0  }
0x9a: {  	v29 =	vld.idx.msk [tilespmem:v27+s28+$0x20 ss:$0x1], $0xffff  }
0x9b: {  	v32 =	vld.idx.msk [tilespmem:v28+s28+$0xFFFFFFF0 ss:$0x1], $0xffff  }
0x9c: {  	v33 =	vld.idx.msk [tilespmem:v26+s28+$0xFFFFFFF0 ss:$0x1], $0xffff  }
0x9d: {  	v36 =	vld.idx.msk [tilespmem:v23+s28+$0xFFFFFFF0 ss:$0x1], $0xffff  }
0x9e: {  	v39 =	vld.idx.msk [tilespmem:v27+s28+$0x30 ss:$0x1], $0xffff  }
0x9f: {  	v40 =	vld.idx.msk [tilespmem:v28+s28+$0x0 ss:$0x1], $0xffff  }
0xa0: {  	v42 =	vld.idx.msk [tilespmem:v26+s28+$0x0 ss:$0x1], $0xffff  }
0xa1: {  	v44 =	vld.idx.msk [tilespmem:v23+s28+$0x0 ss:$0x1], $0xffff  }
0xa2: {  	v43 =	vld.idx.msk [tilespmem:v27+s28+$0x0 ss:$0x1], $0xffff  }
0xa3: {  	v45 =	vld.idx.msk [tilespmem:v28+s28+$0xFFFFFFD0 ss:$0x1], $0xffff  }
0xa4: {  	v46 =	vld.idx.msk [tilespmem:v26+s28+$0xFFFFFFD0 ss:$0x1], $0xffff  }
0xa5: {  	v47 =	vld.idx.msk [tilespmem:v23+s28+$0xFFFFFFD0 ss:$0x1], $0xffff  }
0xa6: {  	v50 =	vld.idx.msk [tilespmem:v27+s28+$0x10 ss:$0x1], $0xffff  }
0xa7: {  	v51 =	vld.idx.msk [tilespmem:v28+s28+$0xFFFFFFE0 ss:$0x1], $0xffff  }
0xa8: {  	v52 =	vld.idx.msk [tilespmem:v27+s28+$0xFFFFFFE0 ss:$0x1], $0xffff  }
0xa9: {  	v54 =	vld.idx.msk [tilespmem:v28+s28+$0xFFFFFFB0 ss:$0x1], $0xffff  }
0xaa: {  	v31 =	vperm.xlane v18, v22;
	v58 =	vld.idx.msk [tilespmem:v26+s28+$0xFFFFFFB0 ss:$0x1], $0xffff  }
0xab: {  	v25 =	vperm.xlane v20, v22;
	v30 =	vperm.xlane v19, v22;
	v62 =	vld.idx.msk [tilespmem:v23+s28+$0xFFFFFFB0 ss:$0x1], $0xffff  }
0xac: {  	v24 =	vperm.xlane v21, v22;
	v63 =	vld.idx.msk [tilespmem:v27+s28+$0xFFFFFFF0 ss:$0x1], $0xffff;
	v34 =	vmul.f32 v29, v31  }
0xad: {  	v49 =	vld.idx.msk [tilespmem:v28+s28+$0xFFFFFFC0 ss:$0x1], $0xffff;
	v37 =	vmul.f32 v32, v30;
	v35 =	vmul.f32 v33, v25  }
0xae: {  	v53 =	vld.idx.msk [tilespmem:v26+s28+$0xFFFFFFC0 ss:$0x1], $0xffff;
	v38 =	vmul.f32 v36, v24;
	v39 =	vmul.f32 v39, v31  }
0xaf: {  	v55 =	vld.idx.msk [tilespmem:v27+s28+$0xFFFFFFC0 ss:$0x1], $0xffff;
	v41 =	vmul.f32 v40, v30;
	v36 =	vmul.f32 v42, v25  }
0xb0: {  	v56 =	vld.idx.msk [tilespmem:v28+s28+$0xFFFFFF90 ss:$0x1], $0xffff;
	v43 =	vmul.f32 v43, v31;
	v42 =	vmul.f32 v44, v24  }
0xb1: {  	v57 =	vld.idx.msk [tilespmem:v26+s28+$0xFFFFFF90 ss:$0x1], $0xffff;
	v48 =	vmul.f32 v45, v30;
	v44 =	vmul.f32 v46, v25  }
0xb2: {  	v59 =	vld.idx.msk [tilespmem:v23+s28+$0xFFFFFF90 ss:$0x1], $0xffff;
	v46 =	vmul.f32 v47, v24;
	v47 =	vmul.f32 v50, v31  }
0xb3: {  	v61 =	vld.idx.msk [tilespmem:v27+s28+$0xFFFFFFD0 ss:$0x1], $0xffff;
	v32 =	vimm.f32 $0.0e+00;
	v45 =	vmul.f32 v52, v31;
	v52 =	vmul.f32 v51, v30  }
0xb4: {  	v60 =	vld.idx.msk [tilespmem:v28+s28+$0xFFFFFFA0 ss:$0x1], $0xffff;
	v29 =	vmov s26;
	v50 =	vmul.f32 v54, v30;
	v51 =	vmul.f32 v58, v25  }
0xb5: {  	s29 =	simm.s32 $0x200;
	v58 =	vld.idx.msk [tilespmem:v26+s28+$0xFFFFFFA0 ss:$0x1], $0xffff;
	v54 =	vmul.f32 v62, v24;
	v40 =	vmul.f32 v63, v31;
	v33 =	vimm.f32 $0.0e+00  }
.LBB2_4:
0xb6: {  	p0 =	sne.s32 s29, $0x400;
	v62 =	vld.idx.msk [tilespmem:v23+s28+$0xFFFFFFA0 ss:$0x1], $0xffff;
	v49 =	vmul.f32 v49, v30;
	v53 =	vmul.f32 v53, v25  }
0xb7: {  	v55 =	vmul.f32 v55, v31;
	v56 =	vmul.f32 v56, v30;
	v63 =	vld.idx.msk [tilespmem:v23+s28+$0xFFFFFFC0 ss:$0x1], $0xffff  }
0xb8: {  	v57 =	vmul.f32 v57, v25;
	v34 =	vadd.f32 v37, v34;
	v59 =	vmul.f32 v59, v24;
	v2 =	vld.idx.msk [tilespmem:v26+s28+$0xFFFFFFE0 ss:$0x1], $0xffff  }
0xb9: {  	v35 =	vadd.f32 v38, v35;
	v38 =	vadd.f32 v41, v39;
	v37 =	vmul.f32 v61, v31;
	v61 =	vld.idx.msk [tilespmem:v23+s28+$0xFFFFFFE0 ss:$0x1], $0xffff  }
0xba: {  	v41 =	vadd.f32 v48, v43;
	v36 =	vadd.f32 v42, v36;
	v39 =	vmul.f32 v60, v30;
	v43 =	vld.idx.msk [tilespmem:v29+s28+$0xFFFFFFF0 ss:$0x1], $0xffff  }
0xbb: {  	v44 =	vadd.f32 v46, v44;
	v46 =	vadd.f32 v52, v47;
	v48 =	vmul.f32 v58, v25;
	v42 =	vld.idx.msk [tilespmem:v29+s28+$0xFFFFFF90 ss:$0x1], $0xffff  }
0xbc: {  	v45 =	vadd.f32 v50, v45;
	v50 =	vadd.f32 v54, v51;
	v52 =	vmul.f32 v62, v24;
	v47 =	vld.idx.msk [tilespmem:v29+s28+$0xFFFFFFA0 ss:$0x1], $0xffff  }
0xbd: {  	v51 =	vadd.f32 v56, v55;
	v54 =	vadd.f32 v59, v57;
	v56 =	vmul.f32 v63, v24;
	v55 =	vld.idx.msk [tilespmem:v29+s28+$0xFFFFFFB0 ss:$0x1], $0xffff  }
0xbe: {  	v37 =	vadd.f32 v39, v37;
	v39 =	vadd.f32 v52, v48;
	v2 =	vmul.f32 v2, v25;
	v48 =	vld.idx.msk [tilespmem:v29+s28+$0xFFFFFFC0 ss:$0x1], $0xffff  }
0xbf: {  	v40 =	vadd.f32 v49, v40;
	v49 =	vadd.f32 v56, v53;
	v53 =	vmul.f32 v61, v24;
	v52 =	vld.idx.msk [tilespmem:v29+s28+$0xFFFFFFD0 ss:$0x1], $0xffff  }
0xc0: {  	v51 =	vadd.f32 v54, v51;
	v37 =	vadd.f32 v39, v37;
	v39 =	vld.idx.msk [tilespmem:v29+s28+$0xFFFFFFE0 ss:$0x1], $0xffff  }
0xc1: {  	v45 =	vadd.f32 v50, v45;
	v2 =	vadd.f32 v53, v2;
	v50 =	vld.idx.msk [tilespmem:v29+s28+$0x0 ss:$0x1], $0xffff;
	s28 =	sshra.s32 s29, $0x2  }
0xc2: {  	v42 =	vmul.f32 v51, v42;
	v40 =	vadd.f32 v49, v40;
	v37 =	vmul.f32 v37, v47;
	v53 =	vld.idx.msk [tilespmem:v27+s28+$0x20 ss:$0x1], $0xffff  }
0xc3: {  	v41 =	vadd.f32 v44, v41;
	v45 =	vmul.f32 v45, v55;
	v2 =	vadd.f32 v2, v46;
	v47 =	vld.idx.msk [tilespmem:v28+s28+$0xFFFFFFF0 ss:$0x1], $0xffff  }
0xc4: {  	v32 =	vadd.f32 v42, v32;
	v33 =	vadd.f32 v37, v33;
	v37 =	vmul.f32 v40, v48;
	v44 =	vld.idx.msk [tilespmem:v26+s28+$0xFFFFFFF0 ss:$0x1], $0xffff  }
0xc5: {  	v34 =	vadd.f32 v35, v34;
	v35 =	vadd.f32 v36, v38;
	v41 =	vmul.f32 v41, v52;
	v40 =	vld.idx.msk [tilespmem:v23+s28+$0xFFFFFFF0 ss:$0x1], $0xffff  }
0xc6: {  	v32 =	vadd.f32 v45, v32;
	v33 =	vadd.f32 v37, v33;
	v2 =	vmul.f32 v2, v39;
	v36 =	vld.idx.msk [tilespmem:v27+s28+$0x30 ss:$0x1], $0xffff  }
0xc7: {  	v34 =	vmul.f32 v34, v43;
	v42 =	vld.idx.msk [tilespmem:v28+s28+$0x0 ss:$0x1], $0xffff  }
0xc8: {  	v32 =	vadd.f32 v41, v32;
	v2 =	vadd.f32 v2, v33;
	v33 =	vmul.f32 v35, v50;
	v43 =	vld.idx.msk [tilespmem:v26+s28+$0x0 ss:$0x1], $0xffff  }
0xc9: {  	v45 =	vld.idx.msk [tilespmem:v23+s28+$0x0 ss:$0x1], $0xffff  }
0xca: {  	v32 =	vadd.f32 v34, v32;
	v33 =	vadd.f32 v33, v2;
	v46 =	vld.idx.msk [tilespmem:v27+s28+$0x0 ss:$0x1], $0xffff  }
0xcb: {  	v2 =	vld.idx.msk [tilespmem:v28+s28+$0xFFFFFFD0 ss:$0x1], $0xffff  }
0xcc: {  	v50 =	vld.idx.msk [tilespmem:v26+s28+$0xFFFFFFD0 ss:$0x1], $0xffff  }
0xcd: {  	v51 =	vld.idx.msk [tilespmem:v23+s28+$0xFFFFFFD0 ss:$0x1], $0xffff  }
0xce: {  	v52 =	vld.idx.msk [tilespmem:v27+s28+$0x10 ss:$0x1], $0xffff  }
0xcf: {  	v54 =	vld.idx.msk [tilespmem:v28+s28+$0xFFFFFFE0 ss:$0x1], $0xffff  }
0xd0: {  	v58 =	vld.idx.msk [tilespmem:v27+s28+$0xFFFFFFE0 ss:$0x1], $0xffff  }
0xd1: {  	v62 =	vld.idx.msk [tilespmem:v28+s28+$0xFFFFFFB0 ss:$0x1], $0xffff  }
0xd2: {  	v63 =	vld.idx.msk [tilespmem:v26+s28+$0xFFFFFFB0 ss:$0x1], $0xffff  }
0xd3: {  	v0 =	vld.idx.msk [tilespmem:v23+s28+$0xFFFFFFB0 ss:$0x1], $0xffff  }
0xd4: {  	v34 =	vmul.f32 v53, v31;
	v3 =	vld.idx.msk [tilespmem:v27+s28+$0xFFFFFFF0 ss:$0x1], $0xffff  }
0xd5: {  	v37 =	vmul.f32 v47, v30;
	v35 =	vmul.f32 v44, v25;
	v49 =	vld.idx.msk [tilespmem:v28+s28+$0xFFFFFFC0 ss:$0x1], $0xffff  }
0xd6: {  	v38 =	vmul.f32 v40, v24;
	v39 =	vmul.f32 v36, v31;
	v53 =	vld.idx.msk [tilespmem:v26+s28+$0xFFFFFFC0 ss:$0x1], $0xffff  }
0xd7: {  	v41 =	vmul.f32 v42, v30;
	v36 =	vmul.f32 v43, v25;
	v55 =	vld.idx.msk [tilespmem:v27+s28+$0xFFFFFFC0 ss:$0x1], $0xffff  }
0xd8: {  	v42 =	vmul.f32 v45, v24;
	v43 =	vmul.f32 v46, v31;
	v56 =	vld.idx.msk [tilespmem:v28+s28+$0xFFFFFF90 ss:$0x1], $0xffff  }
.Ltmp2:
0xd9: {  	v48 =	vmul.f32 v2, v30;
	v44 =	vmul.f32 v50, v25;
	v57 =	vld.idx.msk [tilespmem:v26+s28+$0xFFFFFF90 ss:$0x1], $0xffff;
	(pc) =	sbr.rel @p0 .LBB2_4-.Ltmp2, $4  }
0xda: {  	v46 =	vmul.f32 v51, v24;
	v47 =	vmul.f32 v52, v31;
	v59 =	vld.idx.msk [tilespmem:v23+s28+$0xFFFFFF90 ss:$0x1], $0xffff  }
0xdb: {  	v52 =	vmul.f32 v54, v30;
	v45 =	vmul.f32 v58, v31;
	v61 =	vld.idx.msk [tilespmem:v27+s28+$0xFFFFFFD0 ss:$0x1], $0xffff  }
0xdc: {  	v50 =	vmul.f32 v62, v30;
	v51 =	vmul.f32 v63, v25;
	v60 =	vld.idx.msk [tilespmem:v28+s28+$0xFFFFFFA0 ss:$0x1], $0xffff  }
0xdd: {  	s29 =	sadd.s32 $0x200, s29;
	v54 =	vmul.f32 v0, v24;
	v40 =	vmul.f32 v3, v31;
	v58 =	vld.idx.msk [tilespmem:v26+s28+$0xFFFFFFA0 ss:$0x1], $0xffff  }
0xde: {  	_ =	sdelay $0x2  }
0xdf: {  	v0 =	vmul.f32 v49, v30  }
0xe0: {  	v2 =	vmul.f32 v53, v25;
	v3 =	vld.idx.msk [tilespmem:v23+s28+$0xFFFFFFA0 ss:$0x1], $0xffff;
	v27 =	vmul.f32 v55, v31  }
0xe1: {  	v28 =	vmul.f32 v56, v30;
	v34 =	vadd.f32 v37, v34;
	v35 =	vadd.f32 v38, v35  }
0xe2: {  	v49 =	vld.idx.msk [tilespmem:v23+s28+$0xFFFFFFC0 ss:$0x1], $0xffff;
	v53 =	vmul.f32 v57, v25;
	v37 =	vadd.f32 v41, v39;
	v38 =	vadd.f32 v48, v43  }
0xe3: {  	v26 =	vld.idx.msk [tilespmem:v26+s28+$0xFFFFFFE0 ss:$0x1], $0xffff;
	v36 =	vadd.f32 v42, v36;
	v42 =	vadd.f32 v52, v47;
	v63 =	vmul.f32 v59, v24  }
0xe4: {  	v23 =	vld.idx.msk [tilespmem:v23+s28+$0xFFFFFFE0 ss:$0x1], $0xffff;
	v56 =	vmul.f32 v61, v31;
	v61 =	vadd.f32 v54, v51;
	v57 =	vmul.f32 v60, v30  }
0xe5: {  	v43 =	vld.idx.msk [tilespmem:v29+s28+$0xFFFFFF90 ss:$0x1], $0xffff;
	v27 =	vadd.f32 v28, v27;
	v59 =	vmul.f32 v58, v25;
	v3 =	vmul.f32 v3, v24  }
0xe6: {  	v62 =	vld.idx.msk [tilespmem:v29+s28+$0xFFFFFFA0 ss:$0x1], $0xffff;
	v0 =	vadd.f32 v0, v40;
	v63 =	vadd.f32 v63, v53  }
0xe7: {  	v53 =	vld.idx.msk [tilespmem:v29+s28+$0xFFFFFFB0 ss:$0x1], $0xffff;
	v52 =	vmul.f32 v49, v24;
	v30 =	vadd.f32 v57, v56;
	v3 =	vadd.f32 v3, v59  }
0xe8: {  	v55 =	vld.idx.msk [tilespmem:v29+s28+$0xFFFFFFC0 ss:$0x1], $0xffff;
	v60 =	vadd.f32 v50, v45;
	v54 =	vmul.f32 v26, v25;
	v27 =	vadd.f32 v63, v27  }
0xe9: {  	v23 =	vmul.f32 v23, v24;
	v56 =	vld.idx.msk [tilespmem:v29+s28+$0xFFFFFFD0 ss:$0x1], $0xffff;
	v2 =	vadd.f32 v52, v2;
	v3 =	vadd.f32 v3, v30  }
0xea: {  	v41 =	vadd.f32 v46, v44;
	v57 =	vld.idx.msk [tilespmem:v29+s28+$0xFFFFFFE0 ss:$0x1], $0xffff;
	v58 =	vadd.f32 v61, v60;
	v27 =	vmul.f32 v27, v43  }
0xeb: {  	v23 =	vadd.f32 v23, v54;
	v59 =	vld.idx.msk [tilespmem:v29+s28+$0xFFFFFFF0 ss:$0x1], $0xffff;
	v0 =	vadd.f32 v2, v0;
	v3 =	vmul.f32 v3, v62  }
0xec: {  	v61 =	vadd.f32 v41, v38;
	v60 =	vmul.f32 v58, v53;
	v2 =	vld.idx.msk [tilespmem:v29+s28+$0x0 ss:$0x1], $0xffff;
	v27 =	vadd.f32 v27, v32  }
0xed: {  	v23 =	vadd.f32 v23, v42;
	v0 =	vmul.f32 v0, v55;
	v3 =	vadd.f32 v3, v33  }
0xee: {  	v63 =	vadd.f32 v36, v37;
	v24 =	vmul.f32 v61, v56;
	v27 =	vadd.f32 v60, v27  }
0xef: {  	v62 =	vadd.f32 v35, v34;
	v0 =	vadd.f32 v0, v3;
	v3 =	vmul.f32 v23, v57  }
0xf0: {  	v24 =	vadd.f32 v24, v27  }
0xf1: {  	s30 =	smul.u32 $0x60, s21;
	s21 =	sadd.s32 $0x1, s21;
	v2 =	vmul.f32 v63, v2;
	v23 =	vmul.f32 v62, v59;
	v0 =	vadd.f32 v3, v0  }
0xf2: {  	p0 =	sne.s32 s21, $0x10  }
.Ltmp3:
0xf3: {  	v3 =	vadd.f32 v23, v24;
	v0 =	vadd.f32 v2, v0;
	(pc) =	sbr.rel @p0 .LBB2_3-.Ltmp3, $4  }
0xf4: {  	_ = 	snop  }
0xf5: {  	v0 =	vadd.f32 v0, v3  }
0xf6: {  	s22 =	sadd.s32 $0x180, s22;
	s23 =	sadd.s32 $0x180, s23;
	s28 =	sshra.s32 s30, $0x2  }
0xf7: {  	v22 =	vadd.s32 $0x1, v22;
	s24 =	sadd.s32 $0x180, s24;
	s25 =	sadd.s32 $0x180, s25;
	s26 =	sadd.s32 $0x180, s26;
	[tilespmem:s28+$0x12190] =	vst v0  }
0xf8: {  	_ =	sdelay $0x3  }
0xf9: {  	v0 =	vld.idx.msk [tilespmem:v4+s11+$0x0], $0xffff  }
0xfa: {  	v2 =	vld [tilespmem:$0x1FFD0]  }
0xfb: {  	v3 =	vld [tilespmem:$0x1FFE0]  }
0xfc: {  	v18 =	vld [tilespmem:$0x1FFF0]  }
0xfd: {  	v19 =	vld.idx.msk [tilespmem:v5+s11+$0x0], $0xffff  }
0xfe: {  	v20 =	vld.idx.msk [tilespmem:v6+s11+$0x0], $0xffff  }
0xff: {  	v21 =	vld.idx.msk [tilespmem:v7+s11+$0x0], $0xffff  }
0x100: {  	v22 =	vld.idx.msk [tilespmem:v8+s11+$0x0], $0xffff  }
0x101: {  	v23 =	vld.idx.msk [tilespmem:v9+s11+$0x0], $0xffff  }
0x102: {  	v24 =	vld.idx.msk [tilespmem:v10+s11+$0x0], $0xffff  }
0x103: {  	v25 =	vld.idx.msk [tilespmem:v11+s11+$0x0], $0xffff  }
0x104: {  	v26 =	vld.idx.msk [tilespmem:v12+s11+$0x0], $0xffff  }
0x105: {  	v27 =	vld.idx.msk [tilespmem:v13+s11+$0x0], $0xffff  }
0x106: {  	v28 =	vld.idx.msk [tilespmem:v14+s11+$0x0], $0xffff  }
0x107: {  	v2 =	vld.idx.msk [tilespmem:v2+s11+$0x0], $0xffff  }
0x108: {  	v3 =	vld.idx.msk [tilespmem:v3+s11+$0x0], $0xffff  }
0x109: {  	v18 =	vld.idx.msk [tilespmem:v18+s11+$0x0], $0xffff  }
0x10a: {  	v29 =	vld.idx.msk [tilespmem:v15+s11+$0x0], $0xffff  }
0x10b: {  	v30 =	vld.idx.msk [tilespmem:v16+s11+$0x0], $0xffff;
	_ =	sdelay $0x1  }
0x10c: {  	v61 =	vadd.f32 v26, v25;
	v62 =	vadd.f32 v28, v27  }
0x10d: {  	v0 =	vadd.f32 v2, v0;
	v2 =	vadd.f32 v18, v3  }
0x10e: {  	v3 =	vadd.f32 v20, v19;
	v18 =	vadd.f32 v22, v21  }
0x10f: {  	v63 =	vadd.f32 v30, v29;
	v19 =	vadd.f32 v24, v23  }
0x110: {  	v0 =	vadd.f32 v2, v0;
	v2 =	vadd.f32 v18, v3  }
0x111: {  	v3 =	vadd.f32 v61, v19;
	v18 =	vadd.f32 v63, v62  }
0x112: {  	p0 =	seq.s32 s9, $0x61  }
.Ltmp4:
0x113: {  	v0 =	vadd.f32 v2, v0;
	v2 =	vadd.f32 v18, v3;
	(pc) =	sbr.rel @p0 .LBB2_8-.Ltmp4, $3  }
0x114: {  	_ = 	snop  }
0x115: {  	v0 =	vadd.f32 v2, v0;
	_ =	sdelay $0x1  }
0x116: {  	[tilespmem:s14+$0x12310] =	vst v0  }
0x117: {  	v0 =	vld [tilespmem:s14+$0x18A0]  }
0x118: {  	v2 =	vld [tilespmem:s14+$0x20]  }
0x119: {  	v3 =	vld [tilespmem:s14+$0x24E0]  }
0x11a: {  	v18 =	vld [tilespmem:s14+$0xC60];
	_ =	sdelay $0x3  }
0x11b: {  	v0 =	vadd.f32 v2, v0  }
0x11c: {  	v2 =	vadd.f32 v18, v3  }
0x11d: {  	v3 =	vtrunc.f32 v0  }
0x11e: {  	v19 =	vtrunc.f32 v2;
	v18 =	vcvt.f32.s32 v3;
	vm0 =	vlt.f32 v0, v3  }
0x11f: {  	v0 =	vcvt.f32.s32 v19;
	vm11 =	vlt.f32 v2, v19;
	v3 =	vsel vm0, $0xFFFFFFFF, v1  }
0x120: {  	v2 =	vadd.s32 v18, v3;
	v3 =	vsel vm11, $0xFFFFFFFF, v1  }
0x121: {  	v0 =	vadd.s32 v0, v3;
	vm12 =	vgt.s32 v2, $0x0  }
0x122: {  	v3 =	vadd.s32 $0x1, v2;
	v2 =	vnsel vm12, $0x0, v2;
	vm13 =	vgt.s32 v0, $0x0  }
0x123: {  	v18 =	vadd.s32 $0x1, v0;
	vm14 =	vgt.s32 v3, $0x0;
	v0 =	vnsel vm13, $0x0, v0  }
0x124: {  	v3 =	vnsel vm14, $0x0, v3;
	vm15 =	vgt.s32 v18, $0x0;
	v0 =	vmin.u32 v0, $0xDF  }
0x125: {  	v2 =	vmin.u32 v2, $0xDF;
	v18 =	vnsel vm15, $0x0, v18;
	v0 =	vmul.u32 $0xE0, v0  }
0x126: {  	v3 =	vmin.u32 v3, $0xDF;
	v2 =	vadd.s32 v17, v2;
	v18 =	vmin.u32 v18, $0xDF  }
0x127: {  	v3 =	vadd.s32 v17, v3;
	v18 =	vmul.u32 $0xE0, v18;
	v19 =	vadd.s32 v0, v2  }
0x128: {  	v0 =	vadd.s32 v0, v3;
	[tilespmem:$0x3110] =	vst v19  }
0x129: {  	v2 =	vadd.s32 v18, v2;
	[tilespmem:$0x3120] =	vst v0  }
0x12a: {  	v0 =	vadd.s32 v18, v3;
	[tilespmem:$0x3130] =	vst v2  }
0x12b: {  	s21 =	simm.s32 $0x3110;
	s22 =	simm.s32 $0x3190;
	[tilespmem:$0x3140] =	vst v0  }
0x12c: {  	[tilespmem:s22], [sflag:$0x1] =	stream.indirect.gather [hbm4b:s3+s20], $0x180, s21, s20, $0xb8;
	[tilespmem:$0x12F50] =	vst v63  }
0x12d: {  	s23 =	simm.s32 $0x3120;
	s24 =	simm.s32 $0x4990;
	s25 =	sadd.s32 $0x20, s14  }
0x12e: {  	[tilespmem:s24], [sflag:$0x1] =	stream.indirect.gather [hbm4b:s3+s20], $0x180, s23, s20, $0xb8;
	[tilespmem:$0x12F50] =	vst v63  }
0x12f: {  	s26 =	simm.s32 $0x3130;
	s21 =	sadd.s32 s4, s25;
	s23 =	simm.s32 $0x6190  }
0x130: {  	[tilespmem:s23], [sflag:$0x1] =	stream.indirect.gather [hbm4b:s3+s20], $0x180, s26, s20, $0xb8;
	[tilespmem:$0x12F50] =	vst v63  }
0x131: {  	s28 =	simm.s32 $0x3140;
	s29 =	simm.s32 $0x7990;
	s21 =	smul.u32 $0x30, s21  }
0x132: {  	[tilespmem:s29], [sflag:$0x1] =	stream.indirect.gather [hbm4b:s3+s20], $0x180, s28, s20, $0xb8;
	[tilespmem:$0x12F50] =	vst v63  }
0x133: {  	s30 =	simm.s32 $0xF190;
	s21 =	sadd.s32 s5, s21  }
0x134: {  	[tilespmem:s30], [sflag:$0x3] =	stream.linear.gather [hbm4b:s21+s2], $0x1800, $0x38;
	[tilespmem:$0x12F50] =	vst v63  }
.LBB2_8:
0x135: {  	_ =	swait.ge [sflag:s12], $0x1800  }
0x136: {  	[sflag:s12] =	ssyncset.done $0x0  }
0x137: {  	[sflag:s12] =	ssyncadd.s32 $0xFFFFE800  }
0x138: {  	_ =	swait.ge [sflag:s12], $0x1800  }
0x139: {  	[sflag:s12] =	ssyncset.done $0x0  }
0x13a: {  	[sflag:s12] =	ssyncadd.s32 $0xFFFFE800  }
0x13b: {  	_ =	swait.ge [sflag:s12], $0x1800  }
0x13c: {  	[sflag:s12] =	ssyncset.done $0x0  }
0x13d: {  	[sflag:s12] =	ssyncadd.s32 $0xFFFFE800  }
0x13e: {  	_ =	swait.ge [sflag:s12], $0x1800  }
0x13f: {  	[sflag:s12] =	ssyncset.done $0x0  }
0x140: {  	[sflag:s12] =	ssyncadd.s32 $0xFFFFE800  }
0x141: {  	_ =	swait.ge [sflag:s13], $0x1800  }
0x142: {  	[sflag:s13] =	ssyncset.done $0x0  }
0x143: {  	[sflag:s13] =	ssyncadd.s32 $0xFFFFE800  }
0x144: {  	s21 =	sor.u32 $0x10, s14;
	v0 =	vld [tilespmem:s14+$0x1890]  }
0x145: {  	v2 =	vld [tilespmem:s21+$0x0]  }
0x146: {  	v3 =	vld [tilespmem:s14+$0x24D0]  }
0x147: {  	v18 =	vld [tilespmem:s14+$0xC50];
	_ =	sdelay $0x2  }
0x148: {  	v0 =	vadd.f32 v2, v0;
	_ =	sdelay $0x1  }
0x149: {  	v2 =	vadd.f32 v18, v3;
	v3 =	vtrunc.f32 v0  }
0x14a: {  	v18 =	vcvt.f32.s32 v3;
	vm0 =	vlt.f32 v0, v3  }
0x14b: {  	v3 =	vtrunc.f32 v2;
	v19 =	vsel vm0, $0xFFFFFFFF, v1  }
0x14c: {  	v20 =	vcvt.f32.s32 v3;
	vm12 =	vlt.f32 v2, v3;
	v18 =	vadd.s32 v18, v19  }
0x14d: {  	v3 =	vsel vm12, $0xFFFFFFFF, v1;
	v19 =	vcvt.s32.f32 v18  }
0x14e: {  	v3 =	vadd.s32 v20, v3  }
0x14f: {  	v0 =	vsub.f32 v0, v19;
	v19 =	vcvt.s32.f32 v3;
	_ =	sdelay $0x1  }
0x150: {  	v2 =	vsub.f32 v2, v19  }
0x151: {  	vm13 =	vlt.u32 v18, $0xE0;
	v18 =	vadd.s32 $0x1, v18;
	vm1 =	vlt.u32 v3, $0xE0  }
0x152: {  	v3 =	vadd.s32 $0x1, v3;
	v19 =	vsub.f32 $1.000000000e+00, v0;
	v20 =	vsub.f32 $1.000000000e+00, v2  }
0x153: {  	vm14 =	vlt.u32 v18, $0xE0;
	vm15 =	vlt.u32 v3, $0xE0  }
0x154: {  	v21 =	vnsel vm13, $0x0, v19;
	v2 =	vnsel vm15, $0x0, v2;
	v19 =	vnsel vm1, $0x0, v20  }
0x155: {  	s22 =	simm.s32 $0x0;
	s23 =	simm.s32 $0x91D0;
	s24 =	simm.s32 $0xAA00;
	v0 =	vnsel vm14, $0x0, v0;
	v20 =	vmul.f32 v2, v21;
	v18 =	vmul.f32 v19, v21  }
0x156: {  	v22 =	vimm.s32 $0x0;
	s25 =	simm.s32 $0xC200;
	s26 =	simm.s32 $0xDA00;
	s28 =	simm.s32 $0x10A00;
	v19 =	vmul.f32 v19, v0;
	v21 =	vmul.f32 v2, v0  }
.LBB2_9:
0x157: {  	v27 =	vmov s23  }
0x158: {  	v28 =	vmov s24  }
0x159: {  	v26 =	vmov s25  }
0x15a: {  	v23 =	vmov s26  }
0x15b: {  	s29 =	simm.s32 $0x0  }
0x15c: {  	v0 =	vld.idx.msk [tilespmem:v27+s29+$0x20 ss:$0x1], $0xffff  }
0x15d: {  	v2 =	vld.idx.msk [tilespmem:v28+s29+$0xFFFFFFF0 ss:$0x1], $0xffff  }
0x15e: {  	v3 =	vld.idx.msk [tilespmem:v26+s29+$0xFFFFFFF0 ss:$0x1], $0xffff  }
0x15f: {  	v29 =	vld.idx.msk [tilespmem:v23+s29+$0xFFFFFFF0 ss:$0x1], $0xffff  }
0x160: {  	v32 =	vld.idx.msk [tilespmem:v27+s29+$0x30 ss:$0x1], $0xffff  }
0x161: {  	v33 =	vld.idx.msk [tilespmem:v28+s29+$0x0 ss:$0x1], $0xffff  }
0x162: {  	v36 =	vld.idx.msk [tilespmem:v26+s29+$0x0 ss:$0x1], $0xffff  }
0x163: {  	v40 =	vld.idx.msk [tilespmem:v23+s29+$0x0 ss:$0x1], $0xffff  }
0x164: {  	v42 =	vld.idx.msk [tilespmem:v27+s29+$0x0 ss:$0x1], $0xffff  }
0x165: {  	v44 =	vld.idx.msk [tilespmem:v28+s29+$0xFFFFFFD0 ss:$0x1], $0xffff  }
0x166: {  	v45 =	vld.idx.msk [tilespmem:v26+s29+$0xFFFFFFD0 ss:$0x1], $0xffff  }
0x167: {  	v46 =	vld.idx.msk [tilespmem:v23+s29+$0xFFFFFFD0 ss:$0x1], $0xffff  }
0x168: {  	v47 =	vld.idx.msk [tilespmem:v27+s29+$0x10 ss:$0x1], $0xffff  }
0x169: {  	v50 =	vld.idx.msk [tilespmem:v28+s29+$0xFFFFFFE0 ss:$0x1], $0xffff  }
0x16a: {  	v51 =	vld.idx.msk [tilespmem:v27+s29+$0xFFFFFFE0 ss:$0x1], $0xffff  }
0x16b: {  	v54 =	vld.idx.msk [tilespmem:v28+s29+$0xFFFFFFB0 ss:$0x1], $0xffff  }
0x16c: {  	v31 =	vperm.xlane v18, v22;
	v58 =	vld.idx.msk [tilespmem:v26+s29+$0xFFFFFFB0 ss:$0x1], $0xffff  }
0x16d: {  	v25 =	vperm.xlane v20, v22;
	v30 =	vperm.xlane v19, v22;
	v62 =	vld.idx.msk [tilespmem:v23+s29+$0xFFFFFFB0 ss:$0x1], $0xffff  }
0x16e: {  	v24 =	vperm.xlane v21, v22;
	v63 =	vld.idx.msk [tilespmem:v27+s29+$0xFFFFFFF0 ss:$0x1], $0xffff;
	v34 =	vmul.f32 v0, v31  }
0x16f: {  	v49 =	vld.idx.msk [tilespmem:v28+s29+$0xFFFFFFC0 ss:$0x1], $0xffff;
	v37 =	vmul.f32 v2, v30;
	v35 =	vmul.f32 v3, v25  }
0x170: {  	v53 =	vld.idx.msk [tilespmem:v26+s29+$0xFFFFFFC0 ss:$0x1], $0xffff;
	v38 =	vmul.f32 v29, v24;
	v39 =	vmul.f32 v32, v31  }
0x171: {  	v55 =	vld.idx.msk [tilespmem:v27+s29+$0xFFFFFFC0 ss:$0x1], $0xffff;
	v41 =	vmul.f32 v33, v30;
	v36 =	vmul.f32 v36, v25  }
0x172: {  	v56 =	vld.idx.msk [tilespmem:v28+s29+$0xFFFFFF90 ss:$0x1], $0xffff;
	v43 =	vmul.f32 v42, v31;
	v42 =	vmul.f32 v40, v24  }
0x173: {  	v57 =	vld.idx.msk [tilespmem:v26+s29+$0xFFFFFF90 ss:$0x1], $0xffff;
	v48 =	vmul.f32 v44, v30;
	v44 =	vmul.f32 v45, v25  }
0x174: {  	v59 =	vld.idx.msk [tilespmem:v23+s29+$0xFFFFFF90 ss:$0x1], $0xffff;
	v46 =	vmul.f32 v46, v24;
	v47 =	vmul.f32 v47, v31  }
0x175: {  	v61 =	vld.idx.msk [tilespmem:v27+s29+$0xFFFFFFD0 ss:$0x1], $0xffff;
	v32 =	vimm.f32 $0.0e+00;
	v45 =	vmul.f32 v51, v31;
	v52 =	vmul.f32 v50, v30  }
0x176: {  	v60 =	vld.idx.msk [tilespmem:v28+s29+$0xFFFFFFA0 ss:$0x1], $0xffff;
	v29 =	vmov s28;
	v50 =	vmul.f32 v54, v30;
	v51 =	vmul.f32 v58, v25  }
0x177: {  	s30 =	simm.s32 $0x200;
	v58 =	vld.idx.msk [tilespmem:v26+s29+$0xFFFFFFA0 ss:$0x1], $0xffff;
	v54 =	vmul.f32 v62, v24;
	v40 =	vmul.f32 v63, v31;
	v33 =	vimm.f32 $0.0e+00  }
.LBB2_10:
0x178: {  	p1 =	sne.s32 s30, $0x400;
	v0 =	vld.idx.msk [tilespmem:v23+s29+$0xFFFFFFA0 ss:$0x1], $0xffff;
	v2 =	vmul.f32 v49, v30;
	v3 =	vmul.f32 v53, v25  }
0x179: {  	v49 =	vmul.f32 v55, v31;
	v53 =	vmul.f32 v56, v30;
	v55 =	vld.idx.msk [tilespmem:v23+s29+$0xFFFFFFC0 ss:$0x1], $0xffff  }
0x17a: {  	v56 =	vmul.f32 v57, v25;
	v34 =	vadd.f32 v37, v34;
	v57 =	vmul.f32 v59, v24;
	v59 =	vld.idx.msk [tilespmem:v26+s29+$0xFFFFFFE0 ss:$0x1], $0xffff  }
0x17b: {  	v35 =	vadd.f32 v38, v35;
	v38 =	vadd.f32 v41, v39;
	v37 =	vmul.f32 v61, v31;
	v61 =	vld.idx.msk [tilespmem:v23+s29+$0xFFFFFFE0 ss:$0x1], $0xffff  }
0x17c: {  	v41 =	vadd.f32 v48, v43;
	v36 =	vadd.f32 v42, v36;
	v39 =	vmul.f32 v60, v30;
	v43 =	vld.idx.msk [tilespmem:v29+s29+$0xFFFFFFF0 ss:$0x1], $0xffff  }
0x17d: {  	v44 =	vadd.f32 v46, v44;
	v46 =	vadd.f32 v52, v47;
	v48 =	vmul.f32 v58, v25;
	v42 =	vld.idx.msk [tilespmem:v29+s29+$0xFFFFFF90 ss:$0x1], $0xffff  }
0x17e: {  	v45 =	vadd.f32 v50, v45;
	v50 =	vadd.f32 v54, v51;
	v0 =	vmul.f32 v0, v24;
	v47 =	vld.idx.msk [tilespmem:v29+s29+$0xFFFFFFA0 ss:$0x1], $0xffff  }
0x17f: {  	v49 =	vadd.f32 v53, v49;
	v51 =	vadd.f32 v57, v56;
	v53 =	vmul.f32 v55, v24;
	v52 =	vld.idx.msk [tilespmem:v29+s29+$0xFFFFFFB0 ss:$0x1], $0xffff  }
0x180: {  	v37 =	vadd.f32 v39, v37;
	v0 =	vadd.f32 v0, v48;
	v48 =	vmul.f32 v59, v25;
	v39 =	vld.idx.msk [tilespmem:v29+s29+$0xFFFFFFC0 ss:$0x1], $0xffff  }
0x181: {  	v2 =	vadd.f32 v2, v40;
	v3 =	vadd.f32 v53, v3;
	v53 =	vmul.f32 v61, v24;
	v40 =	vld.idx.msk [tilespmem:v29+s29+$0xFFFFFFD0 ss:$0x1], $0xffff  }
0x182: {  	v49 =	vadd.f32 v51, v49;
	v0 =	vadd.f32 v0, v37;
	v37 =	vld.idx.msk [tilespmem:v29+s29+$0xFFFFFFE0 ss:$0x1], $0xffff  }
0x183: {  	v45 =	vadd.f32 v50, v45;
	v48 =	vadd.f32 v53, v48;
	v50 =	vld.idx.msk [tilespmem:v29+s29+$0x0 ss:$0x1], $0xffff;
	s29 =	sshra.s32 s30, $0x2  }
0x184: {  	v42 =	vmul.f32 v49, v42;
	v2 =	vadd.f32 v3, v2;
	v0 =	vmul.f32 v0, v47;
	v51 =	vld.idx.msk [tilespmem:v27+s29+$0x20 ss:$0x1], $0xffff  }
0x185: {  	v41 =	vadd.f32 v44, v41;
	v45 =	vmul.f32 v45, v52;
	v44 =	vadd.f32 v48, v46;
	v3 =	vld.idx.msk [tilespmem:v28+s29+$0xFFFFFFF0 ss:$0x1], $0xffff  }
0x186: {  	v32 =	vadd.f32 v42, v32;
	v0 =	vadd.f32 v0, v33;
	v2 =	vmul.f32 v2, v39;
	v46 =	vld.idx.msk [tilespmem:v26+s29+$0xFFFFFFF0 ss:$0x1], $0xffff  }
0x187: {  	v34 =	vadd.f32 v35, v34;
	v35 =	vadd.f32 v36, v38;
	v33 =	vmul.f32 v41, v40;
	v39 =	vld.idx.msk [tilespmem:v23+s29+$0xFFFFFFF0 ss:$0x1], $0xffff  }
0x188: {  	v32 =	vadd.f32 v45, v32;
	v0 =	vadd.f32 v2, v0;
	v2 =	vmul.f32 v44, v37;
	v36 =	vld.idx.msk [tilespmem:v27+s29+$0x30 ss:$0x1], $0xffff  }
0x189: {  	v34 =	vmul.f32 v34, v43;
	v40 =	vld.idx.msk [tilespmem:v28+s29+$0x0 ss:$0x1], $0xffff  }
0x18a: {  	v32 =	vadd.f32 v33, v32;
	v0 =	vadd.f32 v2, v0;
	v2 =	vmul.f32 v35, v50;
	v42 =	vld.idx.msk [tilespmem:v26+s29+$0x0 ss:$0x1], $0xffff  }
0x18b: {  	v44 =	vld.idx.msk [tilespmem:v23+s29+$0x0 ss:$0x1], $0xffff  }
0x18c: {  	v32 =	vadd.f32 v34, v32;
	v33 =	vadd.f32 v2, v0;
	v43 =	vld.idx.msk [tilespmem:v27+s29+$0x0 ss:$0x1], $0xffff  }
0x18d: {  	v0 =	vld.idx.msk [tilespmem:v28+s29+$0xFFFFFFD0 ss:$0x1], $0xffff  }
0x18e: {  	v2 =	vld.idx.msk [tilespmem:v26+s29+$0xFFFFFFD0 ss:$0x1], $0xffff  }
0x18f: {  	v45 =	vld.idx.msk [tilespmem:v23+s29+$0xFFFFFFD0 ss:$0x1], $0xffff  }
0x190: {  	v47 =	vld.idx.msk [tilespmem:v27+s29+$0x10 ss:$0x1], $0xffff  }
0x191: {  	v50 =	vld.idx.msk [tilespmem:v28+s29+$0xFFFFFFE0 ss:$0x1], $0xffff  }
0x192: {  	v52 =	vld.idx.msk [tilespmem:v27+s29+$0xFFFFFFE0 ss:$0x1], $0xffff  }
0x193: {  	v54 =	vld.idx.msk [tilespmem:v28+s29+$0xFFFFFFB0 ss:$0x1], $0xffff  }
0x194: {  	v58 =	vld.idx.msk [tilespmem:v26+s29+$0xFFFFFFB0 ss:$0x1], $0xffff  }
0x195: {  	v62 =	vld.idx.msk [tilespmem:v23+s29+$0xFFFFFFB0 ss:$0x1], $0xffff  }
0x196: {  	v34 =	vmul.f32 v51, v31;
	v63 =	vld.idx.msk [tilespmem:v27+s29+$0xFFFFFFF0 ss:$0x1], $0xffff  }
0x197: {  	v37 =	vmul.f32 v3, v30;
	v35 =	vmul.f32 v46, v25;
	v49 =	vld.idx.msk [tilespmem:v28+s29+$0xFFFFFFC0 ss:$0x1], $0xffff  }
0x198: {  	v38 =	vmul.f32 v39, v24;
	v39 =	vmul.f32 v36, v31;
	v53 =	vld.idx.msk [tilespmem:v26+s29+$0xFFFFFFC0 ss:$0x1], $0xffff  }
0x199: {  	v41 =	vmul.f32 v40, v30;
	v36 =	vmul.f32 v42, v25;
	v55 =	vld.idx.msk [tilespmem:v27+s29+$0xFFFFFFC0 ss:$0x1], $0xffff  }
0x19a: {  	v42 =	vmul.f32 v44, v24;
	v43 =	vmul.f32 v43, v31;
	v56 =	vld.idx.msk [tilespmem:v28+s29+$0xFFFFFF90 ss:$0x1], $0xffff  }
.Ltmp5:
0x19b: {  	v48 =	vmul.f32 v0, v30;
	v44 =	vmul.f32 v2, v25;
	v57 =	vld.idx.msk [tilespmem:v26+s29+$0xFFFFFF90 ss:$0x1], $0xffff;
	(pc) =	sbr.rel @p1 .LBB2_10-.Ltmp5, $4  }
0x19c: {  	v46 =	vmul.f32 v45, v24;
	v47 =	vmul.f32 v47, v31;
	v59 =	vld.idx.msk [tilespmem:v23+s29+$0xFFFFFF90 ss:$0x1], $0xffff  }
0x19d: {  	v45 =	vmul.f32 v52, v31;
	v52 =	vmul.f32 v50, v30;
	v61 =	vld.idx.msk [tilespmem:v27+s29+$0xFFFFFFD0 ss:$0x1], $0xffff  }
0x19e: {  	v50 =	vmul.f32 v54, v30;
	v51 =	vmul.f32 v58, v25;
	v60 =	vld.idx.msk [tilespmem:v28+s29+$0xFFFFFFA0 ss:$0x1], $0xffff  }
0x19f: {  	s30 =	sadd.s32 $0x200, s30;
	v54 =	vmul.f32 v62, v24;
	v40 =	vmul.f32 v63, v31;
	v58 =	vld.idx.msk [tilespmem:v26+s29+$0xFFFFFFA0 ss:$0x1], $0xffff  }
0x1a0: {  	_ =	sdelay $0x2  }
0x1a1: {  	v0 =	vmul.f32 v49, v30  }
0x1a2: {  	v2 =	vmul.f32 v53, v25;
	v3 =	vld.idx.msk [tilespmem:v23+s29+$0xFFFFFFA0 ss:$0x1], $0xffff;
	v27 =	vmul.f32 v55, v31  }
0x1a3: {  	v28 =	vmul.f32 v56, v30;
	v34 =	vadd.f32 v37, v34;
	v35 =	vadd.f32 v38, v35  }
0x1a4: {  	v49 =	vld.idx.msk [tilespmem:v23+s29+$0xFFFFFFC0 ss:$0x1], $0xffff;
	v53 =	vmul.f32 v57, v25;
	v37 =	vadd.f32 v41, v39;
	v38 =	vadd.f32 v48, v43  }
0x1a5: {  	v26 =	vld.idx.msk [tilespmem:v26+s29+$0xFFFFFFE0 ss:$0x1], $0xffff;
	v36 =	vadd.f32 v42, v36;
	v42 =	vadd.f32 v52, v47;
	v63 =	vmul.f32 v59, v24  }
0x1a6: {  	v23 =	vld.idx.msk [tilespmem:v23+s29+$0xFFFFFFE0 ss:$0x1], $0xffff;
	v56 =	vmul.f32 v61, v31;
	v61 =	vadd.f32 v54, v51;
	v57 =	vmul.f32 v60, v30  }
0x1a7: {  	v43 =	vld.idx.msk [tilespmem:v29+s29+$0xFFFFFF90 ss:$0x1], $0xffff;
	v27 =	vadd.f32 v28, v27;
	v59 =	vmul.f32 v58, v25;
	v3 =	vmul.f32 v3, v24  }
0x1a8: {  	v62 =	vld.idx.msk [tilespmem:v29+s29+$0xFFFFFFA0 ss:$0x1], $0xffff;
	v0 =	vadd.f32 v0, v40;
	v63 =	vadd.f32 v63, v53  }
0x1a9: {  	v53 =	vld.idx.msk [tilespmem:v29+s29+$0xFFFFFFB0 ss:$0x1], $0xffff;
	v52 =	vmul.f32 v49, v24;
	v30 =	vadd.f32 v57, v56;
	v3 =	vadd.f32 v3, v59  }
0x1aa: {  	v55 =	vld.idx.msk [tilespmem:v29+s29+$0xFFFFFFC0 ss:$0x1], $0xffff;
	v60 =	vadd.f32 v50, v45;
	v54 =	vmul.f32 v26, v25;
	v27 =	vadd.f32 v63, v27  }
0x1ab: {  	v23 =	vmul.f32 v23, v24;
	v56 =	vld.idx.msk [tilespmem:v29+s29+$0xFFFFFFD0 ss:$0x1], $0xffff;
	v2 =	vadd.f32 v52, v2;
	v3 =	vadd.f32 v3, v30  }
0x1ac: {  	v41 =	vadd.f32 v46, v44;
	v57 =	vld.idx.msk [tilespmem:v29+s29+$0xFFFFFFE0 ss:$0x1], $0xffff;
	v58 =	vadd.f32 v61, v60;
	v27 =	vmul.f32 v27, v43  }
0x1ad: {  	v23 =	vadd.f32 v23, v54;
	v59 =	vld.idx.msk [tilespmem:v29+s29+$0xFFFFFFF0 ss:$0x1], $0xffff;
	v0 =	vadd.f32 v2, v0;
	v3 =	vmul.f32 v3, v62  }
0x1ae: {  	v61 =	vadd.f32 v41, v38;
	v60 =	vmul.f32 v58, v53;
	v2 =	vld.idx.msk [tilespmem:v29+s29+$0x0 ss:$0x1], $0xffff;
	v27 =	vadd.f32 v27, v32  }
0x1af: {  	v23 =	vadd.f32 v23, v42;
	v0 =	vmul.f32 v0, v55;
	v3 =	vadd.f32 v3, v33  }
0x1b0: {  	v63 =	vadd.f32 v36, v37;
	v24 =	vmul.f32 v61, v56;
	v27 =	vadd.f32 v60, v27  }
0x1b1: {  	v62 =	vadd.f32 v35, v34;
	v0 =	vadd.f32 v0, v3;
	v3 =	vmul.f32 v23, v57  }
0x1b2: {  	v24 =	vadd.f32 v24, v27  }
0x1b3: {  	s30 =	smul.u32 $0x60, s22;
	s22 =	sadd.s32 $0x1, s22;
	v2 =	vmul.f32 v63, v2;
	v23 =	vmul.f32 v62, v59;
	v0 =	vadd.f32 v3, v0  }
0x1b4: {  	p1 =	sne.s32 s22, $0x10  }
.Ltmp6:
0x1b5: {  	v3 =	vadd.f32 v23, v24;
	v0 =	vadd.f32 v2, v0;
	(pc) =	sbr.rel @p1 .LBB2_9-.Ltmp6, $4  }
0x1b6: {  	_ = 	snop  }
0x1b7: {  	v0 =	vadd.f32 v0, v3  }
0x1b8: {  	s23 =	sadd.s32 $0x180, s23;
	s24 =	sadd.s32 $0x180, s24;
	s29 =	sshra.s32 s30, $0x2  }
0x1b9: {  	v22 =	vadd.s32 $0x1, v22;
	s25 =	sadd.s32 $0x180, s25;
	s26 =	sadd.s32 $0x180, s26;
	s28 =	sadd.s32 $0x180, s28;
	[tilespmem:s29+$0x12190] =	vst v0  }
0x1ba: {  	_ =	sdelay $0x3  }
0x1bb: {  	v0 =	vld.idx.msk [tilespmem:v4+s11+$0x0], $0xffff  }
0x1bc: {  	v2 =	vld [tilespmem:$0x1FFD0]  }
0x1bd: {  	v3 =	vld [tilespmem:$0x1FFE0]  }
0x1be: {  	v18 =	vld [tilespmem:$0x1FFF0]  }
0x1bf: {  	v19 =	vld.idx.msk [tilespmem:v5+s11+$0x0], $0xffff  }
0x1c0: {  	v20 =	vld.idx.msk [tilespmem:v6+s11+$0x0], $0xffff  }
0x1c1: {  	v21 =	vld.idx.msk [tilespmem:v7+s11+$0x0], $0xffff  }
0x1c2: {  	v22 =	vld.idx.msk [tilespmem:v8+s11+$0x0], $0xffff  }
0x1c3: {  	v23 =	vld.idx.msk [tilespmem:v9+s11+$0x0], $0xffff  }
0x1c4: {  	v24 =	vld.idx.msk [tilespmem:v10+s11+$0x0], $0xffff  }
0x1c5: {  	v25 =	vld.idx.msk [tilespmem:v11+s11+$0x0], $0xffff  }
0x1c6: {  	v26 =	vld.idx.msk [tilespmem:v12+s11+$0x0], $0xffff  }
0x1c7: {  	v27 =	vld.idx.msk [tilespmem:v13+s11+$0x0], $0xffff  }
0x1c8: {  	v28 =	vld.idx.msk [tilespmem:v14+s11+$0x0], $0xffff  }
0x1c9: {  	v2 =	vld.idx.msk [tilespmem:v2+s11+$0x0], $0xffff  }
0x1ca: {  	v3 =	vld.idx.msk [tilespmem:v3+s11+$0x0], $0xffff  }
0x1cb: {  	v18 =	vld.idx.msk [tilespmem:v18+s11+$0x0], $0xffff  }
0x1cc: {  	v29 =	vld.idx.msk [tilespmem:v15+s11+$0x0], $0xffff  }
0x1cd: {  	v30 =	vld.idx.msk [tilespmem:v16+s11+$0x0], $0xffff;
	_ =	sdelay $0x1  }
0x1ce: {  	v61 =	vadd.f32 v26, v25;
	v62 =	vadd.f32 v28, v27  }
0x1cf: {  	v0 =	vadd.f32 v2, v0;
	v2 =	vadd.f32 v18, v3  }
0x1d0: {  	v3 =	vadd.f32 v20, v19;
	v18 =	vadd.f32 v22, v21  }
0x1d1: {  	v63 =	vadd.f32 v30, v29;
	v19 =	vadd.f32 v24, v23  }
0x1d2: {  	v0 =	vadd.f32 v2, v0;
	v2 =	vadd.f32 v18, v3  }
0x1d3: {  	v3 =	vadd.f32 v61, v19;
	v18 =	vadd.f32 v63, v62;
	_ =	sdelay $0x1  }
.Ltmp7:
0x1d4: {  	v0 =	vadd.f32 v2, v0;
	v2 =	vadd.f32 v18, v3;
	(pc) =	sbr.rel @p0 .LBB2_14-.Ltmp7, $3  }
0x1d5: {  	_ = 	snop  }
0x1d6: {  	v0 =	vadd.f32 v2, v0;
	_ =	sdelay $0x1  }
0x1d7: {  	[tilespmem:s21+$0x12310] =	vst v0  }
0x1d8: {  	v0 =	vld [tilespmem:s14+$0x18B0]  }
0x1d9: {  	v2 =	vld [tilespmem:s14+$0x30]  }
0x1da: {  	v3 =	vld [tilespmem:s14+$0x24F0]  }
0x1db: {  	v18 =	vld [tilespmem:s14+$0xC70];
	_ =	sdelay $0x3  }
0x1dc: {  	v0 =	vadd.f32 v2, v0  }
0x1dd: {  	v2 =	vadd.f32 v18, v3  }
0x1de: {  	v3 =	vtrunc.f32 v0  }
0x1df: {  	v19 =	vtrunc.f32 v2;
	v18 =	vcvt.f32.s32 v3;
	vm0 =	vlt.f32 v0, v3  }
0x1e0: {  	v0 =	vcvt.f32.s32 v19;
	vm11 =	vlt.f32 v2, v19;
	v3 =	vsel vm0, $0xFFFFFFFF, v1  }
0x1e1: {  	v2 =	vadd.s32 v18, v3;
	v3 =	vsel vm11, $0xFFFFFFFF, v1  }
0x1e2: {  	v0 =	vadd.s32 v0, v3;
	vm12 =	vgt.s32 v2, $0x0  }
0x1e3: {  	v3 =	vadd.s32 $0x1, v2;
	v2 =	vnsel vm12, $0x0, v2;
	vm13 =	vgt.s32 v0, $0x0  }
0x1e4: {  	v18 =	vadd.s32 $0x1, v0;
	vm14 =	vgt.s32 v3, $0x0;
	v0 =	vnsel vm13, $0x0, v0  }
0x1e5: {  	v3 =	vnsel vm14, $0x0, v3;
	vm15 =	vgt.s32 v18, $0x0;
	v0 =	vmin.u32 v0, $0xDF  }
0x1e6: {  	v2 =	vmin.u32 v2, $0xDF;
	v18 =	vnsel vm15, $0x0, v18;
	v0 =	vmul.u32 $0xE0, v0  }
0x1e7: {  	v3 =	vmin.u32 v3, $0xDF;
	v2 =	vadd.s32 v17, v2;
	v18 =	vmin.u32 v18, $0xDF  }
0x1e8: {  	v3 =	vadd.s32 v17, v3;
	v18 =	vmul.u32 $0xE0, v18;
	v19 =	vadd.s32 v0, v2  }
0x1e9: {  	v0 =	vadd.s32 v0, v3;
	[tilespmem:$0x3150] =	vst v19  }
0x1ea: {  	v2 =	vadd.s32 v18, v2;
	[tilespmem:$0x3160] =	vst v0  }
0x1eb: {  	v0 =	vadd.s32 v18, v3;
	[tilespmem:$0x3170] =	vst v2  }
0x1ec: {  	[tilespmem:$0x3180] =	vst v0  }
0x1ed: {  	[tilespmem:s0], [sflag:$0x2] =	stream.indirect.gather [hbm4b:s3+s20], $0x180, s31, s20, $0xb8;
	[tilespmem:$0x12F50] =	vst v63  }
0x1ee: {  	_ = 	snop  }
0x1ef: {  	[tilespmem:s16], [sflag:$0x2] =	stream.indirect.gather [hbm4b:s3+s20], $0x180, s1, s20, $0xb8;
	[tilespmem:$0x12F50] =	vst v63  }
0x1f0: {  	s30 =	sadd.s32 $0x30, s14  }
0x1f1: {  	[tilespmem:s18], [sflag:$0x2] =	stream.indirect.gather [hbm4b:s3+s20], $0x180, s17, s20, $0xb8;
	[tilespmem:$0x12F50] =	vst v63  }
.Ltmp8:
0x1f2: {  	s14 =	sadd.s32 s4, s30;
	(pc) =	sbr.rel .LBB2_2-.Ltmp8, $4  }
0x1f3: {  	s14 =	smul.u32 $0x30, s14  }
0x1f4: {  	[tilespmem:s6], [sflag:$0x2] =	stream.indirect.gather [hbm4b:s3+s20], $0x180, s19, s20, $0xb8;
	[tilespmem:$0x12F50] =	vst v63  }
0x1f5: {  	s9 =	sadd.s32 $0x1, s9;
	s14 =	sadd.s32 s5, s14  }
0x1f6: {  	[tilespmem:s7], [sflag:$0x4] =	stream.linear.gather [hbm4b:s14+s2], $0x1800, $0x38;
	[tilespmem:$0x12F50] =	vst v63  }
.LBB2_15:
0x1f7: {  	_ =	sfence.sel $0x180000  }
0x1f8: {  	[bflag:$0x0] =	sbarrier.arrive $0xFFFF  }
0x1f9: {  	_ =	strace $0x90000047  }
0x1fa: {  	s0 =	stileid.u32;
	[bflag:$0x2] =	sbarrier.arrive $0xFFFF  }
0x1fb: {  	p0 =	sne.s32 s0, $0x0;
	s0 =	rddreg [dreg:$0x1]  }
0x1fc: {  	s0 =	sadd.s32 @!p0 $0x100000, s0  }
0x1fd: {  	[sflag:s0] =	ssyncadd.tile.s32 @!p0 $0x1;
	_ =	shalt  }
.Lfunc_end2:
_tile_overlayer_lowered:
.L_overlay_start_2:
0x1fe: {  	(tag) =	ssettag $0x2  }
0x1ff: {  	s0 =	rddreg [dreg:$0x0];
	s2 =	stileid.u32  }
0x200: {  	s1 =	rddreg [dreg:$0x1];
	p0 =	sne.s32 s2, $0x0  }
0x201: {  	s3 =	rddreg [dreg:$0x2];
	[bflag:$0x3] =	sbarrier.arrive $0xFFFF;
	s2 =	simm.s32 @!p0 $0x1C05  }
0x202: {  	[timem:s3], [sflag:s2] =	dma.local @!p0 [hbm:s0], s1  }
0x203: {  	s0 =	simm.s32 @!p0 $0x5  }
0x204: {  	_ =	swait.ge @!p0 [sflag:s0], s1  }
0x205: {  	s1 =	ssub.s32 @!p0 $0x0, s1;
	[sflag:s0] =	ssyncset.done @!p0 $0x0  }
0x206: {  	[sflag:s0] =	ssyncadd.s32 @!p0 s1  }
0x207: {  	[bflag:$0x3] =	sbarrier.arrive $0xFFFF  }
0x208: {  	_ =	shalt  }

</sc_bundles>
